<compile_context>
chip_gen: v7x
topology: tpu7x:2x2x1
jax: 0.10.2.dev20260603
libtpu: 0.0.44.dev20260713+nightly
codegen_flags: <defaults>
</compile_context>

<pallas_src>
import functools

import jax
import jax.numpy as jnp
from jax import lax
from jax.experimental import pallas as pl
from jax.experimental.pallas import tpu as pltpu
from jax.experimental.pallas import tpu_sc as plsc

N = 10000
E = 320000
D = 128
R = 8
RN = R * N

NC = 2
NS = 16
NW = NC * NS
EPW = E // NW
C = 80
ROWS = E // C
RPW = ROWS // NW
OC = 25
NOUT = RPW // OC
APW = N // NS
CPW = RN // NS

_mesh = plsc.VectorSubcoreMesh(
    core_axis_name="c", subcore_axis_name="s", num_cores=NC, num_subcores=NS
)


def _wid():
    return lax.axis_index("s") * NC + lax.axis_index("c")


RPT = ROWS // NS

@functools.partial(
    pl.kernel,
    out_type=(
        jax.ShapeDtypeStruct((ROWS, C), jnp.float32),
        jax.ShapeDtypeStruct((ROWS, C), jnp.int32),
    ),
    mesh=_mesh,
    compiler_params=pltpu.CompilerParams(use_tc_tiling_on_sc=False, needs_layout_passes=False),
    scratch_types=[
        pltpu.VMEM_SHARED((RN,), jnp.float32),
        pltpu.VMEM((RN,), jnp.float32),
        pltpu.VMEM((OC, C), jnp.int32),
        pltpu.VMEM((OC, C), jnp.int32),
        pltpu.VMEM((OC, C), jnp.int32),
        pltpu.VMEM((OC, C), jnp.int32),
        pltpu.VMEM((OC, C), jnp.int32),
        pltpu.VMEM((OC, C), jnp.float32),
        pltpu.VMEM((C,), jnp.float32),
        pltpu.VMEM((5008,), jnp.float32),
        pltpu.SemaphoreType.DMA,
    ],
)
def _sc_prep(et_hbm, dst_hbm, src_hbm, s_hbm, zidx_hbm,
             cnt_sh, cnt_v, et_v, dst_v, src_v, cidx_v, zidx_v, s_v,
             ones_v, zero_v, cnt_sem):
    sid = lax.axis_index("s")
    wid = _wid()

    for m in range(C // 16):
        ones_v[pl.ds(m * 16, 16)] = jnp.full((16,), 1.0, jnp.float32)

    def fill16(i, _):
        zero_v[pl.ds(i * 16, 16)] = jnp.zeros((16,), jnp.float32)
        return 0

    lax.fori_loop(0, 5008 // 16, fill16, 0)
    pltpu.sync_copy(zero_v.at[pl.ds(0, CPW)], cnt_sh.at[pl.ds(sid * CPW, CPW)])
    plsc.subcore_barrier()

    def count_outer(ob, _):
        row0 = sid * RPT + ob * OC
        pltpu.sync_copy(et_hbm.at[pl.ds(row0, OC)], et_v)
        pltpu.sync_copy(dst_hbm.at[pl.ds(row0, OC)], dst_v)

        def compute(j, _):
            for m in range(C // 16):
                sl = pl.ds(m * 16, 16)
                cidx_v[j, sl] = et_v[j, sl] * N + dst_v[j, sl]
            return 0

        lax.fori_loop(0, OC, compute, 0)

        def scatter(j, _):
            pltpu.sync_copy(ones_v, cnt_sh.at[cidx_v.at[j]], add=True)
            return 0

        lax.fori_loop(0, OC, scatter, 0)
        return 0

    lax.fori_loop(0, RPT // OC, count_outer, 0)
    plsc.subcore_barrier()
    pltpu.sync_copy(cnt_sh, cnt_v)

    def outer(ob, _):
        row0 = wid * RPW + ob * OC
        pltpu.sync_copy(et_hbm.at[pl.ds(row0, OC)], et_v)
        pltpu.sync_copy(dst_hbm.at[pl.ds(row0, OC)], dst_v)
        pltpu.sync_copy(src_hbm.at[pl.ds(row0, OC)], src_v)

        def compute(j, _):
            for m in range(C // 16):
                sl = pl.ds(m * 16, 16)
                et16 = et_v[j, sl]
                cnt16 = plsc.load_gather(cnt_v, [et16 * N + dst_v[j, sl]])
                s_v[j, sl] = 1.0 / jnp.maximum(cnt16, 1.0)
                zidx_v[j, sl] = et16 * N + src_v[j, sl]
            return 0

        lax.fori_loop(0, OC, compute, 0)
        pltpu.sync_copy(s_v, s_hbm.at[pl.ds(row0, OC)])
        pltpu.sync_copy(zidx_v, zidx_hbm.at[pl.ds(row0, OC)])
        return 0

    lax.fori_loop(0, NOUT, outer, 0)


@functools.partial(
    pl.kernel,
    out_type=jax.ShapeDtypeStruct((NC * N, D), jnp.float32),
    mesh=_mesh,
    compiler_params=pltpu.CompilerParams(use_tc_tiling_on_sc=False, needs_layout_passes=False),
    scratch_types=[
        pltpu.VMEM_SHARED((N, D), jnp.float32),
        pltpu.VMEM((RPW, C), jnp.int32),
        pltpu.VMEM((RPW, C), jnp.int32),
        pltpu.VMEM((RPW, C), jnp.float32),
        pltpu.VMEM((C, D), jnp.float32),
        pltpu.VMEM((C, D), jnp.float32),
        pltpu.SemaphoreType.DMA,
        pltpu.SemaphoreType.DMA,
    ],
)
def _sc_agg(z_hbm, zidx_hbm, dst_hbm, s_hbm, zeros_hbm, acc_hbm,
            acc_sh, zidx_v, dst_v, s_v, rows_a, rows_b, sem_a, sem_b):
    cid = lax.axis_index("c")
    sid = lax.axis_index("s")
    wid = _wid()

    pltpu.sync_copy(zeros_hbm.at[pl.ds(sid * APW, APW)],
                    acc_sh.at[pl.ds(sid * APW, APW)])
    row0 = wid * RPW
    pltpu.sync_copy(zidx_hbm.at[pl.ds(row0, RPW)], zidx_v)
    pltpu.sync_copy(dst_hbm.at[pl.ds(row0, RPW)], dst_v)
    pltpu.sync_copy(s_hbm.at[pl.ds(row0, RPW)], s_v)
    plsc.subcore_barrier()

    zero16 = jnp.full((16,), 0, jnp.int32)

    def scale_buf(i, buf):
        def scale(e2, _):
            e = e2 * 2
            sev0 = plsc.load_gather(s_v, [zero16 + i, zero16 + e])
            sev1 = plsc.load_gather(s_v, [zero16 + i, zero16 + (e + 1)])
            for m in range(D // 16):
                sl = pl.ds(m * 16, 16)
                buf[e, sl] = buf[e, sl] * sev0
            for m in range(D // 16):
                sl = pl.ds(m * 16, 16)
                buf[e + 1, sl] = buf[e + 1, sl] * sev1
            return 0

        lax.fori_loop(0, C // 2, scale, 0)

    pltpu.async_copy(z_hbm.at[zidx_v.at[0]], rows_a, sem_a)

    def pair(g, _):
        i0 = 2 * g
        pltpu.async_copy(z_hbm.at[zidx_v.at[i0 + 1]], rows_b, sem_b)
        pltpu.make_async_copy(z_hbm.at[zidx_v.at[i0]], rows_a, sem_a).wait()
        scale_buf(i0, rows_a)
        pltpu.sync_copy(rows_a, acc_sh.at[dst_v.at[i0]], add=True)
        pltpu.async_copy(z_hbm.at[zidx_v.at[i0 + 2]], rows_a, sem_a)
        pltpu.make_async_copy(z_hbm.at[zidx_v.at[i0 + 1]], rows_b, sem_b).wait()
        scale_buf(i0 + 1, rows_b)
        pltpu.sync_copy(rows_b, acc_sh.at[dst_v.at[i0 + 1]], add=True)
        return 0

    lax.fori_loop(0, (RPW - 1) // 2, pair, 0)
    pltpu.make_async_copy(z_hbm.at[zidx_v.at[RPW - 1]], rows_a, sem_a).wait()
    scale_buf(RPW - 1, rows_a)
    pltpu.sync_copy(rows_a, acc_sh.at[dst_v.at[RPW - 1]], add=True)

    plsc.subcore_barrier()
    pltpu.sync_copy(acc_sh.at[pl.ds(sid * APW, APW)],
                    acc_hbm.at[pl.ds(cid * N + sid * APW, APW)])


BN = 1000
NB = N // BN
_PREC = lax.Precision.HIGHEST


def _tc_z_body(x_ref, w_ref, z_ref):
    z_ref[0] = jnp.dot(x_ref[...], w_ref[0], precision=_PREC,
                       preferred_element_type=jnp.float32)


def _tc_z(x, W):
    return pl.pallas_call(
        _tc_z_body,
        grid=(NB, R),
        in_specs=[
            pl.BlockSpec((BN, D), lambda i, r: (i, 0)),
            pl.BlockSpec((1, D, D), lambda i, r: (r, 0, 0)),
        ],
        out_specs=pl.BlockSpec((1, BN, D), lambda i, r: (r, i, 0)),
        out_shape=jax.ShapeDtypeStruct((R, N, D), jnp.float32),
    )(x, W)


def _tc_mid_body(x_ref, root_ref, b_ref, a0_ref, a1_ref, w_ref, h_ref, z_ref):
    r = pl.program_id(1)

    @pl.when(r == 0)
    def _():
        h = jnp.dot(x_ref[...], root_ref[...], precision=_PREC,
                    preferred_element_type=jnp.float32)
        h = h + b_ref[...][None, :] + a0_ref[...] + a1_ref[...]
        h_ref[...] = jnp.maximum(h, 0.0)

    z_ref[0] = jnp.dot(h_ref[...], w_ref[0], precision=_PREC,
                       preferred_element_type=jnp.float32)


def _tc_mid(x, root, b, accs, W2):
    return pl.pallas_call(
        _tc_mid_body,
        grid=(NB, R),
        in_specs=[
            pl.BlockSpec((BN, D), lambda i, r: (i, 0)),
            pl.BlockSpec((D, D), lambda i, r: (0, 0)),
            pl.BlockSpec((D,), lambda i, r: (0,)),
            pl.BlockSpec((BN, D), lambda i, r: (i, 0)),
            pl.BlockSpec((BN, D), lambda i, r: (NB + i, 0)),
            pl.BlockSpec((1, D, D), lambda i, r: (r, 0, 0)),
        ],
        out_specs=[
            pl.BlockSpec((BN, D), lambda i, r: (i, 0)),
            pl.BlockSpec((1, BN, D), lambda i, r: (r, i, 0)),
        ],
        out_shape=[
            jax.ShapeDtypeStruct((N, D), jnp.float32),
            jax.ShapeDtypeStruct((R, N, D), jnp.float32),
        ],
    )(x, root, b, accs, accs, W2)


def _tc_final_body(h_ref, root_ref, b_ref, a0_ref, a1_ref, o_ref):
    o = jnp.dot(h_ref[...], root_ref[...], precision=_PREC,
                preferred_element_type=jnp.float32)
    o_ref[...] = o + b_ref[...][None, :] + a0_ref[...] + a1_ref[...]


def _tc_final(h, root, b, accs):
    return pl.pallas_call(
        _tc_final_body,
        grid=(NB,),
        in_specs=[
            pl.BlockSpec((BN, D), lambda i: (i, 0)),
            pl.BlockSpec((D, D), lambda i: (0, 0)),
            pl.BlockSpec((D,), lambda i: (0,)),
            pl.BlockSpec((BN, D), lambda i: (i, 0)),
            pl.BlockSpec((BN, D), lambda i: (NB + i, 0)),
        ],
        out_specs=pl.BlockSpec((BN, D), lambda i: (i, 0)),
        out_shape=jax.ShapeDtypeStruct((N, D), jnp.float32),
    )(h, root, b, accs, accs)


def kernel(x, edge_index, edge_type, W1, root1, b1, W2, root2, b2):
    src = edge_index[0].astype(jnp.int32).reshape(ROWS, C)
    dst = edge_index[1].astype(jnp.int32).reshape(ROWS, C)
    et = edge_type.astype(jnp.int32).reshape(ROWS, C)

    s, zidx = _sc_prep(et, dst, src)
    zeros_acc = jnp.zeros((N, D), jnp.float32)

    z1 = _tc_z(x, W1).reshape(RN, D)
    acc1 = _sc_agg(z1, zidx, dst, s, zeros_acc)
    h, z2 = _tc_mid(x, root1, b1, acc1, W2)
    acc2 = _sc_agg(z2.reshape(RN, D), zidx, dst, s, zeros_acc)
    return _tc_final(h, root2, b2, acc2)

# --- scband reference (transcript-rebuilt; emitter-appended) ---
"""Pipeline reference for scband-rgcn-24034636989273 (READ-ONLY COPY).

The authoritative reference and input builder live on the scoring server;
editing this copy changes nothing except your own understanding.
"""

import jax, jax.numpy as jnp
import numpy as np

N_NODES = 10000
N_EDGES = 320000
D = 128
NUM_REL = 8


def rgcn_conv(x, edge_index, edge_type, W, root, bias):
    # Faithful PyG RGCNConv (aggr='mean'): per-relation mean aggregation of
    # source features over destination nodes, then per-relation linear, plus
    # root transform and bias.
    src = edge_index[0]
    dst = edge_index[1]
    out = x @ root + bias
    xj = jnp.take(x, src, axis=0)  # [E, d] gather
    for r in range(NUM_REL):
        m = (edge_type == r).astype(x.dtype)  # [E]
        summed = jax.ops.segment_sum(xj * m[:, None], dst, num_segments=N_NODES)
        cnt = jax.ops.segment_sum(m, dst, num_segments=N_NODES)
        mean = summed / jnp.clip(cnt, 1.0, None)[:, None]
        out = out + mean @ W[r]
    return out


def setup_inputs(seed: int = 0) -> dict:
    key = jax.random.key(seed)
    ks = jax.random.split(key, 10)
    x = jax.random.normal(ks[0], (N_NODES, D), dtype=jnp.float32)
    edge_index = jax.random.randint(ks[1], (2, N_EDGES), 0, N_NODES, dtype=jnp.int64 if jax.config.read('jax_enable_x64') else jnp.int32)
    edge_type = jax.random.randint(ks[2], (N_EDGES,), 0, NUM_REL, dtype=jnp.int64 if jax.config.read('jax_enable_x64') else jnp.int32)
    s = 1.0 / np.sqrt(D)
    W1 = jax.random.normal(ks[3], (NUM_REL, D, D), dtype=jnp.float32) * s
    root1 = jax.random.normal(ks[4], (D, D), dtype=jnp.float32) * s
    b1 = jnp.zeros((D,), dtype=jnp.float32)
    W2 = jax.random.normal(ks[5], (NUM_REL, D, D), dtype=jnp.float32) * s
    root2 = jax.random.normal(ks[6], (D, D), dtype=jnp.float32) * s
    b2 = jnp.zeros((D,), dtype=jnp.float32)
    return {"x": x, "edge_index": edge_index, "edge_type": edge_type,
            "W1": W1, "root1": root1, "b1": b1,
            "W2": W2, "root2": root2, "b2": b2}


def reference(x, edge_index, edge_type, W1, root1, b1, W2, root2, b2):
    # Layer 1 -> dropout(eval: identity) -> relu -> Layer 2
    h = rgcn_conv(x, edge_index, edge_type, W1, root1, b1)
    h = jax.nn.relu(h)
    out = rgcn_conv(h, edge_index, edge_type, W2, root2, b2)
    return out

if __name__ == "__main__":
    import jax
    _d = setup_inputs()
    print(jax.jit(kernel)(*tuple(_d.values())))

</pallas_src>

<mosaic_0001>
#map = affine_map<(d0, d1) -> (0, 0)>
module attributes {stable_mosaic.version = 14 : i64} {
  func.func @_sc_agg(%arg0: i32, %arg1: i32, %arg2: memref<80000x128xf32, #tpu.memory_space<hbm>>, %arg3: memref<4000x80xi32, #tpu.memory_space<hbm>>, %arg4: memref<4000x80xi32, #tpu.memory_space<hbm>>, %arg5: memref<4000x80xf32, #tpu.memory_space<hbm>>, %arg6: memref<10000x128xf32, #tpu.memory_space<hbm>>, %arg7: memref<20000x128xf32, #tpu.memory_space<hbm>>, %arg8: memref<10000x128xf32, #tpu.memory_space<vmem_shared>>, %arg9: memref<125x80xi32, #tpu.memory_space<vmem>>, %arg10: memref<125x80xi32, #tpu.memory_space<vmem>>, %arg11: memref<125x80xf32, #tpu.memory_space<vmem>>, %arg12: memref<80x128xf32, #tpu.memory_space<vmem>>, %arg13: memref<80x128xf32, #tpu.memory_space<vmem>>, %arg14: memref<!tpu.dma_semaphore, #tpu.memory_space<semaphore_mem>>, %arg15: memref<!tpu.dma_semaphore, #tpu.memory_space<semaphore_mem>>) attributes {dimension_semantics = [#tpu.dimension_semantics<core_parallel>, #tpu.dimension_semantics<subcore_parallel>], iteration_bounds = array<i64: 2, 16>, scalar_prefetch = 0 : i64, scratch_operands = 8 : i64, tpu.core_type = #tpu.core_type<sc_vector_subcore>, window_params = [{transform_indices = #map}, {transform_indices = #map}, {transform_indices = #map}, {transform_indices = #map}, {transform_indices = #map}, {transform_indices = #map}]} {
    %mul3A = arith.constant 2 : i32
    %mul3A_0 = arith.muli %arg1, %mul3A : i32
    %add3A = arith.addi %mul3A_0, %arg0 : i32
    %mul3A_1 = arith.constant 625 : i32
    %mul3A_2 = arith.muli %arg1, %mul3A_1 : i32
    %mul3A_3 = arith.constant 625 : i32
    %mul3A_4 = arith.muli %arg1, %mul3A_3 : i32
    "tpu.region"() ({
      %run_scoped3A_41 = tpu.sem_alloc : memref<!tpu.dma_semaphore, #tpu.memory_space<semaphore_mem>>
      %dma_start3A_42 = arith.constant 0 : i32
      %dma_start3A_43 = tpu.memref_slice %arg8[%mul3A_4, %dma_start3A_42] : memref<10000x128xf32, #tpu.memory_space<vmem_shared>> -> memref<625x128xf32, #tpu.memory_space<vmem_shared>>
      %dma_start3A_44 = arith.constant 0 : i32
      %dma_start3A_45 = tpu.memref_slice %arg6[%mul3A_2, %dma_start3A_44] : memref<10000x128xf32, #tpu.memory_space<hbm>> -> memref<625x128xf32, #tpu.memory_space<hbm>>
      tpu.enqueue_dma source(%dma_start3A_45 : memref<625x128xf32, #tpu.memory_space<hbm>>) target(%dma_start3A_43 : memref<625x128xf32, #tpu.memory_space<vmem_shared>>) target_semaphore(%run_scoped3A_41 : memref<!tpu.dma_semaphore, #tpu.memory_space<semaphore_mem>>)
      %dma_wait3A_46 = arith.constant 0 : i32
      %dma_wait3A_47 = tpu.memref_slice %arg8[%mul3A_4, %dma_wait3A_46] : memref<10000x128xf32, #tpu.memory_space<vmem_shared>> -> memref<625x128xf32, #tpu.memory_space<vmem_shared>>
      %dma_wait3A_48 = arith.constant 0 : i32
      %dma_wait3A_49 = tpu.memref_slice %arg6[%mul3A_2, %dma_wait3A_48] : memref<10000x128xf32, #tpu.memory_space<hbm>> -> memref<625x128xf32, #tpu.memory_space<hbm>>
      tpu.wait_dma2 semaphore(%run_scoped3A_41 : memref<!tpu.dma_semaphore, #tpu.memory_space<semaphore_mem>>) src(%dma_wait3A_49 : memref<625x128xf32, #tpu.memory_space<hbm>>) dst(%dma_wait3A_47 : memref<625x128xf32, #tpu.memory_space<vmem_shared>>)
      tpu.yield
    }) : () -> ()
    %mul3A_5 = arith.constant 125 : i32
    %mul3A_6 = arith.muli %add3A, %mul3A_5 : i32
    "tpu.region"() ({
      %run_scoped3A_41 = tpu.sem_alloc : memref<!tpu.dma_semaphore, #tpu.memory_space<semaphore_mem>>
      %dma_start3A_42 = arith.constant 0 : i32
      %dma_start3A_43 = tpu.memref_slice %arg3[%mul3A_6, %dma_start3A_42] : memref<4000x80xi32, #tpu.memory_space<hbm>> -> memref<125x80xi32, #tpu.memory_space<hbm>>
      %dma_start3A_44 = arith.constant 0 : i32
      %dma_start3A_45 = tpu.memref_slice %arg3[%mul3A_6, %dma_start3A_44] : memref<4000x80xi32, #tpu.memory_space<hbm>> -> memref<125x80xi32, #tpu.memory_space<hbm>>
      tpu.enqueue_dma source(%dma_start3A_45 : memref<125x80xi32, #tpu.memory_space<hbm>>) target(%arg9 : memref<125x80xi32, #tpu.memory_space<vmem>>) target_semaphore(%run_scoped3A_41 : memref<!tpu.dma_semaphore, #tpu.memory_space<semaphore_mem>>)
      %dma_wait3A_46 = arith.constant 0 : i32
      %dma_wait3A_47 = tpu.memref_slice %arg3[%mul3A_6, %dma_wait3A_46] : memref<4000x80xi32, #tpu.memory_space<hbm>> -> memref<125x80xi32, #tpu.memory_space<hbm>>
      %dma_wait3A_48 = arith.constant 0 : i32
      %dma_wait3A_49 = tpu.memref_slice %arg3[%mul3A_6, %dma_wait3A_48] : memref<4000x80xi32, #tpu.memory_space<hbm>> -> memref<125x80xi32, #tpu.memory_space<hbm>>
      tpu.wait_dma2 semaphore(%run_scoped3A_41 : memref<!tpu.dma_semaphore, #tpu.memory_space<semaphore_mem>>) src(%dma_wait3A_49 : memref<125x80xi32, #tpu.memory_space<hbm>>) dst(%arg9 : memref<125x80xi32, #tpu.memory_space<vmem>>)
      tpu.yield
    }) : () -> ()
    "tpu.region"() ({
      %run_scoped3A_41 = tpu.sem_alloc : memref<!tpu.dma_semaphore, #tpu.memory_space<semaphore_mem>>
      %dma_start3A_42 = arith.constant 0 : i32
      %dma_start3A_43 = tpu.memref_slice %arg4[%mul3A_6, %dma_start3A_42] : memref<4000x80xi32, #tpu.memory_space<hbm>> -> memref<125x80xi32, #tpu.memory_space<hbm>>
      %dma_start3A_44 = arith.constant 0 : i32
      %dma_start3A_45 = tpu.memref_slice %arg4[%mul3A_6, %dma_start3A_44] : memref<4000x80xi32, #tpu.memory_space<hbm>> -> memref<125x80xi32, #tpu.memory_space<hbm>>
      tpu.enqueue_dma source(%dma_start3A_45 : memref<125x80xi32, #tpu.memory_space<hbm>>) target(%arg10 : memref<125x80xi32, #tpu.memory_space<vmem>>) target_semaphore(%run_scoped3A_41 : memref<!tpu.dma_semaphore, #tpu.memory_space<semaphore_mem>>)
      %dma_wait3A_46 = arith.constant 0 : i32
      %dma_wait3A_47 = tpu.memref_slice %arg4[%mul3A_6, %dma_wait3A_46] : memref<4000x80xi32, #tpu.memory_space<hbm>> -> memref<125x80xi32, #tpu.memory_space<hbm>>
      %dma_wait3A_48 = arith.constant 0 : i32
      %dma_wait3A_49 = tpu.memref_slice %arg4[%mul3A_6, %dma_wait3A_48] : memref<4000x80xi32, #tpu.memory_space<hbm>> -> memref<125x80xi32, #tpu.memory_space<hbm>>
      tpu.wait_dma2 semaphore(%run_scoped3A_41 : memref<!tpu.dma_semaphore, #tpu.memory_space<semaphore_mem>>) src(%dma_wait3A_49 : memref<125x80xi32, #tpu.memory_space<hbm>>) dst(%arg10 : memref<125x80xi32, #tpu.memory_space<vmem>>)
      tpu.yield
    }) : () -> ()
    "tpu.region"() ({
      %run_scoped3A_41 = tpu.sem_alloc : memref<!tpu.dma_semaphore, #tpu.memory_space<semaphore_mem>>
      %dma_start3A_42 = arith.constant 0 : i32
      %dma_start3A_43 = tpu.memref_slice %arg5[%mul3A_6, %dma_start3A_42] : memref<4000x80xf32, #tpu.memory_space<hbm>> -> memref<125x80xf32, #tpu.memory_space<hbm>>
      %dma_start3A_44 = arith.constant 0 : i32
      %dma_start3A_45 = tpu.memref_slice %arg5[%mul3A_6, %dma_start3A_44] : memref<4000x80xf32, #tpu.memory_space<hbm>> -> memref<125x80xf32, #tpu.memory_space<hbm>>
      tpu.enqueue_dma source(%dma_start3A_45 : memref<125x80xf32, #tpu.memory_space<hbm>>) target(%arg11 : memref<125x80xf32, #tpu.memory_space<vmem>>) target_semaphore(%run_scoped3A_41 : memref<!tpu.dma_semaphore, #tpu.memory_space<semaphore_mem>>)
      %dma_wait3A_46 = arith.constant 0 : i32
      %dma_wait3A_47 = tpu.memref_slice %arg5[%mul3A_6, %dma_wait3A_46] : memref<4000x80xf32, #tpu.memory_space<hbm>> -> memref<125x80xf32, #tpu.memory_space<hbm>>
      %dma_wait3A_48 = arith.constant 0 : i32
      %dma_wait3A_49 = tpu.memref_slice %arg5[%mul3A_6, %dma_wait3A_48] : memref<4000x80xf32, #tpu.memory_space<hbm>> -> memref<125x80xf32, #tpu.memory_space<hbm>>
      tpu.wait_dma2 semaphore(%run_scoped3A_41 : memref<!tpu.dma_semaphore, #tpu.memory_space<semaphore_mem>>) src(%dma_wait3A_49 : memref<125x80xf32, #tpu.memory_space<hbm>>) dst(%arg11 : memref<125x80xf32, #tpu.memory_space<vmem>>)
      tpu.yield
    }) : () -> ()
    %barrier3A = arith.constant 0 : index
    tpu.barrier barrier_id(%barrier3A)
    %broadcast_in_dim3A = arith.constant 0 : i32
    %broadcast_in_dim3A_7 = vector.broadcast %broadcast_in_dim3A : i32 to vector<16xi32>
    %dma_start3A = arith.constant 0 : i32
    %dma_start3A_8 = arith.constant 0 : i32
    %dma_start3A_9 = tpu.memref_slice %arg9[%dma_start3A, %dma_start3A_8] : memref<125x80xi32, #tpu.memory_space<vmem>> -> memref<1x80xi32, #tpu.memory_space<vmem>>
    %dma_start3A_10 = tpu.memref_squeeze %dma_start3A_9 : memref<1x80xi32, #tpu.memory_space<vmem>> -> memref<80xi32, #tpu.memory_space<vmem>>
    %dma_start3A_11 = arith.constant 0 : i32
    %dma_start3A_12 = arith.constant 0 : i32
    %dma_start3A_13 = tpu.memref_slice %arg2[%dma_start3A_11, %dma_start3A_12] : memref<80000x128xf32, #tpu.memory_space<hbm>> -> memref<80000x128xf32, #tpu.memory_space<hbm>>
    tpu.enqueue_indirect_dma source(%dma_start3A_13 : memref<80000x128xf32, #tpu.memory_space<hbm>>) target(%arg12 : memref<80x128xf32, #tpu.memory_space<vmem>>) offsets(%dma_start3A_10 : memref<80xi32, #tpu.memory_space<vmem>>) semaphore(%arg14 : memref<!tpu.dma_semaphore, #tpu.memory_space<semaphore_mem>>)
    %scan3A = arith.constant 0 : i32
    %scan3A_14 = arith.constant 0 : i32
    %scan3A_15 = arith.constant 62 : i32
    %scan3A_16 = arith.addi %scan3A_14, %scan3A_15 : i32
    %scan3A_17 = arith.constant 1 : i32
    %scan3A_18 = scf.for %scan3A_41 = %scan3A_14 to %scan3A_16 step %scan3A_17 iter_args(%scan3A_42 = %scan3A) -> (i32)  : i32 {
      %mul3A_43 = arith.constant 2 : i32
      %mul3A_44 = arith.muli %mul3A_43, %scan3A_41 : i32
      %add3A_45 = arith.constant 1 : i32
      %add3A_46 = arith.addi %mul3A_44, %add3A_45 : i32
      %dma_start3A_47 = arith.constant 0 : i32
      %dma_start3A_48 = tpu.memref_slice %arg9[%add3A_46, %dma_start3A_47] : memref<125x80xi32, #tpu.memory_space<vmem>> -> memref<1x80xi32, #tpu.memory_space<vmem>>
      %dma_start3A_49 = tpu.memref_squeeze %dma_start3A_48 : memref<1x80xi32, #tpu.memory_space<vmem>> -> memref<80xi32, #tpu.memory_space<vmem>>
      %dma_start3A_50 = arith.constant 0 : i32
      %dma_start3A_51 = arith.constant 0 : i32
      %dma_start3A_52 = tpu.memref_slice %arg2[%dma_start3A_50, %dma_start3A_51] : memref<80000x128xf32, #tpu.memory_space<hbm>> -> memref<80000x128xf32, #tpu.memory_space<hbm>>
      tpu.enqueue_indirect_dma source(%dma_start3A_52 : memref<80000x128xf32, #tpu.memory_space<hbm>>) target(%arg13 : memref<80x128xf32, #tpu.memory_space<vmem>>) offsets(%dma_start3A_49 : memref<80xi32, #tpu.memory_space<vmem>>) semaphore(%arg15 : memref<!tpu.dma_semaphore, #tpu.memory_space<semaphore_mem>>)
      %dma_wait3A_53 = arith.constant 0 : i32
      %dma_wait3A_54 = tpu.memref_slice %arg9[%mul3A_44, %dma_wait3A_53] : memref<125x80xi32, #tpu.memory_space<vmem>> -> memref<1x80xi32, #tpu.memory_space<vmem>>
      %dma_wait3A_55 = tpu.memref_squeeze %dma_wait3A_54 : memref<1x80xi32, #tpu.memory_space<vmem>> -> memref<80xi32, #tpu.memory_space<vmem>>
      %dma_wait3A_56 = arith.constant 0 : i32
      %dma_wait3A_57 = arith.constant 0 : i32
      %dma_wait3A_58 = tpu.memref_slice %arg2[%dma_wait3A_56, %dma_wait3A_57] : memref<80000x128xf32, #tpu.memory_space<hbm>> -> memref<80000x128xf32, #tpu.memory_space<hbm>>
      tpu.wait_indirect_dma semaphore(%arg14 : memref<!tpu.dma_semaphore, #tpu.memory_space<semaphore_mem>>) src(%dma_wait3A_58 : memref<80000x128xf32, #tpu.memory_space<hbm>>) dst(%arg12 : memref<80x128xf32, #tpu.memory_space<vmem>>)
      %scan3A_59 = arith.constant 0 : i32
      %scan3A_60 = arith.constant 0 : i32
      %scan3A_61 = arith.constant 40 : i32
      %scan3A_62 = arith.addi %scan3A_60, %scan3A_61 : i32
      %scan3A_63 = arith.constant 1 : i32
      %scan3A_64 = scf.for %scan3A_94 = %scan3A_60 to %scan3A_62 step %scan3A_63 iter_args(%scan3A_95 = %scan3A_59) -> (i32)  : i32 {
        %mul3A_96 = arith.constant 2 : i32
        %mul3A_97 = arith.muli %scan3A_94, %mul3A_96 : i32
        %add3A_98 = vector.broadcast %mul3A_44 : i32 to vector<16xi32>
        %add3A_99 = arith.addi %broadcast_in_dim3A_7, %add3A_98 : vector<16xi32>
        %add3A_100 = vector.broadcast %mul3A_97 : i32 to vector<16xi32>
        %add3A_101 = arith.addi %broadcast_in_dim3A_7, %add3A_100 : vector<16xi32>
        %gather3A = tpu.vector_load_idx %arg11[%add3A_99, %add3A_101] : memref<125x80xf32, #tpu.memory_space<vmem>>[vector<16xi32>, vector<16xi32>], vector<16xf32>,
        %add3A_102 = vector.broadcast %mul3A_44 : i32 to vector<16xi32>
        %add3A_103 = arith.addi %broadcast_in_dim3A_7, %add3A_102 : vector<16xi32>
        %add3A_104 = arith.constant 1 : i32
        %add3A_105 = arith.addi %mul3A_97, %add3A_104 : i32
        %add3A_106 = vector.broadcast %add3A_105 : i32 to vector<16xi32>
        %add3A_107 = arith.addi %broadcast_in_dim3A_7, %add3A_106 : vector<16xi32>
        %gather3A_108 = tpu.vector_load_idx %arg11[%add3A_103, %add3A_107] : memref<125x80xf32, #tpu.memory_space<vmem>>[vector<16xi32>, vector<16xi32>], vector<16xf32>,
        %get3A = arith.index_cast %mul3A_97 : i32 to index
        %get3A_109 = arith.constant 0 : index
        %get3A_110 = tpu.vector_load %arg12[%get3A, %get3A_109] {strides = array<i32>} : memref<80x128xf32, #tpu.memory_space<vmem>>, vector<16xf32>,
        %mul3A_111 = arith.mulf %get3A_110, %gather3A : vector<16xf32>
        %swap3A = arith.index_cast %mul3A_97 : i32 to index
        %swap3A_112 = arith.constant 0 : index
        %swap3A_113 = tpu.vector_load %arg12[%swap3A, %swap3A_112] {strides = array<i32>} : memref<80x128xf32, #tpu.memory_space<vmem>>, vector<16xf32>,
        tpu.vector_store %arg12[%swap3A, %swap3A_112], %mul3A_111 {strides = array<i32>} : memref<80x128xf32, #tpu.memory_space<vmem>>, vector<16xf32>,
        %get3A_114 = arith.index_cast %mul3A_97 : i32 to index
        %get3A_115 = arith.constant 16 : index
        %get3A_116 = tpu.vector_load %arg12[%get3A_114, %get3A_115] {strides = array<i32>} : memref<80x128xf32, #tpu.memory_space<vmem>>, vector<16xf32>,
        %mul3A_117 = arith.mulf %get3A_116, %gather3A : vector<16xf32>
        %swap3A_118 = arith.index_cast %mul3A_97 : i32 to index
        %swap3A_119 = arith.constant 16 : index
        %swap3A_120 = tpu.vector_load %arg12[%swap3A_118, %swap3A_119] {strides = array<i32>} : memref<80x128xf32, #tpu.memory_space<vmem>>, vector<16xf32>,
        tpu.vector_store %arg12[%swap3A_118, %swap3A_119], %mul3A_117 {strides = array<i32>} : memref<80x128xf32, #tpu.memory_space<vmem>>, vector<16xf32>,
        %get3A_121 = arith.index_cast %mul3A_97 : i32 to index
        %get3A_122 = arith.constant 32 : index
        %get3A_123 = tpu.vector_load %arg12[%get3A_121, %get3A_122] {strides = array<i32>} : memref<80x128xf32, #tpu.memory_space<vmem>>, vector<16xf32>,
        %mul3A_124 = arith.mulf %get3A_123, %gather3A : vector<16xf32>
        %swap3A_125 = arith.index_cast %mul3A_97 : i32 to index
        %swap3A_126 = arith.constant 32 : index
        %swap3A_127 = tpu.vector_load %arg12[%swap3A_125, %swap3A_126] {strides = array<i32>} : memref<80x128xf32, #tpu.memory_space<vmem>>, vector<16xf32>,
        tpu.vector_store %arg12[%swap3A_125, %swap3A_126], %mul3A_124 {strides = array<i32>} : memref<80x128xf32, #tpu.memory_space<vmem>>, vector<16xf32>,
        %get3A_128 = arith.index_cast %mul3A_97 : i32 to index
        %get3A_129 = arith.constant 48 : index
        %get3A_130 = tpu.vector_load %arg12[%get3A_128, %get3A_129] {strides = array<i32>} : memref<80x128xf32, #tpu.memory_space<vmem>>, vector<16xf32>,
        %mul3A_131 = arith.mulf %get3A_130, %gather3A : vector<16xf32>
        %swap3A_132 = arith.index_cast %mul3A_97 : i32 to index
        %swap3A_133 = arith.constant 48 : index
        %swap3A_134 = tpu.vector_load %arg12[%swap3A_132, %swap3A_133] {strides = array<i32>} : memref<80x128xf32, #tpu.memory_space<vmem>>, vector<16xf32>,
        tpu.vector_store %arg12[%swap3A_132, %swap3A_133], %mul3A_131 {strides = array<i32>} : memref<80x128xf32, #tpu.memory_space<vmem>>, vector<16xf32>,
        %get3A_135 = arith.index_cast %mul3A_97 : i32 to index
        %get3A_136 = arith.constant 64 : index
        %get3A_137 = tpu.vector_load %arg12[%get3A_135, %get3A_136] {strides = array<i32>} : memref<80x128xf32, #tpu.memory_space<vmem>>, vector<16xf32>,
        %mul3A_138 = arith.mulf %get3A_137, %gather3A : vector<16xf32>
        %swap3A_139 = arith.index_cast %mul3A_97 : i32 to index
        %swap3A_140 = arith.constant 64 : index
        %swap3A_141 = tpu.vector_load %arg12[%swap3A_139, %swap3A_140] {strides = array<i32>} : memref<80x128xf32, #tpu.memory_space<vmem>>, vector<16xf32>,
        tpu.vector_store %arg12[%swap3A_139, %swap3A_140], %mul3A_138 {strides = array<i32>} : memref<80x128xf32, #tpu.memory_space<vmem>>, vector<16xf32>,
        %get3A_142 = arith.index_cast %mul3A_97 : i32 to index
        %get3A_143 = arith.constant 80 : index
        %get3A_144 = tpu.vector_load %arg12[%get3A_142, %get3A_143] {strides = array<i32>} : memref<80x128xf32, #tpu.memory_space<vmem>>, vector<16xf32>,
        %mul3A_145 = arith.mulf %get3A_144, %gather3A : vector<16xf32>
        %swap3A_146 = arith.index_cast %mul3A_97 : i32 to index
        %swap3A_147 = arith.constant 80 : index
        %swap3A_148 = tpu.vector_load %arg12[%swap3A_146, %swap3A_147] {strides = array<i32>} : memref<80x128xf32, #tpu.memory_space<vmem>>, vector<16xf32>,
        tpu.vector_store %arg12[%swap3A_146, %swap3A_147], %mul3A_145 {strides = array<i32>} : memref<80x128xf32, #tpu.memory_space<vmem>>, vector<16xf32>,
        %get3A_149 = arith.index_cast %mul3A_97 : i32 to index
        %get3A_150 = arith.constant 96 : index
        %get3A_151 = tpu.vector_load %arg12[%get3A_149, %get3A_150] {strides = array<i32>} : memref<80x128xf32, #tpu.memory_space<vmem>>, vector<16xf32>,
        %mul3A_152 = arith.mulf %get3A_151, %gather3A : vector<16xf32>
        %swap3A_153 = arith.index_cast %mul3A_97 : i32 to index
        %swap3A_154 = arith.constant 96 : index
        %swap3A_155 = tpu.vector_load %arg12[%swap3A_153, %swap3A_154] {strides = array<i32>} : memref<80x128xf32, #tpu.memory_space<vmem>>, vector<16xf32>,
        tpu.vector_store %arg12[%swap3A_153, %swap3A_154], %mul3A_152 {strides = array<i32>} : memref<80x128xf32, #tpu.memory_space<vmem>>, vector<16xf32>,
        %get3A_156 = arith.index_cast %mul3A_97 : i32 to index
        %get3A_157 = arith.constant 112 : index
        %get3A_158 = tpu.vector_load %arg12[%get3A_156, %get3A_157] {strides = array<i32>} : memref<80x128xf32, #tpu.memory_space<vmem>>, vector<16xf32>,
        %mul3A_159 = arith.mulf %get3A_158, %gather3A : vector<16xf32>
        %swap3A_160 = arith.index_cast %mul3A_97 : i32 to index
        %swap3A_161 = arith.constant 112 : index
        %swap3A_162 = tpu.vector_load %arg12[%swap3A_160, %swap3A_161] {strides = array<i32>} : memref<80x128xf32, #tpu.memory_space<vmem>>, vector<16xf32>,
        tpu.vector_store %arg12[%swap3A_160, %swap3A_161], %mul3A_159 {strides = array<i32>} : memref<80x128xf32, #tpu.memory_space<vmem>>, vector<16xf32>,
        %add3A_163 = arith.constant 1 : i32
        %add3A_164 = arith.addi %mul3A_97, %add3A_163 : i32
        %get3A_165 = arith.index_cast %add3A_164 : i32 to index
        %get3A_166 = arith.constant 0 : index
        %get3A_167 = tpu.vector_load %arg12[%get3A_165, %get3A_166] {strides = array<i32>} : memref<80x128xf32, #tpu.memory_space<vmem>>, vector<16xf32>,
        %mul3A_168 = arith.mulf %get3A_167, %gather3A_108 : vector<16xf32>
        %add3A_169 = arith.constant 1 : i32
        %add3A_170 = arith.addi %mul3A_97, %add3A_169 : i32
        %swap3A_171 = arith.index_cast %add3A_170 : i32 to index
        %swap3A_172 = arith.constant 0 : index
        %swap3A_173 = tpu.vector_load %arg12[%swap3A_171, %swap3A_172] {strides = array<i32>} : memref<80x128xf32, #tpu.memory_space<vmem>>, vector<16xf32>,
        tpu.vector_store %arg12[%swap3A_171, %swap3A_172], %mul3A_168 {strides = array<i32>} : memref<80x128xf32, #tpu.memory_space<vmem>>, vector<16xf32>,
        %add3A_174 = arith.constant 1 : i32
        %add3A_175 = arith.addi %mul3A_97, %add3A_174 : i32
        %get3A_176 = arith.index_cast %add3A_175 : i32 to index
        %get3A_177 = arith.constant 16 : index
        %get3A_178 = tpu.vector_load %arg12[%get3A_176, %get3A_177] {strides = array<i32>} : memref<80x128xf32, #tpu.memory_space<vmem>>, vector<16xf32>,
        %mul3A_179 = arith.mulf %get3A_178, %gather3A_108 : vector<16xf32>
        %add3A_180 = arith.constant 1 : i32
        %add3A_181 = arith.addi %mul3A_97, %add3A_180 : i32
        %swap3A_182 = arith.index_cast %add3A_181 : i32 to index
        %swap3A_183 = arith.constant 16 : index
        %swap3A_184 = tpu.vector_load %arg12[%swap3A_182, %swap3A_183] {strides = array<i32>} : memref<80x128xf32, #tpu.memory_space<vmem>>, vector<16xf32>,
        tpu.vector_store %arg12[%swap3A_182, %swap3A_183], %mul3A_179 {strides = array<i32>} : memref<80x128xf32, #tpu.memory_space<vmem>>, vector<16xf32>,
        %add3A_185 = arith.constant 1 : i32
        %add3A_186 = arith.addi %mul3A_97, %add3A_185 : i32
        %get3A_187 = arith.index_cast %add3A_186 : i32 to index
        %get3A_188 = arith.constant 32 : index
        %get3A_189 = tpu.vector_load %arg12[%get3A_187, %get3A_188] {strides = array<i32>} : memref<80x128xf32, #tpu.memory_space<vmem>>, vector<16xf32>,
        %mul3A_190 = arith.mulf %get3A_189, %gather3A_108 : vector<16xf32>
        %add3A_191 = arith.constant 1 : i32
        %add3A_192 = arith.addi %mul3A_97, %add3A_191 : i32
        %swap3A_193 = arith.index_cast %add3A_192 : i32 to index
        %swap3A_194 = arith.constant 32 : index
        %swap3A_195 = tpu.vector_load %arg12[%swap3A_193, %swap3A_194] {strides = array<i32>} : memref<80x128xf32, #tpu.memory_space<vmem>>, vector<16xf32>,
        tpu.vector_store %arg12[%swap3A_193, %swap3A_194], %mul3A_190 {strides = array<i32>} : memref<80x128xf32, #tpu.memory_space<vmem>>, vector<16xf32>,
        %add3A_196 = arith.constant 1 : i32
        %add3A_197 = arith.addi %mul3A_97, %add3A_196 : i32
        %get3A_198 = arith.index_cast %add3A_197 : i32 to index
        %get3A_199 = arith.constant 48 : index
        %get3A_200 = tpu.vector_load %arg12[%get3A_198, %get3A_199] {strides = array<i32>} : memref<80x128xf32, #tpu.memory_space<vmem>>, vector<16xf32>,
        %mul3A_201 = arith.mulf %get3A_200, %gather3A_108 : vector<16xf32>
        %add3A_202 = arith.constant 1 : i32
        %add3A_203 = arith.addi %mul3A_97, %add3A_202 : i32
        %swap3A_204 = arith.index_cast %add3A_203 : i32 to index
        %swap3A_205 = arith.constant 48 : index
        %swap3A_206 = tpu.vector_load %arg12[%swap3A_204, %swap3A_205] {strides = array<i32>} : memref<80x128xf32, #tpu.memory_space<vmem>>, vector<16xf32>,
        tpu.vector_store %arg12[%swap3A_204, %swap3A_205], %mul3A_201 {strides = array<i32>} : memref<80x128xf32, #tpu.memory_space<vmem>>, vector<16xf32>,
        %add3A_207 = arith.constant 1 : i32
        %add3A_208 = arith.addi %mul3A_97, %add3A_207 : i32
        %get3A_209 = arith.index_cast %add3A_208 : i32 to index
        %get3A_210 = arith.constant 64 : index
        %get3A_211 = tpu.vector_load %arg12[%get3A_209, %get3A_210] {strides = array<i32>} : memref<80x128xf32, #tpu.memory_space<vmem>>, vector<16xf32>,
        %mul3A_212 = arith.mulf %get3A_211, %gather3A_108 : vector<16xf32>
        %add3A_213 = arith.constant 1 : i32
        %add3A_214 = arith.addi %mul3A_97, %add3A_213 : i32
        %swap3A_215 = arith.index_cast %add3A_214 : i32 to index
        %swap3A_216 = arith.constant 64 : index
        %swap3A_217 = tpu.vector_load %arg12[%swap3A_215, %swap3A_216] {strides = array<i32>} : memref<80x128xf32, #tpu.memory_space<vmem>>, vector<16xf32>,
        tpu.vector_store %arg12[%swap3A_215, %swap3A_216], %mul3A_212 {strides = array<i32>} : memref<80x128xf32, #tpu.memory_space<vmem>>, vector<16xf32>,
        %add3A_218 = arith.constant 1 : i32
        %add3A_219 = arith.addi %mul3A_97, %add3A_218 : i32
        %get3A_220 = arith.index_cast %add3A_219 : i32 to index
        %get3A_221 = arith.constant 80 : index
        %get3A_222 = tpu.vector_load %arg12[%get3A_220, %get3A_221] {strides = array<i32>} : memref<80x128xf32, #tpu.memory_space<vmem>>, vector<16xf32>,
        %mul3A_223 = arith.mulf %get3A_222, %gather3A_108 : vector<16xf32>
        %add3A_224 = arith.constant 1 : i32
        %add3A_225 = arith.addi %mul3A_97, %add3A_224 : i32
        %swap3A_226 = arith.index_cast %add3A_225 : i32 to index
        %swap3A_227 = arith.constant 80 : index
        %swap3A_228 = tpu.vector_load %arg12[%swap3A_226, %swap3A_227] {strides = array<i32>} : memref<80x128xf32, #tpu.memory_space<vmem>>, vector<16xf32>,
        tpu.vector_store %arg12[%swap3A_226, %swap3A_227], %mul3A_223 {strides = array<i32>} : memref<80x128xf32, #tpu.memory_space<vmem>>, vector<16xf32>,
        %add3A_229 = arith.constant 1 : i32
        %add3A_230 = arith.addi %mul3A_97, %add3A_229 : i32
        %get3A_231 = arith.index_cast %add3A_230 : i32 to index
        %get3A_232 = arith.constant 96 : index
        %get3A_233 = tpu.vector_load %arg12[%get3A_231, %get3A_232] {strides = array<i32>} : memref<80x128xf32, #tpu.memory_space<vmem>>, vector<16xf32>,
        %mul3A_234 = arith.mulf %get3A_233, %gather3A_108 : vector<16xf32>
        %add3A_235 = arith.constant 1 : i32
        %add3A_236 = arith.addi %mul3A_97, %add3A_235 : i32
        %swap3A_237 = arith.index_cast %add3A_236 : i32 to index
        %swap3A_238 = arith.constant 96 : index
        %swap3A_239 = tpu.vector_load %arg12[%swap3A_237, %swap3A_238] {strides = array<i32>} : memref<80x128xf32, #tpu.memory_space<vmem>>, vector<16xf32>,
        tpu.vector_store %arg12[%swap3A_237, %swap3A_238], %mul3A_234 {strides = array<i32>} : memref<80x128xf32, #tpu.memory_space<vmem>>, vector<16xf32>,
        %add3A_240 = arith.constant 1 : i32
        %add3A_241 = arith.addi %mul3A_97, %add3A_240 : i32
        %get3A_242 = arith.index_cast %add3A_241 : i32 to index
        %get3A_243 = arith.constant 112 : index
        %get3A_244 = tpu.vector_load %arg12[%get3A_242, %get3A_243] {strides = array<i32>} : memref<80x128xf32, #tpu.memory_space<vmem>>, vector<16xf32>,
        %mul3A_245 = arith.mulf %get3A_244, %gather3A_108 : vector<16xf32>
        %add3A_246 = arith.constant 1 : i32
        %add3A_247 = arith.addi %mul3A_97, %add3A_246 : i32
        %swap3A_248 = arith.index_cast %add3A_247 : i32 to index
        %swap3A_249 = arith.constant 112 : index
        %swap3A_250 = tpu.vector_load %arg12[%swap3A_248, %swap3A_249] {strides = array<i32>} : memref<80x128xf32, #tpu.memory_space<vmem>>, vector<16xf32>,
        tpu.vector_store %arg12[%swap3A_248, %swap3A_249], %mul3A_245 {strides = array<i32>} : memref<80x128xf32, #tpu.memory_space<vmem>>, vector<16xf32>,
        %scan3A_251 = arith.constant 0 : i32
        scf.yield %scan3A_251 : i32
      }
      %scan3A_65 = arith.constant 40 : i32
      "tpu.region"() ({
        %run_scoped3A_94 = tpu.sem_alloc : memref<!tpu.dma_semaphore, #tpu.memory_space<semaphore_mem>>
        %dma_start3A_95 = arith.constant 0 : i32
        %dma_start3A_96 = tpu.memref_slice %arg10[%mul3A_44, %dma_start3A_95] : memref<125x80xi32, #tpu.memory_space<vmem>> -> memref<1x80xi32, #tpu.memory_space<vmem>>
        %dma_start3A_97 = tpu.memref_squeeze %dma_start3A_96 : memref<1x80xi32, #tpu.memory_space<vmem>> -> memref<80xi32, #tpu.memory_space<vmem>>
        %dma_start3A_98 = arith.constant 0 : i32
        %dma_start3A_99 = arith.constant 0 : i32
        %dma_start3A_100 = tpu.memref_slice %arg8[%dma_start3A_98, %dma_start3A_99] : memref<10000x128xf32, #tpu.memory_space<vmem_shared>> -> memref<10000x128xf32, #tpu.memory_space<vmem_shared>>
        tpu.enqueue_indirect_dma source(%arg12 : memref<80x128xf32, #tpu.memory_space<vmem>>) target(%dma_start3A_100 : memref<10000x128xf32, #tpu.memory_space<vmem_shared>>) offsets(%dma_start3A_97 : memref<80xi32, #tpu.memory_space<vmem>>) semaphore(%run_scoped3A_94 : memref<!tpu.dma_semaphore, #tpu.memory_space<semaphore_mem>>) {add = true}
        %dma_wait3A_101 = arith.constant 0 : i32
        %dma_wait3A_102 = tpu.memref_slice %arg10[%mul3A_44, %dma_wait3A_101] : memref<125x80xi32, #tpu.memory_space<vmem>> -> memref<1x80xi32, #tpu.memory_space<vmem>>
        %dma_wait3A_103 = tpu.memref_squeeze %dma_wait3A_102 : memref<1x80xi32, #tpu.memory_space<vmem>> -> memref<80xi32, #tpu.memory_space<vmem>>
        %dma_wait3A_104 = arith.constant 0 : i32
        %dma_wait3A_105 = arith.constant 0 : i32
        %dma_wait3A_106 = tpu.memref_slice %arg8[%dma_wait3A_104, %dma_wait3A_105] : memref<10000x128xf32, #tpu.memory_space<vmem_shared>> -> memref<10000x128xf32, #tpu.memory_space<vmem_shared>>
        tpu.wait_indirect_dma semaphore(%run_scoped3A_94 : memref<!tpu.dma_semaphore, #tpu.memory_space<semaphore_mem>>) src(%arg12 : memref<80x128xf32, #tpu.memory_space<vmem>>) dst(%dma_wait3A_106 : memref<10000x128xf32, #tpu.memory_space<vmem_shared>>)
        tpu.yield
      }) : () -> ()
      %add3A_66 = arith.constant 2 : i32
      %add3A_67 = arith.addi %mul3A_44, %add3A_66 : i32
      %dma_start3A_68 = arith.constant 0 : i32
      %dma_start3A_69 = tpu.memref_slice %arg9[%add3A_67, %dma_start3A_68] : memref<125x80xi32, #tpu.memory_space<vmem>> -> memref<1x80xi32, #tpu.memory_space<vmem>>
      %dma_start3A_70 = tpu.memref_squeeze %dma_start3A_69 : memref<1x80xi32, #tpu.memory_space<vmem>> -> memref<80xi32, #tpu.memory_space<vmem>>
      %dma_start3A_71 = arith.constant 0 : i32
      %dma_start3A_72 = arith.constant 0 : i32
      %dma_start3A_73 = tpu.memref_slice %arg2[%dma_start3A_71, %dma_start3A_72] : memref<80000x128xf32, #tpu.memory_space<hbm>> -> memref<80000x128xf32, #tpu.memory_space<hbm>>
      tpu.enqueue_indirect_dma source(%dma_start3A_73 : memref<80000x128xf32, #tpu.memory_space<hbm>>) target(%arg12 : memref<80x128xf32, #tpu.memory_space<vmem>>) offsets(%dma_start3A_70 : memref<80xi32, #tpu.memory_space<vmem>>) semaphore(%arg14 : memref<!tpu.dma_semaphore, #tpu.memory_space<semaphore_mem>>)
      %add3A_74 = arith.constant 1 : i32
      %add3A_75 = arith.addi %mul3A_44, %add3A_74 : i32
      %dma_wait3A_76 = arith.constant 0 : i32
      %dma_wait3A_77 = tpu.memref_slice %arg9[%add3A_75, %dma_wait3A_76] : memref<125x80xi32, #tpu.memory_space<vmem>> -> memref<1x80xi32, #tpu.memory_space<vmem>>
      %dma_wait3A_78 = tpu.memref_squeeze %dma_wait3A_77 : memref<1x80xi32, #tpu.memory_space<vmem>> -> memref<80xi32, #tpu.memory_space<vmem>>
      %dma_wait3A_79 = arith.constant 0 : i32
      %dma_wait3A_80 = arith.constant 0 : i32
      %dma_wait3A_81 = tpu.memref_slice %arg2[%dma_wait3A_79, %dma_wait3A_80] : memref<80000x128xf32, #tpu.memory_space<hbm>> -> memref<80000x128xf32, #tpu.memory_space<hbm>>
      tpu.wait_indirect_dma semaphore(%arg15 : memref<!tpu.dma_semaphore, #tpu.memory_space<semaphore_mem>>) src(%dma_wait3A_81 : memref<80000x128xf32, #tpu.memory_space<hbm>>) dst(%arg13 : memref<80x128xf32, #tpu.memory_space<vmem>>)
      %add3A_82 = arith.constant 1 : i32
      %add3A_83 = arith.addi %mul3A_44, %add3A_82 : i32
      %scan3A_84 = arith.constant 0 : i32
      %scan3A_85 = arith.constant 0 : i32
      %scan3A_86 = arith.constant 40 : i32
      %scan3A_87 = arith.addi %scan3A_85, %scan3A_86 : i32
      %scan3A_88 = arith.constant 1 : i32
      %scan3A_89 = scf.for %scan3A_94 = %scan3A_85 to %scan3A_87 step %scan3A_88 iter_args(%scan3A_95 = %scan3A_84) -> (i32)  : i32 {
        %mul3A_96 = arith.constant 2 : i32
        %mul3A_97 = arith.muli %scan3A_94, %mul3A_96 : i32
        %add3A_98 = vector.broadcast %add3A_83 : i32 to vector<16xi32>
        %add3A_99 = arith.addi %broadcast_in_dim3A_7, %add3A_98 : vector<16xi32>
        %add3A_100 = vector.broadcast %mul3A_97 : i32 to vector<16xi32>
        %add3A_101 = arith.addi %broadcast_in_dim3A_7, %add3A_100 : vector<16xi32>
        %gather3A = tpu.vector_load_idx %arg11[%add3A_99, %add3A_101] : memref<125x80xf32, #tpu.memory_space<vmem>>[vector<16xi32>, vector<16xi32>], vector<16xf32>,
        %add3A_102 = vector.broadcast %add3A_83 : i32 to vector<16xi32>
        %add3A_103 = arith.addi %broadcast_in_dim3A_7, %add3A_102 : vector<16xi32>
        %add3A_104 = arith.constant 1 : i32
        %add3A_105 = arith.addi %mul3A_97, %add3A_104 : i32
        %add3A_106 = vector.broadcast %add3A_105 : i32 to vector<16xi32>
        %add3A_107 = arith.addi %broadcast_in_dim3A_7, %add3A_106 : vector<16xi32>
        %gather3A_108 = tpu.vector_load_idx %arg11[%add3A_103, %add3A_107] : memref<125x80xf32, #tpu.memory_space<vmem>>[vector<16xi32>, vector<16xi32>], vector<16xf32>,
        %get3A = arith.index_cast %mul3A_97 : i32 to index
        %get3A_109 = arith.constant 0 : index
        %get3A_110 = tpu.vector_load %arg13[%get3A, %get3A_109] {strides = array<i32>} : memref<80x128xf32, #tpu.memory_space<vmem>>, vector<16xf32>,
        %mul3A_111 = arith.mulf %get3A_110, %gather3A : vector<16xf32>
        %swap3A = arith.index_cast %mul3A_97 : i32 to index
        %swap3A_112 = arith.constant 0 : index
        %swap3A_113 = tpu.vector_load %arg13[%swap3A, %swap3A_112] {strides = array<i32>} : memref<80x128xf32, #tpu.memory_space<vmem>>, vector<16xf32>,
        tpu.vector_store %arg13[%swap3A, %swap3A_112], %mul3A_111 {strides = array<i32>} : memref<80x128xf32, #tpu.memory_space<vmem>>, vector<16xf32>,
        %get3A_114 = arith.index_cast %mul3A_97 : i32 to index
        %get3A_115 = arith.constant 16 : index
        %get3A_116 = tpu.vector_load %arg13[%get3A_114, %get3A_115] {strides = array<i32>} : memref<80x128xf32, #tpu.memory_space<vmem>>, vector<16xf32>,
        %mul3A_117 = arith.mulf %get3A_116, %gather3A : vector<16xf32>
        %swap3A_118 = arith.index_cast %mul3A_97 : i32 to index
        %swap3A_119 = arith.constant 16 : index
        %swap3A_120 = tpu.vector_load %arg13[%swap3A_118, %swap3A_119] {strides = array<i32>} : memref<80x128xf32, #tpu.memory_space<vmem>>, vector<16xf32>,
        tpu.vector_store %arg13[%swap3A_118, %swap3A_119], %mul3A_117 {strides = array<i32>} : memref<80x128xf32, #tpu.memory_space<vmem>>, vector<16xf32>,
        %get3A_121 = arith.index_cast %mul3A_97 : i32 to index
        %get3A_122 = arith.constant 32 : index
        %get3A_123 = tpu.vector_load %arg13[%get3A_121, %get3A_122] {strides = array<i32>} : memref<80x128xf32, #tpu.memory_space<vmem>>, vector<16xf32>,
        %mul3A_124 = arith.mulf %get3A_123, %gather3A : vector<16xf32>
        %swap3A_125 = arith.index_cast %mul3A_97 : i32 to index
        %swap3A_126 = arith.constant 32 : index
        %swap3A_127 = tpu.vector_load %arg13[%swap3A_125, %swap3A_126] {strides = array<i32>} : memref<80x128xf32, #tpu.memory_space<vmem>>, vector<16xf32>,
        tpu.vector_store %arg13[%swap3A_125, %swap3A_126], %mul3A_124 {strides = array<i32>} : memref<80x128xf32, #tpu.memory_space<vmem>>, vector<16xf32>,
        %get3A_128 = arith.index_cast %mul3A_97 : i32 to index
        %get3A_129 = arith.constant 48 : index
        %get3A_130 = tpu.vector_load %arg13[%get3A_128, %get3A_129] {strides = array<i32>} : memref<80x128xf32, #tpu.memory_space<vmem>>, vector<16xf32>,
        %mul3A_131 = arith.mulf %get3A_130, %gather3A : vector<16xf32>
        %swap3A_132 = arith.index_cast %mul3A_97 : i32 to index
        %swap3A_133 = arith.constant 48 : index
        %swap3A_134 = tpu.vector_load %arg13[%swap3A_132, %swap3A_133] {strides = array<i32>} : memref<80x128xf32, #tpu.memory_space<vmem>>, vector<16xf32>,
        tpu.vector_store %arg13[%swap3A_132, %swap3A_133], %mul3A_131 {strides = array<i32>} : memref<80x128xf32, #tpu.memory_space<vmem>>, vector<16xf32>,
        %get3A_135 = arith.index_cast %mul3A_97 : i32 to index
        %get3A_136 = arith.constant 64 : index
        %get3A_137 = tpu.vector_load %arg13[%get3A_135, %get3A_136] {strides = array<i32>} : memref<80x128xf32, #tpu.memory_space<vmem>>, vector<16xf32>,
        %mul3A_138 = arith.mulf %get3A_137, %gather3A : vector<16xf32>
        %swap3A_139 = arith.index_cast %mul3A_97 : i32 to index
        %swap3A_140 = arith.constant 64 : index
        %swap3A_141 = tpu.vector_load %arg13[%swap3A_139, %swap3A_140] {strides = array<i32>} : memref<80x128xf32, #tpu.memory_space<vmem>>, vector<16xf32>,
        tpu.vector_store %arg13[%swap3A_139, %swap3A_140], %mul3A_138 {strides = array<i32>} : memref<80x128xf32, #tpu.memory_space<vmem>>, vector<16xf32>,
        %get3A_142 = arith.index_cast %mul3A_97 : i32 to index
        %get3A_143 = arith.constant 80 : index
        %get3A_144 = tpu.vector_load %arg13[%get3A_142, %get3A_143] {strides = array<i32>} : memref<80x128xf32, #tpu.memory_space<vmem>>, vector<16xf32>,
        %mul3A_145 = arith.mulf %get3A_144, %gather3A : vector<16xf32>
        %swap3A_146 = arith.index_cast %mul3A_97 : i32 to index
        %swap3A_147 = arith.constant 80 : index
        %swap3A_148 = tpu.vector_load %arg13[%swap3A_146, %swap3A_147] {strides = array<i32>} : memref<80x128xf32, #tpu.memory_space<vmem>>, vector<16xf32>,
        tpu.vector_store %arg13[%swap3A_146, %swap3A_147], %mul3A_145 {strides = array<i32>} : memref<80x128xf32, #tpu.memory_space<vmem>>, vector<16xf32>,
        %get3A_149 = arith.index_cast %mul3A_97 : i32 to index
        %get3A_150 = arith.constant 96 : index
        %get3A_151 = tpu.vector_load %arg13[%get3A_149, %get3A_150] {strides = array<i32>} : memref<80x128xf32, #tpu.memory_space<vmem>>, vector<16xf32>,
        %mul3A_152 = arith.mulf %get3A_151, %gather3A : vector<16xf32>
        %swap3A_153 = arith.index_cast %mul3A_97 : i32 to index
        %swap3A_154 = arith.constant 96 : index
        %swap3A_155 = tpu.vector_load %arg13[%swap3A_153, %swap3A_154] {strides = array<i32>} : memref<80x128xf32, #tpu.memory_space<vmem>>, vector<16xf32>,
        tpu.vector_store %arg13[%swap3A_153, %swap3A_154], %mul3A_152 {strides = array<i32>} : memref<80x128xf32, #tpu.memory_space<vmem>>, vector<16xf32>,
        %get3A_156 = arith.index_cast %mul3A_97 : i32 to index
        %get3A_157 = arith.constant 112 : index
        %get3A_158 = tpu.vector_load %arg13[%get3A_156, %get3A_157] {strides = array<i32>} : memref<80x128xf32, #tpu.memory_space<vmem>>, vector<16xf32>,
        %mul3A_159 = arith.mulf %get3A_158, %gather3A : vector<16xf32>
        %swap3A_160 = arith.index_cast %mul3A_97 : i32 to index
        %swap3A_161 = arith.constant 112 : index
        %swap3A_162 = tpu.vector_load %arg13[%swap3A_160, %swap3A_161] {strides = array<i32>} : memref<80x128xf32, #tpu.memory_space<vmem>>, vector<16xf32>,
        tpu.vector_store %arg13[%swap3A_160, %swap3A_161], %mul3A_159 {strides = array<i32>} : memref<80x128xf32, #tpu.memory_space<vmem>>, vector<16xf32>,
        %add3A_163 = arith.constant 1 : i32
        %add3A_164 = arith.addi %mul3A_97, %add3A_163 : i32
        %get3A_165 = arith.index_cast %add3A_164 : i32 to index
        %get3A_166 = arith.constant 0 : index
        %get3A_167 = tpu.vector_load %arg13[%get3A_165, %get3A_166] {strides = array<i32>} : memref<80x128xf32, #tpu.memory_space<vmem>>, vector<16xf32>,
        %mul3A_168 = arith.mulf %get3A_167, %gather3A_108 : vector<16xf32>
        %add3A_169 = arith.constant 1 : i32
        %add3A_170 = arith.addi %mul3A_97, %add3A_169 : i32
        %swap3A_171 = arith.index_cast %add3A_170 : i32 to index
        %swap3A_172 = arith.constant 0 : index
        %swap3A_173 = tpu.vector_load %arg13[%swap3A_171, %swap3A_172] {strides = array<i32>} : memref<80x128xf32, #tpu.memory_space<vmem>>, vector<16xf32>,
        tpu.vector_store %arg13[%swap3A_171, %swap3A_172], %mul3A_168 {strides = array<i32>} : memref<80x128xf32, #tpu.memory_space<vmem>>, vector<16xf32>,
        %add3A_174 = arith.constant 1 : i32
        %add3A_175 = arith.addi %mul3A_97, %add3A_174 : i32
        %get3A_176 = arith.index_cast %add3A_175 : i32 to index
        %get3A_177 = arith.constant 16 : index
        %get3A_178 = tpu.vector_load %arg13[%get3A_176, %get3A_177] {strides = array<i32>} : memref<80x128xf32, #tpu.memory_space<vmem>>, vector<16xf32>,
        %mul3A_179 = arith.mulf %get3A_178, %gather3A_108 : vector<16xf32>
        %add3A_180 = arith.constant 1 : i32
        %add3A_181 = arith.addi %mul3A_97, %add3A_180 : i32
        %swap3A_182 = arith.index_cast %add3A_181 : i32 to index
        %swap3A_183 = arith.constant 16 : index
        %swap3A_184 = tpu.vector_load %arg13[%swap3A_182, %swap3A_183] {strides = array<i32>} : memref<80x128xf32, #tpu.memory_space<vmem>>, vector<16xf32>,
        tpu.vector_store %arg13[%swap3A_182, %swap3A_183], %mul3A_179 {strides = array<i32>} : memref<80x128xf32, #tpu.memory_space<vmem>>, vector<16xf32>,
        %add3A_185 = arith.constant 1 : i32
        %add3A_186 = arith.addi %mul3A_97, %add3A_185 : i32
        %get3A_187 = arith.index_cast %add3A_186 : i32 to index
        %get3A_188 = arith.constant 32 : index
        %get3A_189 = tpu.vector_load %arg13[%get3A_187, %get3A_188] {strides = array<i32>} : memref<80x128xf32, #tpu.memory_space<vmem>>, vector<16xf32>,
        %mul3A_190 = arith.mulf %get3A_189, %gather3A_108 : vector<16xf32>
        %add3A_191 = arith.constant 1 : i32
        %add3A_192 = arith.addi %mul3A_97, %add3A_191 : i32
        %swap3A_193 = arith.index_cast %add3A_192 : i32 to index
        %swap3A_194 = arith.constant 32 : index
        %swap3A_195 = tpu.vector_load %arg13[%swap3A_193, %swap3A_194] {strides = array<i32>} : memref<80x128xf32, #tpu.memory_space<vmem>>, vector<16xf32>,
        tpu.vector_store %arg13[%swap3A_193, %swap3A_194], %mul3A_190 {strides = array<i32>} : memref<80x128xf32, #tpu.memory_space<vmem>>, vector<16xf32>,
        %add3A_196 = arith.constant 1 : i32
        %add3A_197 = arith.addi %mul3A_97, %add3A_196 : i32
        %get3A_198 = arith.index_cast %add3A_197 : i32 to index
        %get3A_199 = arith.constant 48 : index
        %get3A_200 = tpu.vector_load %arg13[%get3A_198, %get3A_199] {strides = array<i32>} : memref<80x128xf32, #tpu.memory_space<vmem>>, vector<16xf32>,
        %mul3A_201 = arith.mulf %get3A_200, %gather3A_108 : vector<16xf32>
        %add3A_202 = arith.constant 1 : i32
        %add3A_203 = arith.addi %mul3A_97, %add3A_202 : i32
        %swap3A_204 = arith.index_cast %add3A_203 : i32 to index
        %swap3A_205 = arith.constant 48 : index
        %swap3A_206 = tpu.vector_load %arg13[%swap3A_204, %swap3A_205] {strides = array<i32>} : memref<80x128xf32, #tpu.memory_space<vmem>>, vector<16xf32>,
        tpu.vector_store %arg13[%swap3A_204, %swap3A_205], %mul3A_201 {strides = array<i32>} : memref<80x128xf32, #tpu.memory_space<vmem>>, vector<16xf32>,
        %add3A_207 = arith.constant 1 : i32
        %add3A_208 = arith.addi %mul3A_97, %add3A_207 : i32
        %get3A_209 = arith.index_cast %add3A_208 : i32 to index
        %get3A_210 = arith.constant 64 : index
        %get3A_211 = tpu.vector_load %arg13[%get3A_209, %get3A_210] {strides = array<i32>} : memref<80x128xf32, #tpu.memory_space<vmem>>, vector<16xf32>,
        %mul3A_212 = arith.mulf %get3A_211, %gather3A_108 : vector<16xf32>
        %add3A_213 = arith.constant 1 : i32
        %add3A_214 = arith.addi %mul3A_97, %add3A_213 : i32
        %swap3A_215 = arith.index_cast %add3A_214 : i32 to index
        %swap3A_216 = arith.constant 64 : index
        %swap3A_217 = tpu.vector_load %arg13[%swap3A_215, %swap3A_216] {strides = array<i32>} : memref<80x128xf32, #tpu.memory_space<vmem>>, vector<16xf32>,
        tpu.vector_store %arg13[%swap3A_215, %swap3A_216], %mul3A_212 {strides = array<i32>} : memref<80x128xf32, #tpu.memory_space<vmem>>, vector<16xf32>,
        %add3A_218 = arith.constant 1 : i32
        %add3A_219 = arith.addi %mul3A_97, %add3A_218 : i32
        %get3A_220 = arith.index_cast %add3A_219 : i32 to index
        %get3A_221 = arith.constant 80 : index
        %get3A_222 = tpu.vector_load %arg13[%get3A_220, %get3A_221] {strides = array<i32>} : memref<80x128xf32, #tpu.memory_space<vmem>>, vector<16xf32>,
        %mul3A_223 = arith.mulf %get3A_222, %gather3A_108 : vector<16xf32>
        %add3A_224 = arith.constant 1 : i32
        %add3A_225 = arith.addi %mul3A_97, %add3A_224 : i32
        %swap3A_226 = arith.index_cast %add3A_225 : i32 to index
        %swap3A_227 = arith.constant 80 : index
        %swap3A_228 = tpu.vector_load %arg13[%swap3A_226, %swap3A_227] {strides = array<i32>} : memref<80x128xf32, #tpu.memory_space<vmem>>, vector<16xf32>,
        tpu.vector_store %arg13[%swap3A_226, %swap3A_227], %mul3A_223 {strides = array<i32>} : memref<80x128xf32, #tpu.memory_space<vmem>>, vector<16xf32>,
        %add3A_229 = arith.constant 1 : i32
        %add3A_230 = arith.addi %mul3A_97, %add3A_229 : i32
        %get3A_231 = arith.index_cast %add3A_230 : i32 to index
        %get3A_232 = arith.constant 96 : index
        %get3A_233 = tpu.vector_load %arg13[%get3A_231, %get3A_232] {strides = array<i32>} : memref<80x128xf32, #tpu.memory_space<vmem>>, vector<16xf32>,
        %mul3A_234 = arith.mulf %get3A_233, %gather3A_108 : vector<16xf32>
        %add3A_235 = arith.constant 1 : i32
        %add3A_236 = arith.addi %mul3A_97, %add3A_235 : i32
        %swap3A_237 = arith.index_cast %add3A_236 : i32 to index
        %swap3A_238 = arith.constant 96 : index
        %swap3A_239 = tpu.vector_load %arg13[%swap3A_237, %swap3A_238] {strides = array<i32>} : memref<80x128xf32, #tpu.memory_space<vmem>>, vector<16xf32>,
        tpu.vector_store %arg13[%swap3A_237, %swap3A_238], %mul3A_234 {strides = array<i32>} : memref<80x128xf32, #tpu.memory_space<vmem>>, vector<16xf32>,
        %add3A_240 = arith.constant 1 : i32
        %add3A_241 = arith.addi %mul3A_97, %add3A_240 : i32
        %get3A_242 = arith.index_cast %add3A_241 : i32 to index
        %get3A_243 = arith.constant 112 : index
        %get3A_244 = tpu.vector_load %arg13[%get3A_242, %get3A_243] {strides = array<i32>} : memref<80x128xf32, #tpu.memory_space<vmem>>, vector<16xf32>,
        %mul3A_245 = arith.mulf %get3A_244, %gather3A_108 : vector<16xf32>
        %add3A_246 = arith.constant 1 : i32
        %add3A_247 = arith.addi %mul3A_97, %add3A_246 : i32
        %swap3A_248 = arith.index_cast %add3A_247 : i32 to index
        %swap3A_249 = arith.constant 112 : index
        %swap3A_250 = tpu.vector_load %arg13[%swap3A_248, %swap3A_249] {strides = array<i32>} : memref<80x128xf32, #tpu.memory_space<vmem>>, vector<16xf32>,
        tpu.vector_store %arg13[%swap3A_248, %swap3A_249], %mul3A_245 {strides = array<i32>} : memref<80x128xf32, #tpu.memory_space<vmem>>, vector<16xf32>,
        %scan3A_251 = arith.constant 0 : i32
        scf.yield %scan3A_251 : i32
      }
      %scan3A_90 = arith.constant 40 : i32
      %add3A_91 = arith.constant 1 : i32
      %add3A_92 = arith.addi %mul3A_44, %add3A_91 : i32
      "tpu.region"() ({
        %run_scoped3A_94 = tpu.sem_alloc : memref<!tpu.dma_semaphore, #tpu.memory_space<semaphore_mem>>
        %dma_start3A_95 = arith.constant 0 : i32
        %dma_start3A_96 = tpu.memref_slice %arg10[%add3A_92, %dma_start3A_95] : memref<125x80xi32, #tpu.memory_space<vmem>> -> memref<1x80xi32, #tpu.memory_space<vmem>>
        %dma_start3A_97 = tpu.memref_squeeze %dma_start3A_96 : memref<1x80xi32, #tpu.memory_space<vmem>> -> memref<80xi32, #tpu.memory_space<vmem>>
        %dma_start3A_98 = arith.constant 0 : i32
        %dma_start3A_99 = arith.constant 0 : i32
        %dma_start3A_100 = tpu.memref_slice %arg8[%dma_start3A_98, %dma_start3A_99] : memref<10000x128xf32, #tpu.memory_space<vmem_shared>> -> memref<10000x128xf32, #tpu.memory_space<vmem_shared>>
        tpu.enqueue_indirect_dma source(%arg13 : memref<80x128xf32, #tpu.memory_space<vmem>>) target(%dma_start3A_100 : memref<10000x128xf32, #tpu.memory_space<vmem_shared>>) offsets(%dma_start3A_97 : memref<80xi32, #tpu.memory_space<vmem>>) semaphore(%run_scoped3A_94 : memref<!tpu.dma_semaphore, #tpu.memory_space<semaphore_mem>>) {add = true}
        %dma_wait3A_101 = arith.constant 0 : i32
        %dma_wait3A_102 = tpu.memref_slice %arg10[%add3A_92, %dma_wait3A_101] : memref<125x80xi32, #tpu.memory_space<vmem>> -> memref<1x80xi32, #tpu.memory_space<vmem>>
        %dma_wait3A_103 = tpu.memref_squeeze %dma_wait3A_102 : memref<1x80xi32, #tpu.memory_space<vmem>> -> memref<80xi32, #tpu.memory_space<vmem>>
        %dma_wait3A_104 = arith.constant 0 : i32
        %dma_wait3A_105 = arith.constant 0 : i32
        %dma_wait3A_106 = tpu.memref_slice %arg8[%dma_wait3A_104, %dma_wait3A_105] : memref<10000x128xf32, #tpu.memory_space<vmem_shared>> -> memref<10000x128xf32, #tpu.memory_space<vmem_shared>>
        tpu.wait_indirect_dma semaphore(%run_scoped3A_94 : memref<!tpu.dma_semaphore, #tpu.memory_space<semaphore_mem>>) src(%arg13 : memref<80x128xf32, #tpu.memory_space<vmem>>) dst(%dma_wait3A_106 : memref<10000x128xf32, #tpu.memory_space<vmem_shared>>)
        tpu.yield
      }) : () -> ()
      %scan3A_93 = arith.constant 0 : i32
      scf.yield %scan3A_93 : i32
    }
    %scan3A_19 = arith.constant 62 : i32
    %dma_wait3A = arith.constant 124 : i32
    %dma_wait3A_20 = arith.constant 0 : i32
    %dma_wait3A_21 = tpu.memref_slice %arg9[%dma_wait3A, %dma_wait3A_20] : memref<125x80xi32, #tpu.memory_space<vmem>> -> memref<1x80xi32, #tpu.memory_space<vmem>>
    %dma_wait3A_22 = tpu.memref_squeeze %dma_wait3A_21 : memref<1x80xi32, #tpu.memory_space<vmem>> -> memref<80xi32, #tpu.memory_space<vmem>>
    %dma_wait3A_23 = arith.constant 0 : i32
    %dma_wait3A_24 = arith.constant 0 : i32
    %dma_wait3A_25 = tpu.memref_slice %arg2[%dma_wait3A_23, %dma_wait3A_24] : memref<80000x128xf32, #tpu.memory_space<hbm>> -> memref<80000x128xf32, #tpu.memory_space<hbm>>
    tpu.wait_indirect_dma semaphore(%arg14 : memref<!tpu.dma_semaphore, #tpu.memory_space<semaphore_mem>>) src(%dma_wait3A_25 : memref<80000x128xf32, #tpu.memory_space<hbm>>) dst(%arg12 : memref<80x128xf32, #tpu.memory_space<vmem>>)
    %scan3A_26 = arith.constant 0 : i32
    %scan3A_27 = arith.constant 0 : i32
    %scan3A_28 = arith.constant 40 : i32
    %scan3A_29 = arith.addi %scan3A_27, %scan3A_28 : i32
    %scan3A_30 = arith.constant 1 : i32
    %scan3A_31 = scf.for %scan3A_41 = %scan3A_27 to %scan3A_29 step %scan3A_30 iter_args(%scan3A_42 = %scan3A_26) -> (i32)  : i32 {
      %mul3A_43 = arith.constant 2 : i32
      %mul3A_44 = arith.muli %scan3A_41, %mul3A_43 : i32
      %add3A_45 = arith.constant 124 : i32
      %add3A_46 = vector.broadcast %add3A_45 : i32 to vector<16xi32>
      %add3A_47 = arith.addi %broadcast_in_dim3A_7, %add3A_46 : vector<16xi32>
      %add3A_48 = vector.broadcast %mul3A_44 : i32 to vector<16xi32>
      %add3A_49 = arith.addi %broadcast_in_dim3A_7, %add3A_48 : vector<16xi32>
      %gather3A = tpu.vector_load_idx %arg11[%add3A_47, %add3A_49] : memref<125x80xf32, #tpu.memory_space<vmem>>[vector<16xi32>, vector<16xi32>], vector<16xf32>,
      %add3A_50 = arith.constant 124 : i32
      %add3A_51 = vector.broadcast %add3A_50 : i32 to vector<16xi32>
      %add3A_52 = arith.addi %broadcast_in_dim3A_7, %add3A_51 : vector<16xi32>
      %add3A_53 = arith.constant 1 : i32
      %add3A_54 = arith.addi %mul3A_44, %add3A_53 : i32
      %add3A_55 = vector.broadcast %add3A_54 : i32 to vector<16xi32>
      %add3A_56 = arith.addi %broadcast_in_dim3A_7, %add3A_55 : vector<16xi32>
      %gather3A_57 = tpu.vector_load_idx %arg11[%add3A_52, %add3A_56] : memref<125x80xf32, #tpu.memory_space<vmem>>[vector<16xi32>, vector<16xi32>], vector<16xf32>,
      %get3A = arith.index_cast %mul3A_44 : i32 to index
      %get3A_58 = arith.constant 0 : index
      %get3A_59 = tpu.vector_load %arg12[%get3A, %get3A_58] {strides = array<i32>} : memref<80x128xf32, #tpu.memory_space<vmem>>, vector<16xf32>,
      %mul3A_60 = arith.mulf %get3A_59, %gather3A : vector<16xf32>
      %swap3A = arith.index_cast %mul3A_44 : i32 to index
      %swap3A_61 = arith.constant 0 : index
      %swap3A_62 = tpu.vector_load %arg12[%swap3A, %swap3A_61] {strides = array<i32>} : memref<80x128xf32, #tpu.memory_space<vmem>>, vector<16xf32>,
      tpu.vector_store %arg12[%swap3A, %swap3A_61], %mul3A_60 {strides = array<i32>} : memref<80x128xf32, #tpu.memory_space<vmem>>, vector<16xf32>,
      %get3A_63 = arith.index_cast %mul3A_44 : i32 to index
      %get3A_64 = arith.constant 16 : index
      %get3A_65 = tpu.vector_load %arg12[%get3A_63, %get3A_64] {strides = array<i32>} : memref<80x128xf32, #tpu.memory_space<vmem>>, vector<16xf32>,
      %mul3A_66 = arith.mulf %get3A_65, %gather3A : vector<16xf32>
      %swap3A_67 = arith.index_cast %mul3A_44 : i32 to index
      %swap3A_68 = arith.constant 16 : index
      %swap3A_69 = tpu.vector_load %arg12[%swap3A_67, %swap3A_68] {strides = array<i32>} : memref<80x128xf32, #tpu.memory_space<vmem>>, vector<16xf32>,
      tpu.vector_store %arg12[%swap3A_67, %swap3A_68], %mul3A_66 {strides = array<i32>} : memref<80x128xf32, #tpu.memory_space<vmem>>, vector<16xf32>,
      %get3A_70 = arith.index_cast %mul3A_44 : i32 to index
      %get3A_71 = arith.constant 32 : index
      %get3A_72 = tpu.vector_load %arg12[%get3A_70, %get3A_71] {strides = array<i32>} : memref<80x128xf32, #tpu.memory_space<vmem>>, vector<16xf32>,
      %mul3A_73 = arith.mulf %get3A_72, %gather3A : vector<16xf32>
      %swap3A_74 = arith.index_cast %mul3A_44 : i32 to index
      %swap3A_75 = arith.constant 32 : index
      %swap3A_76 = tpu.vector_load %arg12[%swap3A_74, %swap3A_75] {strides = array<i32>} : memref<80x128xf32, #tpu.memory_space<vmem>>, vector<16xf32>,
      tpu.vector_store %arg12[%swap3A_74, %swap3A_75], %mul3A_73 {strides = array<i32>} : memref<80x128xf32, #tpu.memory_space<vmem>>, vector<16xf32>,
      %get3A_77 = arith.index_cast %mul3A_44 : i32 to index
      %get3A_78 = arith.constant 48 : index
      %get3A_79 = tpu.vector_load %arg12[%get3A_77, %get3A_78] {strides = array<i32>} : memref<80x128xf32, #tpu.memory_space<vmem>>, vector<16xf32>,
      %mul3A_80 = arith.mulf %get3A_79, %gather3A : vector<16xf32>
      %swap3A_81 = arith.index_cast %mul3A_44 : i32 to index
      %swap3A_82 = arith.constant 48 : index
      %swap3A_83 = tpu.vector_load %arg12[%swap3A_81, %swap3A_82] {strides = array<i32>} : memref<80x128xf32, #tpu.memory_space<vmem>>, vector<16xf32>,
      tpu.vector_store %arg12[%swap3A_81, %swap3A_82], %mul3A_80 {strides = array<i32>} : memref<80x128xf32, #tpu.memory_space<vmem>>, vector<16xf32>,
      %get3A_84 = arith.index_cast %mul3A_44 : i32 to index
      %get3A_85 = arith.constant 64 : index
      %get3A_86 = tpu.vector_load %arg12[%get3A_84, %get3A_85] {strides = array<i32>} : memref<80x128xf32, #tpu.memory_space<vmem>>, vector<16xf32>,
      %mul3A_87 = arith.mulf %get3A_86, %gather3A : vector<16xf32>
      %swap3A_88 = arith.index_cast %mul3A_44 : i32 to index
      %swap3A_89 = arith.constant 64 : index
      %swap3A_90 = tpu.vector_load %arg12[%swap3A_88, %swap3A_89] {strides = array<i32>} : memref<80x128xf32, #tpu.memory_space<vmem>>, vector<16xf32>,
      tpu.vector_store %arg12[%swap3A_88, %swap3A_89], %mul3A_87 {strides = array<i32>} : memref<80x128xf32, #tpu.memory_space<vmem>>, vector<16xf32>,
      %get3A_91 = arith.index_cast %mul3A_44 : i32 to index
      %get3A_92 = arith.constant 80 : index
      %get3A_93 = tpu.vector_load %arg12[%get3A_91, %get3A_92] {strides = array<i32>} : memref<80x128xf32, #tpu.memory_space<vmem>>, vector<16xf32>,
      %mul3A_94 = arith.mulf %get3A_93, %gather3A : vector<16xf32>
      %swap3A_95 = arith.index_cast %mul3A_44 : i32 to index
      %swap3A_96 = arith.constant 80 : index
      %swap3A_97 = tpu.vector_load %arg12[%swap3A_95, %swap3A_96] {strides = array<i32>} : memref<80x128xf32, #tpu.memory_space<vmem>>, vector<16xf32>,
      tpu.vector_store %arg12[%swap3A_95, %swap3A_96], %mul3A_94 {strides = array<i32>} : memref<80x128xf32, #tpu.memory_space<vmem>>, vector<16xf32>,
      %get3A_98 = arith.index_cast %mul3A_44 : i32 to index
      %get3A_99 = arith.constant 96 : index
      %get3A_100 = tpu.vector_load %arg12[%get3A_98, %get3A_99] {strides = array<i32>} : memref<80x128xf32, #tpu.memory_space<vmem>>, vector<16xf32>,
      %mul3A_101 = arith.mulf %get3A_100, %gather3A : vector<16xf32>
      %swap3A_102 = arith.index_cast %mul3A_44 : i32 to index
      %swap3A_103 = arith.constant 96 : index
      %swap3A_104 = tpu.vector_load %arg12[%swap3A_102, %swap3A_103] {strides = array<i32>} : memref<80x128xf32, #tpu.memory_space<vmem>>, vector<16xf32>,
      tpu.vector_store %arg12[%swap3A_102, %swap3A_103], %mul3A_101 {strides = array<i32>} : memref<80x128xf32, #tpu.memory_space<vmem>>, vector<16xf32>,
      %get3A_105 = arith.index_cast %mul3A_44 : i32 to index
      %get3A_106 = arith.constant 112 : index
      %get3A_107 = tpu.vector_load %arg12[%get3A_105, %get3A_106] {strides = array<i32>} : memref<80x128xf32, #tpu.memory_space<vmem>>, vector<16xf32>,
      %mul3A_108 = arith.mulf %get3A_107, %gather3A : vector<16xf32>
      %swap3A_109 = arith.index_cast %mul3A_44 : i32 to index
      %swap3A_110 = arith.constant 112 : index
      %swap3A_111 = tpu.vector_load %arg12[%swap3A_109, %swap3A_110] {strides = array<i32>} : memref<80x128xf32, #tpu.memory_space<vmem>>, vector<16xf32>,
      tpu.vector_store %arg12[%swap3A_109, %swap3A_110], %mul3A_108 {strides = array<i32>} : memref<80x128xf32, #tpu.memory_space<vmem>>, vector<16xf32>,
      %add3A_112 = arith.constant 1 : i32
      %add3A_113 = arith.addi %mul3A_44, %add3A_112 : i32
      %get3A_114 = arith.index_cast %add3A_113 : i32 to index
      %get3A_115 = arith.constant 0 : index
      %get3A_116 = tpu.vector_load %arg12[%get3A_114, %get3A_115] {strides = array<i32>} : memref<80x128xf32, #tpu.memory_space<vmem>>, vector<16xf32>,
      %mul3A_117 = arith.mulf %get3A_116, %gather3A_57 : vector<16xf32>
      %add3A_118 = arith.constant 1 : i32
      %add3A_119 = arith.addi %mul3A_44, %add3A_118 : i32
      %swap3A_120 = arith.index_cast %add3A_119 : i32 to index
      %swap3A_121 = arith.constant 0 : index
      %swap3A_122 = tpu.vector_load %arg12[%swap3A_120, %swap3A_121] {strides = array<i32>} : memref<80x128xf32, #tpu.memory_space<vmem>>, vector<16xf32>,
      tpu.vector_store %arg12[%swap3A_120, %swap3A_121], %mul3A_117 {strides = array<i32>} : memref<80x128xf32, #tpu.memory_space<vmem>>, vector<16xf32>,
      %add3A_123 = arith.constant 1 : i32
      %add3A_124 = arith.addi %mul3A_44, %add3A_123 : i32
      %get3A_125 = arith.index_cast %add3A_124 : i32 to index
      %get3A_126 = arith.constant 16 : index
      %get3A_127 = tpu.vector_load %arg12[%get3A_125, %get3A_126] {strides = array<i32>} : memref<80x128xf32, #tpu.memory_space<vmem>>, vector<16xf32>,
      %mul3A_128 = arith.mulf %get3A_127, %gather3A_57 : vector<16xf32>
      %add3A_129 = arith.constant 1 : i32
      %add3A_130 = arith.addi %mul3A_44, %add3A_129 : i32
      %swap3A_131 = arith.index_cast %add3A_130 : i32 to index
      %swap3A_132 = arith.constant 16 : index
      %swap3A_133 = tpu.vector_load %arg12[%swap3A_131, %swap3A_132] {strides = array<i32>} : memref<80x128xf32, #tpu.memory_space<vmem>>, vector<16xf32>,
      tpu.vector_store %arg12[%swap3A_131, %swap3A_132], %mul3A_128 {strides = array<i32>} : memref<80x128xf32, #tpu.memory_space<vmem>>, vector<16xf32>,
      %add3A_134 = arith.constant 1 : i32
      %add3A_135 = arith.addi %mul3A_44, %add3A_134 : i32
      %get3A_136 = arith.index_cast %add3A_135 : i32 to index
      %get3A_137 = arith.constant 32 : index
      %get3A_138 = tpu.vector_load %arg12[%get3A_136, %get3A_137] {strides = array<i32>} : memref<80x128xf32, #tpu.memory_space<vmem>>, vector<16xf32>,
      %mul3A_139 = arith.mulf %get3A_138, %gather3A_57 : vector<16xf32>
      %add3A_140 = arith.constant 1 : i32
      %add3A_141 = arith.addi %mul3A_44, %add3A_140 : i32
      %swap3A_142 = arith.index_cast %add3A_141 : i32 to index
      %swap3A_143 = arith.constant 32 : index
      %swap3A_144 = tpu.vector_load %arg12[%swap3A_142, %swap3A_143] {strides = array<i32>} : memref<80x128xf32, #tpu.memory_space<vmem>>, vector<16xf32>,
      tpu.vector_store %arg12[%swap3A_142, %swap3A_143], %mul3A_139 {strides = array<i32>} : memref<80x128xf32, #tpu.memory_space<vmem>>, vector<16xf32>,
      %add3A_145 = arith.constant 1 : i32
      %add3A_146 = arith.addi %mul3A_44, %add3A_145 : i32
      %get3A_147 = arith.index_cast %add3A_146 : i32 to index
      %get3A_148 = arith.constant 48 : index
      %get3A_149 = tpu.vector_load %arg12[%get3A_147, %get3A_148] {strides = array<i32>} : memref<80x128xf32, #tpu.memory_space<vmem>>, vector<16xf32>,
      %mul3A_150 = arith.mulf %get3A_149, %gather3A_57 : vector<16xf32>
      %add3A_151 = arith.constant 1 : i32
      %add3A_152 = arith.addi %mul3A_44, %add3A_151 : i32
      %swap3A_153 = arith.index_cast %add3A_152 : i32 to index
      %swap3A_154 = arith.constant 48 : index
      %swap3A_155 = tpu.vector_load %arg12[%swap3A_153, %swap3A_154] {strides = array<i32>} : memref<80x128xf32, #tpu.memory_space<vmem>>, vector<16xf32>,
      tpu.vector_store %arg12[%swap3A_153, %swap3A_154], %mul3A_150 {strides = array<i32>} : memref<80x128xf32, #tpu.memory_space<vmem>>, vector<16xf32>,
      %add3A_156 = arith.constant 1 : i32
      %add3A_157 = arith.addi %mul3A_44, %add3A_156 : i32
      %get3A_158 = arith.index_cast %add3A_157 : i32 to index
      %get3A_159 = arith.constant 64 : index
      %get3A_160 = tpu.vector_load %arg12[%get3A_158, %get3A_159] {strides = array<i32>} : memref<80x128xf32, #tpu.memory_space<vmem>>, vector<16xf32>,
      %mul3A_161 = arith.mulf %get3A_160, %gather3A_57 : vector<16xf32>
      %add3A_162 = arith.constant 1 : i32
      %add3A_163 = arith.addi %mul3A_44, %add3A_162 : i32
      %swap3A_164 = arith.index_cast %add3A_163 : i32 to index
      %swap3A_165 = arith.constant 64 : index
      %swap3A_166 = tpu.vector_load %arg12[%swap3A_164, %swap3A_165] {strides = array<i32>} : memref<80x128xf32, #tpu.memory_space<vmem>>, vector<16xf32>,
      tpu.vector_store %arg12[%swap3A_164, %swap3A_165], %mul3A_161 {strides = array<i32>} : memref<80x128xf32, #tpu.memory_space<vmem>>, vector<16xf32>,
      %add3A_167 = arith.constant 1 : i32
      %add3A_168 = arith.addi %mul3A_44, %add3A_167 : i32
      %get3A_169 = arith.index_cast %add3A_168 : i32 to index
      %get3A_170 = arith.constant 80 : index
      %get3A_171 = tpu.vector_load %arg12[%get3A_169, %get3A_170] {strides = array<i32>} : memref<80x128xf32, #tpu.memory_space<vmem>>, vector<16xf32>,
      %mul3A_172 = arith.mulf %get3A_171, %gather3A_57 : vector<16xf32>
      %add3A_173 = arith.constant 1 : i32
      %add3A_174 = arith.addi %mul3A_44, %add3A_173 : i32
      %swap3A_175 = arith.index_cast %add3A_174 : i32 to index
      %swap3A_176 = arith.constant 80 : index
      %swap3A_177 = tpu.vector_load %arg12[%swap3A_175, %swap3A_176] {strides = array<i32>} : memref<80x128xf32, #tpu.memory_space<vmem>>, vector<16xf32>,
      tpu.vector_store %arg12[%swap3A_175, %swap3A_176], %mul3A_172 {strides = array<i32>} : memref<80x128xf32, #tpu.memory_space<vmem>>, vector<16xf32>,
      %add3A_178 = arith.constant 1 : i32
      %add3A_179 = arith.addi %mul3A_44, %add3A_178 : i32
      %get3A_180 = arith.index_cast %add3A_179 : i32 to index
      %get3A_181 = arith.constant 96 : index
      %get3A_182 = tpu.vector_load %arg12[%get3A_180, %get3A_181] {strides = array<i32>} : memref<80x128xf32, #tpu.memory_space<vmem>>, vector<16xf32>,
      %mul3A_183 = arith.mulf %get3A_182, %gather3A_57 : vector<16xf32>
      %add3A_184 = arith.constant 1 : i32
      %add3A_185 = arith.addi %mul3A_44, %add3A_184 : i32
      %swap3A_186 = arith.index_cast %add3A_185 : i32 to index
      %swap3A_187 = arith.constant 96 : index
      %swap3A_188 = tpu.vector_load %arg12[%swap3A_186, %swap3A_187] {strides = array<i32>} : memref<80x128xf32, #tpu.memory_space<vmem>>, vector<16xf32>,
      tpu.vector_store %arg12[%swap3A_186, %swap3A_187], %mul3A_183 {strides = array<i32>} : memref<80x128xf32, #tpu.memory_space<vmem>>, vector<16xf32>,
      %add3A_189 = arith.constant 1 : i32
      %add3A_190 = arith.addi %mul3A_44, %add3A_189 : i32
      %get3A_191 = arith.index_cast %add3A_190 : i32 to index
      %get3A_192 = arith.constant 112 : index
      %get3A_193 = tpu.vector_load %arg12[%get3A_191, %get3A_192] {strides = array<i32>} : memref<80x128xf32, #tpu.memory_space<vmem>>, vector<16xf32>,
      %mul3A_194 = arith.mulf %get3A_193, %gather3A_57 : vector<16xf32>
      %add3A_195 = arith.constant 1 : i32
      %add3A_196 = arith.addi %mul3A_44, %add3A_195 : i32
      %swap3A_197 = arith.index_cast %add3A_196 : i32 to index
      %swap3A_198 = arith.constant 112 : index
      %swap3A_199 = tpu.vector_load %arg12[%swap3A_197, %swap3A_198] {strides = array<i32>} : memref<80x128xf32, #tpu.memory_space<vmem>>, vector<16xf32>,
      tpu.vector_store %arg12[%swap3A_197, %swap3A_198], %mul3A_194 {strides = array<i32>} : memref<80x128xf32, #tpu.memory_space<vmem>>, vector<16xf32>,
      %scan3A_200 = arith.constant 0 : i32
      scf.yield %scan3A_200 : i32
    }
    %scan3A_32 = arith.constant 40 : i32
    %run_scoped3A = arith.constant 124 : i32
    "tpu.region"() ({
      %run_scoped3A_41 = tpu.sem_alloc : memref<!tpu.dma_semaphore, #tpu.memory_space<semaphore_mem>>
      %dma_start3A_42 = arith.constant 0 : i32
      %dma_start3A_43 = tpu.memref_slice %arg10[%run_scoped3A, %dma_start3A_42] : memref<125x80xi32, #tpu.memory_space<vmem>> -> memref<1x80xi32, #tpu.memory_space<vmem>>
      %dma_start3A_44 = tpu.memref_squeeze %dma_start3A_43 : memref<1x80xi32, #tpu.memory_space<vmem>> -> memref<80xi32, #tpu.memory_space<vmem>>
      %dma_start3A_45 = arith.constant 0 : i32
      %dma_start3A_46 = arith.constant 0 : i32
      %dma_start3A_47 = tpu.memref_slice %arg8[%dma_start3A_45, %dma_start3A_46] : memref<10000x128xf32, #tpu.memory_space<vmem_shared>> -> memref<10000x128xf32, #tpu.memory_space<vmem_shared>>
      tpu.enqueue_indirect_dma source(%arg12 : memref<80x128xf32, #tpu.memory_space<vmem>>) target(%dma_start3A_47 : memref<10000x128xf32, #tpu.memory_space<vmem_shared>>) offsets(%dma_start3A_44 : memref<80xi32, #tpu.memory_space<vmem>>) semaphore(%run_scoped3A_41 : memref<!tpu.dma_semaphore, #tpu.memory_space<semaphore_mem>>) {add = true}
      %dma_wait3A_48 = arith.constant 0 : i32
      %dma_wait3A_49 = tpu.memref_slice %arg10[%run_scoped3A, %dma_wait3A_48] : memref<125x80xi32, #tpu.memory_space<vmem>> -> memref<1x80xi32, #tpu.memory_space<vmem>>
      %dma_wait3A_50 = tpu.memref_squeeze %dma_wait3A_49 : memref<1x80xi32, #tpu.memory_space<vmem>> -> memref<80xi32, #tpu.memory_space<vmem>>
      %dma_wait3A_51 = arith.constant 0 : i32
      %dma_wait3A_52 = arith.constant 0 : i32
      %dma_wait3A_53 = tpu.memref_slice %arg8[%dma_wait3A_51, %dma_wait3A_52] : memref<10000x128xf32, #tpu.memory_space<vmem_shared>> -> memref<10000x128xf32, #tpu.memory_space<vmem_shared>>
      tpu.wait_indirect_dma semaphore(%run_scoped3A_41 : memref<!tpu.dma_semaphore, #tpu.memory_space<semaphore_mem>>) src(%arg12 : memref<80x128xf32, #tpu.memory_space<vmem>>) dst(%dma_wait3A_53 : memref<10000x128xf32, #tpu.memory_space<vmem_shared>>)
      tpu.yield
    }) : () -> ()
    %barrier3A_33 = arith.constant 0 : index
    tpu.barrier barrier_id(%barrier3A_33)
    %mul3A_34 = arith.constant 625 : i32
    %mul3A_35 = arith.muli %arg1, %mul3A_34 : i32
    %mul3A_36 = arith.constant 10000 : i32
    %mul3A_37 = arith.muli %arg0, %mul3A_36 : i32
    %mul3A_38 = arith.constant 625 : i32
    %mul3A_39 = arith.muli %arg1, %mul3A_38 : i32
    %add3A_40 = arith.addi %mul3A_37, %mul3A_39 : i32
    "tpu.region"() ({
      %run_scoped3A_41 = tpu.sem_alloc : memref<!tpu.dma_semaphore, #tpu.memory_space<semaphore_mem>>
      %dma_start3A_42 = arith.constant 0 : i32
      %dma_start3A_43 = tpu.memref_slice %arg7[%add3A_40, %dma_start3A_42] : memref<20000x128xf32, #tpu.memory_space<hbm>> -> memref<625x128xf32, #tpu.memory_space<hbm>>
      %dma_start3A_44 = arith.constant 0 : i32
      %dma_start3A_45 = tpu.memref_slice %arg8[%mul3A_35, %dma_start3A_44] : memref<10000x128xf32, #tpu.memory_space<vmem_shared>> -> memref<625x128xf32, #tpu.memory_space<vmem_shared>>
      tpu.enqueue_dma source(%dma_start3A_45 : memref<625x128xf32, #tpu.memory_space<vmem_shared>>) target(%dma_start3A_43 : memref<625x128xf32, #tpu.memory_space<hbm>>) target_semaphore(%run_scoped3A_41 : memref<!tpu.dma_semaphore, #tpu.memory_space<semaphore_mem>>)
      %dma_wait3A_46 = arith.constant 0 : i32
      %dma_wait3A_47 = tpu.memref_slice %arg7[%add3A_40, %dma_wait3A_46] : memref<20000x128xf32, #tpu.memory_space<hbm>> -> memref<625x128xf32, #tpu.memory_space<hbm>>
      %dma_wait3A_48 = arith.constant 0 : i32
      %dma_wait3A_49 = tpu.memref_slice %arg8[%mul3A_35, %dma_wait3A_48] : memref<10000x128xf32, #tpu.memory_space<vmem_shared>> -> memref<625x128xf32, #tpu.memory_space<vmem_shared>>
      tpu.wait_dma2 semaphore(%run_scoped3A_41 : memref<!tpu.dma_semaphore, #tpu.memory_space<semaphore_mem>>) src(%dma_wait3A_49 : memref<625x128xf32, #tpu.memory_space<vmem_shared>>) dst(%dma_wait3A_47 : memref<625x128xf32, #tpu.memory_space<hbm>>)
      tpu.yield
    }) : () -> ()
    return
  }
}

#map = affine_map<(d0, d1) -> (0, 0)>
module attributes {stable_mosaic.version = 14 : i64} {
  func.func @_sc_prep(%arg0: i32, %arg1: i32, %arg2: memref<4000x80xi32, #tpu.memory_space<hbm>>, %arg3: memref<4000x80xi32, #tpu.memory_space<hbm>>, %arg4: memref<4000x80xi32, #tpu.memory_space<hbm>>, %arg5: memref<4000x80xf32, #tpu.memory_space<hbm>>, %arg6: memref<4000x80xi32, #tpu.memory_space<hbm>>, %arg7: memref<80000xf32, #tpu.memory_space<vmem_shared>>, %arg8: memref<80000xf32, #tpu.memory_space<vmem>>, %arg9: memref<25x80xi32, #tpu.memory_space<vmem>>, %arg10: memref<25x80xi32, #tpu.memory_space<vmem>>, %arg11: memref<25x80xi32, #tpu.memory_space<vmem>>, %arg12: memref<25x80xi32, #tpu.memory_space<vmem>>, %arg13: memref<25x80xi32, #tpu.memory_space<vmem>>, %arg14: memref<25x80xf32, #tpu.memory_space<vmem>>, %arg15: memref<80xf32, #tpu.memory_space<vmem>>, %arg16: memref<5008xf32, #tpu.memory_space<vmem>>, %arg17: memref<!tpu.dma_semaphore, #tpu.memory_space<semaphore_mem>>) attributes {dimension_semantics = [#tpu.dimension_semantics<core_parallel>, #tpu.dimension_semantics<subcore_parallel>], iteration_bounds = array<i64: 2, 16>, scalar_prefetch = 0 : i64, scratch_operands = 11 : i64, tpu.core_type = #tpu.core_type<sc_vector_subcore>, window_params = [{transform_indices = #map}, {transform_indices = #map}, {transform_indices = #map}, {transform_indices = #map}, {transform_indices = #map}]} {
    %mul3A = arith.constant 2 : i32
    %mul3A_0 = arith.muli %arg1, %mul3A : i32
    %add3A = arith.addi %mul3A_0, %arg0 : i32
    %broadcast_in_dim3A = arith.constant 1.000000e+00 : f32
    %broadcast_in_dim3A_1 = vector.broadcast %broadcast_in_dim3A : f32 to vector<16xf32>
    %swap3A = arith.constant 0 : index
    %swap3A_2 = tpu.vector_load %arg15[%swap3A] {strides = array<i32>} : memref<80xf32, #tpu.memory_space<vmem>>, vector<16xf32>,
    tpu.vector_store %arg15[%swap3A], %broadcast_in_dim3A_1 {strides = array<i32>} : memref<80xf32, #tpu.memory_space<vmem>>, vector<16xf32>,
    %broadcast_in_dim3A_3 = arith.constant 1.000000e+00 : f32
    %broadcast_in_dim3A_4 = vector.broadcast %broadcast_in_dim3A_3 : f32 to vector<16xf32>
    %swap3A_5 = arith.constant 16 : index
    %swap3A_6 = tpu.vector_load %arg15[%swap3A_5] {strides = array<i32>} : memref<80xf32, #tpu.memory_space<vmem>>, vector<16xf32>,
    tpu.vector_store %arg15[%swap3A_5], %broadcast_in_dim3A_4 {strides = array<i32>} : memref<80xf32, #tpu.memory_space<vmem>>, vector<16xf32>,
    %broadcast_in_dim3A_7 = arith.constant 1.000000e+00 : f32
    %broadcast_in_dim3A_8 = vector.broadcast %broadcast_in_dim3A_7 : f32 to vector<16xf32>
    %swap3A_9 = arith.constant 32 : index
    %swap3A_10 = tpu.vector_load %arg15[%swap3A_9] {strides = array<i32>} : memref<80xf32, #tpu.memory_space<vmem>>, vector<16xf32>,
    tpu.vector_store %arg15[%swap3A_9], %broadcast_in_dim3A_8 {strides = array<i32>} : memref<80xf32, #tpu.memory_space<vmem>>, vector<16xf32>,
    %broadcast_in_dim3A_11 = arith.constant 1.000000e+00 : f32
    %broadcast_in_dim3A_12 = vector.broadcast %broadcast_in_dim3A_11 : f32 to vector<16xf32>
    %swap3A_13 = arith.constant 48 : index
    %swap3A_14 = tpu.vector_load %arg15[%swap3A_13] {strides = array<i32>} : memref<80xf32, #tpu.memory_space<vmem>>, vector<16xf32>,
    tpu.vector_store %arg15[%swap3A_13], %broadcast_in_dim3A_12 {strides = array<i32>} : memref<80xf32, #tpu.memory_space<vmem>>, vector<16xf32>,
    %broadcast_in_dim3A_15 = arith.constant 1.000000e+00 : f32
    %broadcast_in_dim3A_16 = vector.broadcast %broadcast_in_dim3A_15 : f32 to vector<16xf32>
    %swap3A_17 = arith.constant 64 : index
    %swap3A_18 = tpu.vector_load %arg15[%swap3A_17] {strides = array<i32>} : memref<80xf32, #tpu.memory_space<vmem>>, vector<16xf32>,
    tpu.vector_store %arg15[%swap3A_17], %broadcast_in_dim3A_16 {strides = array<i32>} : memref<80xf32, #tpu.memory_space<vmem>>, vector<16xf32>,
    %scan3A = arith.constant 0 : i32
    %scan3A_19 = arith.constant 0 : i32
    %scan3A_20 = arith.constant 313 : i32
    %scan3A_21 = arith.addi %scan3A_19, %scan3A_20 : i32
    %scan3A_22 = arith.constant 1 : i32
    %scan3A_23 = scf.for %scan3A_42 = %scan3A_19 to %scan3A_21 step %scan3A_22 iter_args(%scan3A_43 = %scan3A) -> (i32)  : i32 {
      %broadcast_in_dim3A_44 = arith.constant 0.000000e+00 : f32
      %broadcast_in_dim3A_45 = vector.broadcast %broadcast_in_dim3A_44 : f32 to vector<16xf32>
      %mul3A_46 = arith.constant 16 : i32
      %mul3A_47 = arith.muli %scan3A_42, %mul3A_46 : i32
      %swap3A_48 = arith.index_cast %mul3A_47 : i32 to index
      %swap3A_49 = tpu.vector_load %arg16[%swap3A_48] {strides = array<i32>} : memref<5008xf32, #tpu.memory_space<vmem>>, vector<16xf32>,
      tpu.vector_store %arg16[%swap3A_48], %broadcast_in_dim3A_45 {strides = array<i32>} : memref<5008xf32, #tpu.memory_space<vmem>>, vector<16xf32>,
      %scan3A_50 = arith.constant 0 : i32
      scf.yield %scan3A_50 : i32
    }
    %scan3A_24 = arith.constant 313 : i32
    %mul3A_25 = arith.constant 5000 : i32
    %mul3A_26 = arith.muli %arg1, %mul3A_25 : i32
    "tpu.region"() ({
      %run_scoped3A = tpu.sem_alloc : memref<!tpu.dma_semaphore, #tpu.memory_space<semaphore_mem>>
      %dma_start3A = arith.constant 0 : i32
      %dma_start3A_42 = tpu.memref_slice %arg16[%dma_start3A] : memref<5008xf32, #tpu.memory_space<vmem>> -> memref<5000xf32, #tpu.memory_space<vmem>>
      %dma_start3A_43 = tpu.memref_slice %arg7[%mul3A_26] : memref<80000xf32, #tpu.memory_space<vmem_shared>> -> memref<5000xf32, #tpu.memory_space<vmem_shared>>
      %dma_start3A_44 = tpu.memref_slice %arg7[%mul3A_26] : memref<80000xf32, #tpu.memory_space<vmem_shared>> -> memref<5000xf32, #tpu.memory_space<vmem_shared>>
      %dma_start3A_45 = arith.constant 0 : i32
      %dma_start3A_46 = tpu.memref_slice %arg16[%dma_start3A_45] : memref<5008xf32, #tpu.memory_space<vmem>> -> memref<5000xf32, #tpu.memory_space<vmem>>
      tpu.enqueue_dma source(%dma_start3A_46 : memref<5000xf32, #tpu.memory_space<vmem>>) target(%dma_start3A_44 : memref<5000xf32, #tpu.memory_space<vmem_shared>>) target_semaphore(%run_scoped3A : memref<!tpu.dma_semaphore, #tpu.memory_space<semaphore_mem>>)
      %dma_wait3A = arith.constant 0 : i32
      %dma_wait3A_47 = tpu.memref_slice %arg16[%dma_wait3A] : memref<5008xf32, #tpu.memory_space<vmem>> -> memref<5000xf32, #tpu.memory_space<vmem>>
      %dma_wait3A_48 = tpu.memref_slice %arg7[%mul3A_26] : memref<80000xf32, #tpu.memory_space<vmem_shared>> -> memref<5000xf32, #tpu.memory_space<vmem_shared>>
      %dma_wait3A_49 = tpu.memref_slice %arg7[%mul3A_26] : memref<80000xf32, #tpu.memory_space<vmem_shared>> -> memref<5000xf32, #tpu.memory_space<vmem_shared>>
      %dma_wait3A_50 = arith.constant 0 : i32
      %dma_wait3A_51 = tpu.memref_slice %arg16[%dma_wait3A_50] : memref<5008xf32, #tpu.memory_space<vmem>> -> memref<5000xf32, #tpu.memory_space<vmem>>
      tpu.wait_dma2 semaphore(%run_scoped3A : memref<!tpu.dma_semaphore, #tpu.memory_space<semaphore_mem>>) src(%dma_wait3A_51 : memref<5000xf32, #tpu.memory_space<vmem>>) dst(%dma_wait3A_49 : memref<5000xf32, #tpu.memory_space<vmem_shared>>)
      tpu.yield
    }) : () -> ()
    %barrier3A = arith.constant 0 : index
    tpu.barrier barrier_id(%barrier3A)
    %scan3A_27 = arith.constant 0 : i32
    %scan3A_28 = arith.constant 0 : i32
    %scan3A_29 = arith.constant 10 : i32
    %scan3A_30 = arith.addi %scan3A_28, %scan3A_29 : i32
    %scan3A_31 = arith.constant 1 : i32
    %scan3A_32 = scf.for %scan3A_42 = %scan3A_28 to %scan3A_30 step %scan3A_31 iter_args(%scan3A_43 = %scan3A_27) -> (i32)  : i32 {
      %mul3A_44 = arith.constant 250 : i32
      %mul3A_45 = arith.muli %arg1, %mul3A_44 : i32
      %mul3A_46 = arith.constant 25 : i32
      %mul3A_47 = arith.muli %scan3A_42, %mul3A_46 : i32
      %add3A_48 = arith.addi %mul3A_45, %mul3A_47 : i32
      "tpu.region"() ({
        %run_scoped3A = tpu.sem_alloc : memref<!tpu.dma_semaphore, #tpu.memory_space<semaphore_mem>>
        %dma_start3A = arith.constant 0 : i32
        %dma_start3A_64 = tpu.memref_slice %arg2[%add3A_48, %dma_start3A] : memref<4000x80xi32, #tpu.memory_space<hbm>> -> memref<25x80xi32, #tpu.memory_space<hbm>>
        %dma_start3A_65 = arith.constant 0 : i32
        %dma_start3A_66 = tpu.memref_slice %arg2[%add3A_48, %dma_start3A_65] : memref<4000x80xi32, #tpu.memory_space<hbm>> -> memref<25x80xi32, #tpu.memory_space<hbm>>
        tpu.enqueue_dma source(%dma_start3A_66 : memref<25x80xi32, #tpu.memory_space<hbm>>) target(%arg9 : memref<25x80xi32, #tpu.memory_space<vmem>>) target_semaphore(%run_scoped3A : memref<!tpu.dma_semaphore, #tpu.memory_space<semaphore_mem>>)
        %dma_wait3A = arith.constant 0 : i32
        %dma_wait3A_67 = tpu.memref_slice %arg2[%add3A_48, %dma_wait3A] : memref<4000x80xi32, #tpu.memory_space<hbm>> -> memref<25x80xi32, #tpu.memory_space<hbm>>
        %dma_wait3A_68 = arith.constant 0 : i32
        %dma_wait3A_69 = tpu.memref_slice %arg2[%add3A_48, %dma_wait3A_68] : memref<4000x80xi32, #tpu.memory_space<hbm>> -> memref<25x80xi32, #tpu.memory_space<hbm>>
        tpu.wait_dma2 semaphore(%run_scoped3A : memref<!tpu.dma_semaphore, #tpu.memory_space<semaphore_mem>>) src(%dma_wait3A_69 : memref<25x80xi32, #tpu.memory_space<hbm>>) dst(%arg9 : memref<25x80xi32, #tpu.memory_space<vmem>>)
        tpu.yield
      }) : () -> ()
      "tpu.region"() ({
        %run_scoped3A = tpu.sem_alloc : memref<!tpu.dma_semaphore, #tpu.memory_space<semaphore_mem>>
        %dma_start3A = arith.constant 0 : i32
        %dma_start3A_64 = tpu.memref_slice %arg3[%add3A_48, %dma_start3A] : memref<4000x80xi32, #tpu.memory_space<hbm>> -> memref<25x80xi32, #tpu.memory_space<hbm>>
        %dma_start3A_65 = arith.constant 0 : i32
        %dma_start3A_66 = tpu.memref_slice %arg3[%add3A_48, %dma_start3A_65] : memref<4000x80xi32, #tpu.memory_space<hbm>> -> memref<25x80xi32, #tpu.memory_space<hbm>>
        tpu.enqueue_dma source(%dma_start3A_66 : memref<25x80xi32, #tpu.memory_space<hbm>>) target(%arg10 : memref<25x80xi32, #tpu.memory_space<vmem>>) target_semaphore(%run_scoped3A : memref<!tpu.dma_semaphore, #tpu.memory_space<semaphore_mem>>)
        %dma_wait3A = arith.constant 0 : i32
        %dma_wait3A_67 = tpu.memref_slice %arg3[%add3A_48, %dma_wait3A] : memref<4000x80xi32, #tpu.memory_space<hbm>> -> memref<25x80xi32, #tpu.memory_space<hbm>>
        %dma_wait3A_68 = arith.constant 0 : i32
        %dma_wait3A_69 = tpu.memref_slice %arg3[%add3A_48, %dma_wait3A_68] : memref<4000x80xi32, #tpu.memory_space<hbm>> -> memref<25x80xi32, #tpu.memory_space<hbm>>
        tpu.wait_dma2 semaphore(%run_scoped3A : memref<!tpu.dma_semaphore, #tpu.memory_space<semaphore_mem>>) src(%dma_wait3A_69 : memref<25x80xi32, #tpu.memory_space<hbm>>) dst(%arg10 : memref<25x80xi32, #tpu.memory_space<vmem>>)
        tpu.yield
      }) : () -> ()
      %scan3A_49 = arith.constant 0 : i32
      %scan3A_50 = arith.constant 0 : i32
      %scan3A_51 = arith.constant 25 : i32
      %scan3A_52 = arith.addi %scan3A_50, %scan3A_51 : i32
      %scan3A_53 = arith.constant 1 : i32
      %scan3A_54 = scf.for %scan3A_64 = %scan3A_50 to %scan3A_52 step %scan3A_53 iter_args(%scan3A_65 = %scan3A_49) -> (i32)  : i32 {
        %get3A = arith.index_cast %scan3A_64 : i32 to index
        %get3A_66 = arith.constant 0 : index
        %get3A_67 = tpu.vector_load %arg9[%get3A, %get3A_66] {strides = array<i32>} : memref<25x80xi32, #tpu.memory_space<vmem>>, vector<16xi32>,
        %mul3A_68 = arith.constant 10000 : i32
        %mul3A_69 = vector.broadcast %mul3A_68 : i32 to vector<16xi32>
        %mul3A_70 = arith.muli %get3A_67, %mul3A_69 : vector<16xi32>
        %get3A_71 = arith.index_cast %scan3A_64 : i32 to index
        %get3A_72 = arith.constant 0 : index
        %get3A_73 = tpu.vector_load %arg10[%get3A_71, %get3A_72] {strides = array<i32>} : memref<25x80xi32, #tpu.memory_space<vmem>>, vector<16xi32>,
        %add3A_74 = arith.addi %mul3A_70, %get3A_73 : vector<16xi32>
        %swap3A_75 = arith.index_cast %scan3A_64 : i32 to index
        %swap3A_76 = arith.constant 0 : index
        %swap3A_77 = tpu.vector_load %arg12[%swap3A_75, %swap3A_76] {strides = array<i32>} : memref<25x80xi32, #tpu.memory_space<vmem>>, vector<16xi32>,
        tpu.vector_store %arg12[%swap3A_75, %swap3A_76], %add3A_74 {strides = array<i32>} : memref<25x80xi32, #tpu.memory_space<vmem>>, vector<16xi32>,
        %get3A_78 = arith.index_cast %scan3A_64 : i32 to index
        %get3A_79 = arith.constant 16 : index
        %get3A_80 = tpu.vector_load %arg9[%get3A_78, %get3A_79] {strides = array<i32>} : memref<25x80xi32, #tpu.memory_space<vmem>>, vector<16xi32>,
        %mul3A_81 = arith.constant 10000 : i32
        %mul3A_82 = vector.broadcast %mul3A_81 : i32 to vector<16xi32>
        %mul3A_83 = arith.muli %get3A_80, %mul3A_82 : vector<16xi32>
        %get3A_84 = arith.index_cast %scan3A_64 : i32 to index
        %get3A_85 = arith.constant 16 : index
        %get3A_86 = tpu.vector_load %arg10[%get3A_84, %get3A_85] {strides = array<i32>} : memref<25x80xi32, #tpu.memory_space<vmem>>, vector<16xi32>,
        %add3A_87 = arith.addi %mul3A_83, %get3A_86 : vector<16xi32>
        %swap3A_88 = arith.index_cast %scan3A_64 : i32 to index
        %swap3A_89 = arith.constant 16 : index
        %swap3A_90 = tpu.vector_load %arg12[%swap3A_88, %swap3A_89] {strides = array<i32>} : memref<25x80xi32, #tpu.memory_space<vmem>>, vector<16xi32>,
        tpu.vector_store %arg12[%swap3A_88, %swap3A_89], %add3A_87 {strides = array<i32>} : memref<25x80xi32, #tpu.memory_space<vmem>>, vector<16xi32>,
        %get3A_91 = arith.index_cast %scan3A_64 : i32 to index
        %get3A_92 = arith.constant 32 : index
        %get3A_93 = tpu.vector_load %arg9[%get3A_91, %get3A_92] {strides = array<i32>} : memref<25x80xi32, #tpu.memory_space<vmem>>, vector<16xi32>,
        %mul3A_94 = arith.constant 10000 : i32
        %mul3A_95 = vector.broadcast %mul3A_94 : i32 to vector<16xi32>
        %mul3A_96 = arith.muli %get3A_93, %mul3A_95 : vector<16xi32>
        %get3A_97 = arith.index_cast %scan3A_64 : i32 to index
        %get3A_98 = arith.constant 32 : index
        %get3A_99 = tpu.vector_load %arg10[%get3A_97, %get3A_98] {strides = array<i32>} : memref<25x80xi32, #tpu.memory_space<vmem>>, vector<16xi32>,
        %add3A_100 = arith.addi %mul3A_96, %get3A_99 : vector<16xi32>
        %swap3A_101 = arith.index_cast %scan3A_64 : i32 to index
        %swap3A_102 = arith.constant 32 : index
        %swap3A_103 = tpu.vector_load %arg12[%swap3A_101, %swap3A_102] {strides = array<i32>} : memref<25x80xi32, #tpu.memory_space<vmem>>, vector<16xi32>,
        tpu.vector_store %arg12[%swap3A_101, %swap3A_102], %add3A_100 {strides = array<i32>} : memref<25x80xi32, #tpu.memory_space<vmem>>, vector<16xi32>,
        %get3A_104 = arith.index_cast %scan3A_64 : i32 to index
        %get3A_105 = arith.constant 48 : index
        %get3A_106 = tpu.vector_load %arg9[%get3A_104, %get3A_105] {strides = array<i32>} : memref<25x80xi32, #tpu.memory_space<vmem>>, vector<16xi32>,
        %mul3A_107 = arith.constant 10000 : i32
        %mul3A_108 = vector.broadcast %mul3A_107 : i32 to vector<16xi32>
        %mul3A_109 = arith.muli %get3A_106, %mul3A_108 : vector<16xi32>
        %get3A_110 = arith.index_cast %scan3A_64 : i32 to index
        %get3A_111 = arith.constant 48 : index
        %get3A_112 = tpu.vector_load %arg10[%get3A_110, %get3A_111] {strides = array<i32>} : memref<25x80xi32, #tpu.memory_space<vmem>>, vector<16xi32>,
        %add3A_113 = arith.addi %mul3A_109, %get3A_112 : vector<16xi32>
        %swap3A_114 = arith.index_cast %scan3A_64 : i32 to index
        %swap3A_115 = arith.constant 48 : index
        %swap3A_116 = tpu.vector_load %arg12[%swap3A_114, %swap3A_115] {strides = array<i32>} : memref<25x80xi32, #tpu.memory_space<vmem>>, vector<16xi32>,
        tpu.vector_store %arg12[%swap3A_114, %swap3A_115], %add3A_113 {strides = array<i32>} : memref<25x80xi32, #tpu.memory_space<vmem>>, vector<16xi32>,
        %get3A_117 = arith.index_cast %scan3A_64 : i32 to index
        %get3A_118 = arith.constant 64 : index
        %get3A_119 = tpu.vector_load %arg9[%get3A_117, %get3A_118] {strides = array<i32>} : memref<25x80xi32, #tpu.memory_space<vmem>>, vector<16xi32>,
        %mul3A_120 = arith.constant 10000 : i32
        %mul3A_121 = vector.broadcast %mul3A_120 : i32 to vector<16xi32>
        %mul3A_122 = arith.muli %get3A_119, %mul3A_121 : vector<16xi32>
        %get3A_123 = arith.index_cast %scan3A_64 : i32 to index
        %get3A_124 = arith.constant 64 : index
        %get3A_125 = tpu.vector_load %arg10[%get3A_123, %get3A_124] {strides = array<i32>} : memref<25x80xi32, #tpu.memory_space<vmem>>, vector<16xi32>,
        %add3A_126 = arith.addi %mul3A_122, %get3A_125 : vector<16xi32>
        %swap3A_127 = arith.index_cast %scan3A_64 : i32 to index
        %swap3A_128 = arith.constant 64 : index
        %swap3A_129 = tpu.vector_load %arg12[%swap3A_127, %swap3A_128] {strides = array<i32>} : memref<25x80xi32, #tpu.memory_space<vmem>>, vector<16xi32>,
        tpu.vector_store %arg12[%swap3A_127, %swap3A_128], %add3A_126 {strides = array<i32>} : memref<25x80xi32, #tpu.memory_space<vmem>>, vector<16xi32>,
        %scan3A_130 = arith.constant 0 : i32
        scf.yield %scan3A_130 : i32
      }
      %scan3A_55 = arith.constant 25 : i32
      %scan3A_56 = arith.constant 0 : i32
      %scan3A_57 = arith.constant 0 : i32
      %scan3A_58 = arith.constant 25 : i32
      %scan3A_59 = arith.addi %scan3A_57, %scan3A_58 : i32
      %scan3A_60 = arith.constant 1 : i32
      %scan3A_61 = scf.for %scan3A_64 = %scan3A_57 to %scan3A_59 step %scan3A_60 iter_args(%scan3A_65 = %scan3A_56) -> (i32)  : i32 {
        "tpu.region"() ({
          %run_scoped3A = tpu.sem_alloc : memref<!tpu.dma_semaphore, #tpu.memory_space<semaphore_mem>>
          %dma_start3A = arith.constant 0 : i32
          %dma_start3A_67 = tpu.memref_slice %arg12[%scan3A_64, %dma_start3A] : memref<25x80xi32, #tpu.memory_space<vmem>> -> memref<1x80xi32, #tpu.memory_space<vmem>>
          %dma_start3A_68 = tpu.memref_squeeze %dma_start3A_67 : memref<1x80xi32, #tpu.memory_space<vmem>> -> memref<80xi32, #tpu.memory_space<vmem>>
          %dma_start3A_69 = arith.constant 0 : i32
          %dma_start3A_70 = tpu.memref_slice %arg7[%dma_start3A_69] : memref<80000xf32, #tpu.memory_space<vmem_shared>> -> memref<80000xf32, #tpu.memory_space<vmem_shared>>
          tpu.enqueue_indirect_dma source(%arg15 : memref<80xf32, #tpu.memory_space<vmem>>) target(%dma_start3A_70 : memref<80000xf32, #tpu.memory_space<vmem_shared>>) offsets(%dma_start3A_68 : memref<80xi32, #tpu.memory_space<vmem>>) semaphore(%run_scoped3A : memref<!tpu.dma_semaphore, #tpu.memory_space<semaphore_mem>>) {add = true}
          %dma_wait3A = arith.constant 0 : i32
          %dma_wait3A_71 = tpu.memref_slice %arg12[%scan3A_64, %dma_wait3A] : memref<25x80xi32, #tpu.memory_space<vmem>> -> memref<1x80xi32, #tpu.memory_space<vmem>>
          %dma_wait3A_72 = tpu.memref_squeeze %dma_wait3A_71 : memref<1x80xi32, #tpu.memory_space<vmem>> -> memref<80xi32, #tpu.memory_space<vmem>>
          %dma_wait3A_73 = arith.constant 0 : i32
          %dma_wait3A_74 = tpu.memref_slice %arg7[%dma_wait3A_73] : memref<80000xf32, #tpu.memory_space<vmem_shared>> -> memref<80000xf32, #tpu.memory_space<vmem_shared>>
          tpu.wait_indirect_dma semaphore(%run_scoped3A : memref<!tpu.dma_semaphore, #tpu.memory_space<semaphore_mem>>) src(%arg15 : memref<80xf32, #tpu.memory_space<vmem>>) dst(%dma_wait3A_74 : memref<80000xf32, #tpu.memory_space<vmem_shared>>)
          tpu.yield
        }) : () -> ()
        %scan3A_66 = arith.constant 0 : i32
        scf.yield %scan3A_66 : i32
      }
      %scan3A_62 = arith.constant 25 : i32
      %scan3A_63 = arith.constant 0 : i32
      scf.yield %scan3A_63 : i32
    }
    %scan3A_33 = arith.constant 10 : i32
    %barrier3A_34 = arith.constant 0 : index
    tpu.barrier barrier_id(%barrier3A_34)
    "tpu.region"() ({
      %run_scoped3A = tpu.sem_alloc : memref<!tpu.dma_semaphore, #tpu.memory_space<semaphore_mem>>
      tpu.enqueue_dma source(%arg7 : memref<80000xf32, #tpu.memory_space<vmem_shared>>) target(%arg8 : memref<80000xf32, #tpu.memory_space<vmem>>) target_semaphore(%run_scoped3A : memref<!tpu.dma_semaphore, #tpu.memory_space<semaphore_mem>>)
      tpu.wait_dma2 semaphore(%run_scoped3A : memref<!tpu.dma_semaphore, #tpu.memory_space<semaphore_mem>>) src(%arg7 : memref<80000xf32, #tpu.memory_space<vmem_shared>>) dst(%arg8 : memref<80000xf32, #tpu.memory_space<vmem>>)
      tpu.yield
    }) : () -> ()
    %scan3A_35 = arith.constant 0 : i32
    %scan3A_36 = arith.constant 0 : i32
    %scan3A_37 = arith.constant 5 : i32
    %scan3A_38 = arith.addi %scan3A_36, %scan3A_37 : i32
    %scan3A_39 = arith.constant 1 : i32
    %scan3A_40 = scf.for %scan3A_42 = %scan3A_36 to %scan3A_38 step %scan3A_39 iter_args(%scan3A_43 = %scan3A_35) -> (i32)  : i32 {
      %mul3A_44 = arith.constant 125 : i32
      %mul3A_45 = arith.muli %add3A, %mul3A_44 : i32
      %mul3A_46 = arith.constant 25 : i32
      %mul3A_47 = arith.muli %scan3A_42, %mul3A_46 : i32
      %add3A_48 = arith.addi %mul3A_45, %mul3A_47 : i32
      "tpu.region"() ({
        %run_scoped3A = tpu.sem_alloc : memref<!tpu.dma_semaphore, #tpu.memory_space<semaphore_mem>>
        %dma_start3A = arith.constant 0 : i32
        %dma_start3A_57 = tpu.memref_slice %arg2[%add3A_48, %dma_start3A] : memref<4000x80xi32, #tpu.memory_space<hbm>> -> memref<25x80xi32, #tpu.memory_space<hbm>>
        %dma_start3A_58 = arith.constant 0 : i32
        %dma_start3A_59 = tpu.memref_slice %arg2[%add3A_48, %dma_start3A_58] : memref<4000x80xi32, #tpu.memory_space<hbm>> -> memref<25x80xi32, #tpu.memory_space<hbm>>
        tpu.enqueue_dma source(%dma_start3A_59 : memref<25x80xi32, #tpu.memory_space<hbm>>) target(%arg9 : memref<25x80xi32, #tpu.memory_space<vmem>>) target_semaphore(%run_scoped3A : memref<!tpu.dma_semaphore, #tpu.memory_space<semaphore_mem>>)
        %dma_wait3A = arith.constant 0 : i32
        %dma_wait3A_60 = tpu.memref_slice %arg2[%add3A_48, %dma_wait3A] : memref<4000x80xi32, #tpu.memory_space<hbm>> -> memref<25x80xi32, #tpu.memory_space<hbm>>
        %dma_wait3A_61 = arith.constant 0 : i32
        %dma_wait3A_62 = tpu.memref_slice %arg2[%add3A_48, %dma_wait3A_61] : memref<4000x80xi32, #tpu.memory_space<hbm>> -> memref<25x80xi32, #tpu.memory_space<hbm>>
        tpu.wait_dma2 semaphore(%run_scoped3A : memref<!tpu.dma_semaphore, #tpu.memory_space<semaphore_mem>>) src(%dma_wait3A_62 : memref<25x80xi32, #tpu.memory_space<hbm>>) dst(%arg9 : memref<25x80xi32, #tpu.memory_space<vmem>>)
        tpu.yield
      }) : () -> ()
      "tpu.region"() ({
        %run_scoped3A = tpu.sem_alloc : memref<!tpu.dma_semaphore, #tpu.memory_space<semaphore_mem>>
        %dma_start3A = arith.constant 0 : i32
        %dma_start3A_57 = tpu.memref_slice %arg3[%add3A_48, %dma_start3A] : memref<4000x80xi32, #tpu.memory_space<hbm>> -> memref<25x80xi32, #tpu.memory_space<hbm>>
        %dma_start3A_58 = arith.constant 0 : i32
        %dma_start3A_59 = tpu.memref_slice %arg3[%add3A_48, %dma_start3A_58] : memref<4000x80xi32, #tpu.memory_space<hbm>> -> memref<25x80xi32, #tpu.memory_space<hbm>>
        tpu.enqueue_dma source(%dma_start3A_59 : memref<25x80xi32, #tpu.memory_space<hbm>>) target(%arg10 : memref<25x80xi32, #tpu.memory_space<vmem>>) target_semaphore(%run_scoped3A : memref<!tpu.dma_semaphore, #tpu.memory_space<semaphore_mem>>)
        %dma_wait3A = arith.constant 0 : i32
        %dma_wait3A_60 = tpu.memref_slice %arg3[%add3A_48, %dma_wait3A] : memref<4000x80xi32, #tpu.memory_space<hbm>> -> memref<25x80xi32, #tpu.memory_space<hbm>>
        %dma_wait3A_61 = arith.constant 0 : i32
        %dma_wait3A_62 = tpu.memref_slice %arg3[%add3A_48, %dma_wait3A_61] : memref<4000x80xi32, #tpu.memory_space<hbm>> -> memref<25x80xi32, #tpu.memory_space<hbm>>
        tpu.wait_dma2 semaphore(%run_scoped3A : memref<!tpu.dma_semaphore, #tpu.memory_space<semaphore_mem>>) src(%dma_wait3A_62 : memref<25x80xi32, #tpu.memory_space<hbm>>) dst(%arg10 : memref<25x80xi32, #tpu.memory_space<vmem>>)
        tpu.yield
      }) : () -> ()
      "tpu.region"() ({
        %run_scoped3A = tpu.sem_alloc : memref<!tpu.dma_semaphore, #tpu.memory_space<semaphore_mem>>
        %dma_start3A = arith.constant 0 : i32
        %dma_start3A_57 = tpu.memref_slice %arg4[%add3A_48, %dma_start3A] : memref<4000x80xi32, #tpu.memory_space<hbm>> -> memref<25x80xi32, #tpu.memory_space<hbm>>
        %dma_start3A_58 = arith.constant 0 : i32
        %dma_start3A_59 = tpu.memref_slice %arg4[%add3A_48, %dma_start3A_58] : memref<4000x80xi32, #tpu.memory_space<hbm>> -> memref<25x80xi32, #tpu.memory_space<hbm>>
        tpu.enqueue_dma source(%dma_start3A_59 : memref<25x80xi32, #tpu.memory_space<hbm>>) target(%arg11 : memref<25x80xi32, #tpu.memory_space<vmem>>) target_semaphore(%run_scoped3A : memref<!tpu.dma_semaphore, #tpu.memory_space<semaphore_mem>>)
        %dma_wait3A = arith.constant 0 : i32
        %dma_wait3A_60 = tpu.memref_slice %arg4[%add3A_48, %dma_wait3A] : memref<4000x80xi32, #tpu.memory_space<hbm>> -> memref<25x80xi32, #tpu.memory_space<hbm>>
        %dma_wait3A_61 = arith.constant 0 : i32
        %dma_wait3A_62 = tpu.memref_slice %arg4[%add3A_48, %dma_wait3A_61] : memref<4000x80xi32, #tpu.memory_space<hbm>> -> memref<25x80xi32, #tpu.memory_space<hbm>>
        tpu.wait_dma2 semaphore(%run_scoped3A : memref<!tpu.dma_semaphore, #tpu.memory_space<semaphore_mem>>) src(%dma_wait3A_62 : memref<25x80xi32, #tpu.memory_space<hbm>>) dst(%arg11 : memref<25x80xi32, #tpu.memory_space<vmem>>)
        tpu.yield
      }) : () -> ()
      %scan3A_49 = arith.constant 0 : i32
      %scan3A_50 = arith.constant 0 : i32
      %scan3A_51 = arith.constant 25 : i32
      %scan3A_52 = arith.addi %scan3A_50, %scan3A_51 : i32
      %scan3A_53 = arith.constant 1 : i32
      %scan3A_54 = scf.for %scan3A_57 = %scan3A_50 to %scan3A_52 step %scan3A_53 iter_args(%scan3A_58 = %scan3A_49) -> (i32)  : i32 {
        %get3A = arith.index_cast %scan3A_57 : i32 to index
        %get3A_59 = arith.constant 0 : index
        %get3A_60 = tpu.vector_load %arg9[%get3A, %get3A_59] {strides = array<i32>} : memref<25x80xi32, #tpu.memory_space<vmem>>, vector<16xi32>,
        %mul3A_61 = arith.constant 10000 : i32
        %mul3A_62 = vector.broadcast %mul3A_61 : i32 to vector<16xi32>
        %mul3A_63 = arith.muli %get3A_60, %mul3A_62 : vector<16xi32>
        %get3A_64 = arith.index_cast %scan3A_57 : i32 to index
        %get3A_65 = arith.constant 0 : index
        %get3A_66 = tpu.vector_load %arg10[%get3A_64, %get3A_65] {strides = array<i32>} : memref<25x80xi32, #tpu.memory_space<vmem>>, vector<16xi32>,
        %add3A_67 = arith.addi %mul3A_63, %get3A_66 : vector<16xi32>
        %gather3A = tpu.vector_load_idx %arg8[%add3A_67] : memref<80000xf32, #tpu.memory_space<vmem>>[vector<16xi32>], vector<16xf32>,
        %max3A = arith.constant 1.000000e+00 : f32
        %max3A_68 = vector.broadcast %max3A : f32 to vector<16xf32>
        %max3A_69 = arith.maximumf %gather3A, %max3A_68 : vector<16xf32>
        %div3A = arith.constant 1.000000e+00 : f32
        %div3A_70 = vector.broadcast %div3A : f32 to vector<16xf32>
        %div3A_71 = arith.divf %div3A_70, %max3A_69 : vector<16xf32>
        %swap3A_72 = arith.index_cast %scan3A_57 : i32 to index
        %swap3A_73 = arith.constant 0 : index
        %swap3A_74 = tpu.vector_load %arg14[%swap3A_72, %swap3A_73] {strides = array<i32>} : memref<25x80xf32, #tpu.memory_space<vmem>>, vector<16xf32>,
        tpu.vector_store %arg14[%swap3A_72, %swap3A_73], %div3A_71 {strides = array<i32>} : memref<25x80xf32, #tpu.memory_space<vmem>>, vector<16xf32>,
        %mul3A_75 = arith.constant 10000 : i32
        %mul3A_76 = vector.broadcast %mul3A_75 : i32 to vector<16xi32>
        %mul3A_77 = arith.muli %get3A_60, %mul3A_76 : vector<16xi32>
        %get3A_78 = arith.index_cast %scan3A_57 : i32 to index
        %get3A_79 = arith.constant 0 : index
        %get3A_80 = tpu.vector_load %arg11[%get3A_78, %get3A_79] {strides = array<i32>} : memref<25x80xi32, #tpu.memory_space<vmem>>, vector<16xi32>,
        %add3A_81 = arith.addi %mul3A_77, %get3A_80 : vector<16xi32>
        %swap3A_82 = arith.index_cast %scan3A_57 : i32 to index
        %swap3A_83 = arith.constant 0 : index
        %swap3A_84 = tpu.vector_load %arg13[%swap3A_82, %swap3A_83] {strides = array<i32>} : memref<25x80xi32, #tpu.memory_space<vmem>>, vector<16xi32>,
        tpu.vector_store %arg13[%swap3A_82, %swap3A_83], %add3A_81 {strides = array<i32>} : memref<25x80xi32, #tpu.memory_space<vmem>>, vector<16xi32>,
        %get3A_85 = arith.index_cast %scan3A_57 : i32 to index
        %get3A_86 = arith.constant 16 : index
        %get3A_87 = tpu.vector_load %arg9[%get3A_85, %get3A_86] {strides = array<i32>} : memref<25x80xi32, #tpu.memory_space<vmem>>, vector<16xi32>,
        %mul3A_88 = arith.constant 10000 : i32
        %mul3A_89 = vector.broadcast %mul3A_88 : i32 to vector<16xi32>
        %mul3A_90 = arith.muli %get3A_87, %mul3A_89 : vector<16xi32>
        %get3A_91 = arith.index_cast %scan3A_57 : i32 to index
        %get3A_92 = arith.constant 16 : index
        %get3A_93 = tpu.vector_load %arg10[%get3A_91, %get3A_92] {strides = array<i32>} : memref<25x80xi32, #tpu.memory_space<vmem>>, vector<16xi32>,
        %add3A_94 = arith.addi %mul3A_90, %get3A_93 : vector<16xi32>
        %gather3A_95 = tpu.vector_load_idx %arg8[%add3A_94] : memref<80000xf32, #tpu.memory_space<vmem>>[vector<16xi32>], vector<16xf32>,
        %max3A_96 = arith.constant 1.000000e+00 : f32
        %max3A_97 = vector.broadcast %max3A_96 : f32 to vector<16xf32>
        %max3A_98 = arith.maximumf %gather3A_95, %max3A_97 : vector<16xf32>
        %div3A_99 = arith.constant 1.000000e+00 : f32
        %div3A_100 = vector.broadcast %div3A_99 : f32 to vector<16xf32>
        %div3A_101 = arith.divf %div3A_100, %max3A_98 : vector<16xf32>
        %swap3A_102 = arith.index_cast %scan3A_57 : i32 to index
        %swap3A_103 = arith.constant 16 : index
        %swap3A_104 = tpu.vector_load %arg14[%swap3A_102, %swap3A_103] {strides = array<i32>} : memref<25x80xf32, #tpu.memory_space<vmem>>, vector<16xf32>,
        tpu.vector_store %arg14[%swap3A_102, %swap3A_103], %div3A_101 {strides = array<i32>} : memref<25x80xf32, #tpu.memory_space<vmem>>, vector<16xf32>,
        %mul3A_105 = arith.constant 10000 : i32
        %mul3A_106 = vector.broadcast %mul3A_105 : i32 to vector<16xi32>
        %mul3A_107 = arith.muli %get3A_87, %mul3A_106 : vector<16xi32>
        %get3A_108 = arith.index_cast %scan3A_57 : i32 to index
        %get3A_109 = arith.constant 16 : index
        %get3A_110 = tpu.vector_load %arg11[%get3A_108, %get3A_109] {strides = array<i32>} : memref<25x80xi32, #tpu.memory_space<vmem>>, vector<16xi32>,
        %add3A_111 = arith.addi %mul3A_107, %get3A_110 : vector<16xi32>
        %swap3A_112 = arith.index_cast %scan3A_57 : i32 to index
        %swap3A_113 = arith.constant 16 : index
        %swap3A_114 = tpu.vector_load %arg13[%swap3A_112, %swap3A_113] {strides = array<i32>} : memref<25x80xi32, #tpu.memory_space<vmem>>, vector<16xi32>,
        tpu.vector_store %arg13[%swap3A_112, %swap3A_113], %add3A_111 {strides = array<i32>} : memref<25x80xi32, #tpu.memory_space<vmem>>, vector<16xi32>,
        %get3A_115 = arith.index_cast %scan3A_57 : i32 to index
        %get3A_116 = arith.constant 32 : index
        %get3A_117 = tpu.vector_load %arg9[%get3A_115, %get3A_116] {strides = array<i32>} : memref<25x80xi32, #tpu.memory_space<vmem>>, vector<16xi32>,
        %mul3A_118 = arith.constant 10000 : i32
        %mul3A_119 = vector.broadcast %mul3A_118 : i32 to vector<16xi32>
        %mul3A_120 = arith.muli %get3A_117, %mul3A_119 : vector<16xi32>
        %get3A_121 = arith.index_cast %scan3A_57 : i32 to index
        %get3A_122 = arith.constant 32 : index
        %get3A_123 = tpu.vector_load %arg10[%get3A_121, %get3A_122] {strides = array<i32>} : memref<25x80xi32, #tpu.memory_space<vmem>>, vector<16xi32>,
        %add3A_124 = arith.addi %mul3A_120, %get3A_123 : vector<16xi32>
        %gather3A_125 = tpu.vector_load_idx %arg8[%add3A_124] : memref<80000xf32, #tpu.memory_space<vmem>>[vector<16xi32>], vector<16xf32>,
        %max3A_126 = arith.constant 1.000000e+00 : f32
        %max3A_127 = vector.broadcast %max3A_126 : f32 to vector<16xf32>
        %max3A_128 = arith.maximumf %gather3A_125, %max3A_127 : vector<16xf32>
        %div3A_129 = arith.constant 1.000000e+00 : f32
        %div3A_130 = vector.broadcast %div3A_129 : f32 to vector<16xf32>
        %div3A_131 = arith.divf %div3A_130, %max3A_128 : vector<16xf32>
        %swap3A_132 = arith.index_cast %scan3A_57 : i32 to index
        %swap3A_133 = arith.constant 32 : index
        %swap3A_134 = tpu.vector_load %arg14[%swap3A_132, %swap3A_133] {strides = array<i32>} : memref<25x80xf32, #tpu.memory_space<vmem>>, vector<16xf32>,
        tpu.vector_store %arg14[%swap3A_132, %swap3A_133], %div3A_131 {strides = array<i32>} : memref<25x80xf32, #tpu.memory_space<vmem>>, vector<16xf32>,
        %mul3A_135 = arith.constant 10000 : i32
        %mul3A_136 = vector.broadcast %mul3A_135 : i32 to vector<16xi32>
        %mul3A_137 = arith.muli %get3A_117, %mul3A_136 : vector<16xi32>
        %get3A_138 = arith.index_cast %scan3A_57 : i32 to index
        %get3A_139 = arith.constant 32 : index
        %get3A_140 = tpu.vector_load %arg11[%get3A_138, %get3A_139] {strides = array<i32>} : memref<25x80xi32, #tpu.memory_space<vmem>>, vector<16xi32>,
        %add3A_141 = arith.addi %mul3A_137, %get3A_140 : vector<16xi32>
        %swap3A_142 = arith.index_cast %scan3A_57 : i32 to index
        %swap3A_143 = arith.constant 32 : index
        %swap3A_144 = tpu.vector_load %arg13[%swap3A_142, %swap3A_143] {strides = array<i32>} : memref<25x80xi32, #tpu.memory_space<vmem>>, vector<16xi32>,
        tpu.vector_store %arg13[%swap3A_142, %swap3A_143], %add3A_141 {strides = array<i32>} : memref<25x80xi32, #tpu.memory_space<vmem>>, vector<16xi32>,
        %get3A_145 = arith.index_cast %scan3A_57 : i32 to index
        %get3A_146 = arith.constant 48 : index
        %get3A_147 = tpu.vector_load %arg9[%get3A_145, %get3A_146] {strides = array<i32>} : memref<25x80xi32, #tpu.memory_space<vmem>>, vector<16xi32>,
        %mul3A_148 = arith.constant 10000 : i32
        %mul3A_149 = vector.broadcast %mul3A_148 : i32 to vector<16xi32>
        %mul3A_150 = arith.muli %get3A_147, %mul3A_149 : vector<16xi32>
        %get3A_151 = arith.index_cast %scan3A_57 : i32 to index
        %get3A_152 = arith.constant 48 : index
        %get3A_153 = tpu.vector_load %arg10[%get3A_151, %get3A_152] {strides = array<i32>} : memref<25x80xi32, #tpu.memory_space<vmem>>, vector<16xi32>,
        %add3A_154 = arith.addi %mul3A_150, %get3A_153 : vector<16xi32>
        %gather3A_155 = tpu.vector_load_idx %arg8[%add3A_154] : memref<80000xf32, #tpu.memory_space<vmem>>[vector<16xi32>], vector<16xf32>,
        %max3A_156 = arith.constant 1.000000e+00 : f32
        %max3A_157 = vector.broadcast %max3A_156 : f32 to vector<16xf32>
        %max3A_158 = arith.maximumf %gather3A_155, %max3A_157 : vector<16xf32>
        %div3A_159 = arith.constant 1.000000e+00 : f32
        %div3A_160 = vector.broadcast %div3A_159 : f32 to vector<16xf32>
        %div3A_161 = arith.divf %div3A_160, %max3A_158 : vector<16xf32>
        %swap3A_162 = arith.index_cast %scan3A_57 : i32 to index
        %swap3A_163 = arith.constant 48 : index
        %swap3A_164 = tpu.vector_load %arg14[%swap3A_162, %swap3A_163] {strides = array<i32>} : memref<25x80xf32, #tpu.memory_space<vmem>>, vector<16xf32>,
        tpu.vector_store %arg14[%swap3A_162, %swap3A_163], %div3A_161 {strides = array<i32>} : memref<25x80xf32, #tpu.memory_space<vmem>>, vector<16xf32>,
        %mul3A_165 = arith.constant 10000 : i32
        %mul3A_166 = vector.broadcast %mul3A_165 : i32 to vector<16xi32>
        %mul3A_167 = arith.muli %get3A_147, %mul3A_166 : vector<16xi32>
        %get3A_168 = arith.index_cast %scan3A_57 : i32 to index
        %get3A_169 = arith.constant 48 : index
        %get3A_170 = tpu.vector_load %arg11[%get3A_168, %get3A_169] {strides = array<i32>} : memref<25x80xi32, #tpu.memory_space<vmem>>, vector<16xi32>,
        %add3A_171 = arith.addi %mul3A_167, %get3A_170 : vector<16xi32>
        %swap3A_172 = arith.index_cast %scan3A_57 : i32 to index
        %swap3A_173 = arith.constant 48 : index
        %swap3A_174 = tpu.vector_load %arg13[%swap3A_172, %swap3A_173] {strides = array<i32>} : memref<25x80xi32, #tpu.memory_space<vmem>>, vector<16xi32>,
        tpu.vector_store %arg13[%swap3A_172, %swap3A_173], %add3A_171 {strides = array<i32>} : memref<25x80xi32, #tpu.memory_space<vmem>>, vector<16xi32>,
        %get3A_175 = arith.index_cast %scan3A_57 : i32 to index
        %get3A_176 = arith.constant 64 : index
        %get3A_177 = tpu.vector_load %arg9[%get3A_175, %get3A_176] {strides = array<i32>} : memref<25x80xi32, #tpu.memory_space<vmem>>, vector<16xi32>,
        %mul3A_178 = arith.constant 10000 : i32
        %mul3A_179 = vector.broadcast %mul3A_178 : i32 to vector<16xi32>
        %mul3A_180 = arith.muli %get3A_177, %mul3A_179 : vector<16xi32>
        %get3A_181 = arith.index_cast %scan3A_57 : i32 to index
        %get3A_182 = arith.constant 64 : index
        %get3A_183 = tpu.vector_load %arg10[%get3A_181, %get3A_182] {strides = array<i32>} : memref<25x80xi32, #tpu.memory_space<vmem>>, vector<16xi32>,
        %add3A_184 = arith.addi %mul3A_180, %get3A_183 : vector<16xi32>
        %gather3A_185 = tpu.vector_load_idx %arg8[%add3A_184] : memref<80000xf32, #tpu.memory_space<vmem>>[vector<16xi32>], vector<16xf32>,
        %max3A_186 = arith.constant 1.000000e+00 : f32
        %max3A_187 = vector.broadcast %max3A_186 : f32 to vector<16xf32>
        %max3A_188 = arith.maximumf %gather3A_185, %max3A_187 : vector<16xf32>
        %div3A_189 = arith.constant 1.000000e+00 : f32
        %div3A_190 = vector.broadcast %div3A_189 : f32 to vector<16xf32>
        %div3A_191 = arith.divf %div3A_190, %max3A_188 : vector<16xf32>
        %swap3A_192 = arith.index_cast %scan3A_57 : i32 to index
        %swap3A_193 = arith.constant 64 : index
        %swap3A_194 = tpu.vector_load %arg14[%swap3A_192, %swap3A_193] {strides = array<i32>} : memref<25x80xf32, #tpu.memory_space<vmem>>, vector<16xf32>,
        tpu.vector_store %arg14[%swap3A_192, %swap3A_193], %div3A_191 {strides = array<i32>} : memref<25x80xf32, #tpu.memory_space<vmem>>, vector<16xf32>,
        %mul3A_195 = arith.constant 10000 : i32
        %mul3A_196 = vector.broadcast %mul3A_195 : i32 to vector<16xi32>
        %mul3A_197 = arith.muli %get3A_177, %mul3A_196 : vector<16xi32>
        %get3A_198 = arith.index_cast %scan3A_57 : i32 to index
        %get3A_199 = arith.constant 64 : index
        %get3A_200 = tpu.vector_load %arg11[%get3A_198, %get3A_199] {strides = array<i32>} : memref<25x80xi32, #tpu.memory_space<vmem>>, vector<16xi32>,
        %add3A_201 = arith.addi %mul3A_197, %get3A_200 : vector<16xi32>
        %swap3A_202 = arith.index_cast %scan3A_57 : i32 to index
        %swap3A_203 = arith.constant 64 : index
        %swap3A_204 = tpu.vector_load %arg13[%swap3A_202, %swap3A_203] {strides = array<i32>} : memref<25x80xi32, #tpu.memory_space<vmem>>, vector<16xi32>,
        tpu.vector_store %arg13[%swap3A_202, %swap3A_203], %add3A_201 {strides = array<i32>} : memref<25x80xi32, #tpu.memory_space<vmem>>, vector<16xi32>,
        %scan3A_205 = arith.constant 0 : i32
        scf.yield %scan3A_205 : i32
      }
      %scan3A_55 = arith.constant 25 : i32
      "tpu.region"() ({
        %run_scoped3A = tpu.sem_alloc : memref<!tpu.dma_semaphore, #tpu.memory_space<semaphore_mem>>
        %dma_start3A = arith.constant 0 : i32
        %dma_start3A_57 = tpu.memref_slice %arg5[%add3A_48, %dma_start3A] : memref<4000x80xf32, #tpu.memory_space<hbm>> -> memref<25x80xf32, #tpu.memory_space<hbm>>
        %dma_start3A_58 = arith.constant 0 : i32
        %dma_start3A_59 = tpu.memref_slice %arg5[%add3A_48, %dma_start3A_58] : memref<4000x80xf32, #tpu.memory_space<hbm>> -> memref<25x80xf32, #tpu.memory_space<hbm>>
        tpu.enqueue_dma source(%arg14 : memref<25x80xf32, #tpu.memory_space<vmem>>) target(%dma_start3A_59 : memref<25x80xf32, #tpu.memory_space<hbm>>) target_semaphore(%run_scoped3A : memref<!tpu.dma_semaphore, #tpu.memory_space<semaphore_mem>>)
        %dma_wait3A = arith.constant 0 : i32
        %dma_wait3A_60 = tpu.memref_slice %arg5[%add3A_48, %dma_wait3A] : memref<4000x80xf32, #tpu.memory_space<hbm>> -> memref<25x80xf32, #tpu.memory_space<hbm>>
        %dma_wait3A_61 = arith.constant 0 : i32
        %dma_wait3A_62 = tpu.memref_slice %arg5[%add3A_48, %dma_wait3A_61] : memref<4000x80xf32, #tpu.memory_space<hbm>> -> memref<25x80xf32, #tpu.memory_space<hbm>>
        tpu.wait_dma2 semaphore(%run_scoped3A : memref<!tpu.dma_semaphore, #tpu.memory_space<semaphore_mem>>) src(%arg14 : memref<25x80xf32, #tpu.memory_space<vmem>>) dst(%dma_wait3A_62 : memref<25x80xf32, #tpu.memory_space<hbm>>)
        tpu.yield
      }) : () -> ()
      "tpu.region"() ({
        %run_scoped3A = tpu.sem_alloc : memref<!tpu.dma_semaphore, #tpu.memory_space<semaphore_mem>>
        %dma_start3A = arith.constant 0 : i32
        %dma_start3A_57 = tpu.memref_slice %arg6[%add3A_48, %dma_start3A] : memref<4000x80xi32, #tpu.memory_space<hbm>> -> memref<25x80xi32, #tpu.memory_space<hbm>>
        %dma_start3A_58 = arith.constant 0 : i32
        %dma_start3A_59 = tpu.memref_slice %arg6[%add3A_48, %dma_start3A_58] : memref<4000x80xi32, #tpu.memory_space<hbm>> -> memref<25x80xi32, #tpu.memory_space<hbm>>
        tpu.enqueue_dma source(%arg13 : memref<25x80xi32, #tpu.memory_space<vmem>>) target(%dma_start3A_59 : memref<25x80xi32, #tpu.memory_space<hbm>>) target_semaphore(%run_scoped3A : memref<!tpu.dma_semaphore, #tpu.memory_space<semaphore_mem>>)
        %dma_wait3A = arith.constant 0 : i32
        %dma_wait3A_60 = tpu.memref_slice %arg6[%add3A_48, %dma_wait3A] : memref<4000x80xi32, #tpu.memory_space<hbm>> -> memref<25x80xi32, #tpu.memory_space<hbm>>
        %dma_wait3A_61 = arith.constant 0 : i32
        %dma_wait3A_62 = tpu.memref_slice %arg6[%add3A_48, %dma_wait3A_61] : memref<4000x80xi32, #tpu.memory_space<hbm>> -> memref<25x80xi32, #tpu.memory_space<hbm>>
        tpu.wait_dma2 semaphore(%run_scoped3A : memref<!tpu.dma_semaphore, #tpu.memory_space<semaphore_mem>>) src(%arg13 : memref<25x80xi32, #tpu.memory_space<vmem>>) dst(%dma_wait3A_62 : memref<25x80xi32, #tpu.memory_space<hbm>>)
        tpu.yield
      }) : () -> ()
      %scan3A_56 = arith.constant 0 : i32
      scf.yield %scan3A_56 : i32
    }
    %scan3A_41 = arith.constant 5 : i32
    return
  }
}

#map = affine_map<(d0, d1) -> (0, 0)>
module attributes {stable_mosaic.version = 14 : i64} {
  func.func @_sc_agg(%arg0: i32, %arg1: i32, %arg2: memref<80000x128xf32, #tpu.memory_space<hbm>>, %arg3: memref<4000x80xi32, #tpu.memory_space<hbm>>, %arg4: memref<4000x80xi32, #tpu.memory_space<hbm>>, %arg5: memref<4000x80xf32, #tpu.memory_space<hbm>>, %arg6: memref<10000x128xf32, #tpu.memory_space<hbm>>, %arg7: memref<20000x128xf32, #tpu.memory_space<hbm>>, %arg8: memref<10000x128xf32, #tpu.memory_space<vmem_shared>>, %arg9: memref<125x80xi32, #tpu.memory_space<vmem>>, %arg10: memref<125x80xi32, #tpu.memory_space<vmem>>, %arg11: memref<125x80xf32, #tpu.memory_space<vmem>>, %arg12: memref<80x128xf32, #tpu.memory_space<vmem>>, %arg13: memref<80x128xf32, #tpu.memory_space<vmem>>, %arg14: memref<!tpu.dma_semaphore, #tpu.memory_space<semaphore_mem>>, %arg15: memref<!tpu.dma_semaphore, #tpu.memory_space<semaphore_mem>>) attributes {dimension_semantics = [#tpu.dimension_semantics<core_parallel>, #tpu.dimension_semantics<subcore_parallel>], iteration_bounds = array<i64: 2, 16>, scalar_prefetch = 0 : i64, scratch_operands = 8 : i64, tpu.core_type = #tpu.core_type<sc_vector_subcore>, window_params = [{transform_indices = #map}, {transform_indices = #map}, {transform_indices = #map}, {transform_indices = #map}, {transform_indices = #map}, {transform_indices = #map}]} {
    %mul3A = arith.constant 2 : i32
    %mul3A_0 = arith.muli %arg1, %mul3A : i32
    %add3A = arith.addi %mul3A_0, %arg0 : i32
    %mul3A_1 = arith.constant 625 : i32
    %mul3A_2 = arith.muli %arg1, %mul3A_1 : i32
    %mul3A_3 = arith.constant 625 : i32
    %mul3A_4 = arith.muli %arg1, %mul3A_3 : i32
    "tpu.region"() ({
      %run_scoped3A_41 = tpu.sem_alloc : memref<!tpu.dma_semaphore, #tpu.memory_space<semaphore_mem>>
      %dma_start3A_42 = arith.constant 0 : i32
      %dma_start3A_43 = tpu.memref_slice %arg8[%mul3A_4, %dma_start3A_42] : memref<10000x128xf32, #tpu.memory_space<vmem_shared>> -> memref<625x128xf32, #tpu.memory_space<vmem_shared>>
      %dma_start3A_44 = arith.constant 0 : i32
      %dma_start3A_45 = tpu.memref_slice %arg6[%mul3A_2, %dma_start3A_44] : memref<10000x128xf32, #tpu.memory_space<hbm>> -> memref<625x128xf32, #tpu.memory_space<hbm>>
      tpu.enqueue_dma source(%dma_start3A_45 : memref<625x128xf32, #tpu.memory_space<hbm>>) target(%dma_start3A_43 : memref<625x128xf32, #tpu.memory_space<vmem_shared>>) target_semaphore(%run_scoped3A_41 : memref<!tpu.dma_semaphore, #tpu.memory_space<semaphore_mem>>)
      %dma_wait3A_46 = arith.constant 0 : i32
      %dma_wait3A_47 = tpu.memref_slice %arg8[%mul3A_4, %dma_wait3A_46] : memref<10000x128xf32, #tpu.memory_space<vmem_shared>> -> memref<625x128xf32, #tpu.memory_space<vmem_shared>>
      %dma_wait3A_48 = arith.constant 0 : i32
      %dma_wait3A_49 = tpu.memref_slice %arg6[%mul3A_2, %dma_wait3A_48] : memref<10000x128xf32, #tpu.memory_space<hbm>> -> memref<625x128xf32, #tpu.memory_space<hbm>>
      tpu.wait_dma2 semaphore(%run_scoped3A_41 : memref<!tpu.dma_semaphore, #tpu.memory_space<semaphore_mem>>) src(%dma_wait3A_49 : memref<625x128xf32, #tpu.memory_space<hbm>>) dst(%dma_wait3A_47 : memref<625x128xf32, #tpu.memory_space<vmem_shared>>)
      tpu.yield
    }) : () -> ()
    %mul3A_5 = arith.constant 125 : i32
    %mul3A_6 = arith.muli %add3A, %mul3A_5 : i32
    "tpu.region"() ({
      %run_scoped3A_41 = tpu.sem_alloc : memref<!tpu.dma_semaphore, #tpu.memory_space<semaphore_mem>>
      %dma_start3A_42 = arith.constant 0 : i32
      %dma_start3A_43 = tpu.memref_slice %arg3[%mul3A_6, %dma_start3A_42] : memref<4000x80xi32, #tpu.memory_space<hbm>> -> memref<125x80xi32, #tpu.memory_space<hbm>>
      %dma_start3A_44 = arith.constant 0 : i32
      %dma_start3A_45 = tpu.memref_slice %arg3[%mul3A_6, %dma_start3A_44] : memref<4000x80xi32, #tpu.memory_space<hbm>> -> memref<125x80xi32, #tpu.memory_space<hbm>>
      tpu.enqueue_dma source(%dma_start3A_45 : memref<125x80xi32, #tpu.memory_space<hbm>>) target(%arg9 : memref<125x80xi32, #tpu.memory_space<vmem>>) target_semaphore(%run_scoped3A_41 : memref<!tpu.dma_semaphore, #tpu.memory_space<semaphore_mem>>)
      %dma_wait3A_46 = arith.constant 0 : i32
      %dma_wait3A_47 = tpu.memref_slice %arg3[%mul3A_6, %dma_wait3A_46] : memref<4000x80xi32, #tpu.memory_space<hbm>> -> memref<125x80xi32, #tpu.memory_space<hbm>>
      %dma_wait3A_48 = arith.constant 0 : i32
      %dma_wait3A_49 = tpu.memref_slice %arg3[%mul3A_6, %dma_wait3A_48] : memref<4000x80xi32, #tpu.memory_space<hbm>> -> memref<125x80xi32, #tpu.memory_space<hbm>>
      tpu.wait_dma2 semaphore(%run_scoped3A_41 : memref<!tpu.dma_semaphore, #tpu.memory_space<semaphore_mem>>) src(%dma_wait3A_49 : memref<125x80xi32, #tpu.memory_space<hbm>>) dst(%arg9 : memref<125x80xi32, #tpu.memory_space<vmem>>)
      tpu.yield
    }) : () -> ()
    "tpu.region"() ({
      %run_scoped3A_41 = tpu.sem_alloc : memref<!tpu.dma_semaphore, #tpu.memory_space<semaphore_mem>>
      %dma_start3A_42 = arith.constant 0 : i32
      %dma_start3A_43 = tpu.memref_slice %arg4[%mul3A_6, %dma_start3A_42] : memref<4000x80xi32, #tpu.memory_space<hbm>> -> memref<125x80xi32, #tpu.memory_space<hbm>>
      %dma_start3A_44 = arith.constant 0 : i32
      %dma_start3A_45 = tpu.memref_slice %arg4[%mul3A_6, %dma_start3A_44] : memref<4000x80xi32, #tpu.memory_space<hbm>> -> memref<125x80xi32, #tpu.memory_space<hbm>>
      tpu.enqueue_dma source(%dma_start3A_45 : memref<125x80xi32, #tpu.memory_space<hbm>>) target(%arg10 : memref<125x80xi32, #tpu.memory_space<vmem>>) target_semaphore(%run_scoped3A_41 : memref<!tpu.dma_semaphore, #tpu.memory_space<semaphore_mem>>)
      %dma_wait3A_46 = arith.constant 0 : i32
      %dma_wait3A_47 = tpu.memref_slice %arg4[%mul3A_6, %dma_wait3A_46] : memref<4000x80xi32, #tpu.memory_space<hbm>> -> memref<125x80xi32, #tpu.memory_space<hbm>>
      %dma_wait3A_48 = arith.constant 0 : i32
      %dma_wait3A_49 = tpu.memref_slice %arg4[%mul3A_6, %dma_wait3A_48] : memref<4000x80xi32, #tpu.memory_space<hbm>> -> memref<125x80xi32, #tpu.memory_space<hbm>>
      tpu.wait_dma2 semaphore(%run_scoped3A_41 : memref<!tpu.dma_semaphore, #tpu.memory_space<semaphore_mem>>) src(%dma_wait3A_49 : memref<125x80xi32, #tpu.memory_space<hbm>>) dst(%arg10 : memref<125x80xi32, #tpu.memory_space<vmem>>)
      tpu.yield
    }) : () -> ()
    "tpu.region"() ({
      %run_scoped3A_41 = tpu.sem_alloc : memref<!tpu.dma_semaphore, #tpu.memory_space<semaphore_mem>>
      %dma_start3A_42 = arith.constant 0 : i32
      %dma_start3A_43 = tpu.memref_slice %arg5[%mul3A_6, %dma_start3A_42] : memref<4000x80xf32, #tpu.memory_space<hbm>> -> memref<125x80xf32, #tpu.memory_space<hbm>>
      %dma_start3A_44 = arith.constant 0 : i32
      %dma_start3A_45 = tpu.memref_slice %arg5[%mul3A_6, %dma_start3A_44] : memref<4000x80xf32, #tpu.memory_space<hbm>> -> memref<125x80xf32, #tpu.memory_space<hbm>>
      tpu.enqueue_dma source(%dma_start3A_45 : memref<125x80xf32, #tpu.memory_space<hbm>>) target(%arg11 : memref<125x80xf32, #tpu.memory_space<vmem>>) target_semaphore(%run_scoped3A_41 : memref<!tpu.dma_semaphore, #tpu.memory_space<semaphore_mem>>)
      %dma_wait3A_46 = arith.constant 0 : i32
      %dma_wait3A_47 = tpu.memref_slice %arg5[%mul3A_6, %dma_wait3A_46] : memref<4000x80xf32, #tpu.memory_space<hbm>> -> memref<125x80xf32, #tpu.memory_space<hbm>>
      %dma_wait3A_48 = arith.constant 0 : i32
      %dma_wait3A_49 = tpu.memref_slice %arg5[%mul3A_6, %dma_wait3A_48] : memref<4000x80xf32, #tpu.memory_space<hbm>> -> memref<125x80xf32, #tpu.memory_space<hbm>>
      tpu.wait_dma2 semaphore(%run_scoped3A_41 : memref<!tpu.dma_semaphore, #tpu.memory_space<semaphore_mem>>) src(%dma_wait3A_49 : memref<125x80xf32, #tpu.memory_space<hbm>>) dst(%arg11 : memref<125x80xf32, #tpu.memory_space<vmem>>)
      tpu.yield
    }) : () -> ()
    %barrier3A = arith.constant 0 : index
    tpu.barrier barrier_id(%barrier3A)
    %broadcast_in_dim3A = arith.constant 0 : i32
    %broadcast_in_dim3A_7 = vector.broadcast %broadcast_in_dim3A : i32 to vector<16xi32>
    %dma_start3A = arith.constant 0 : i32
    %dma_start3A_8 = arith.constant 0 : i32
    %dma_start3A_9 = tpu.memref_slice %arg9[%dma_start3A, %dma_start3A_8] : memref<125x80xi32, #tpu.memory_space<vmem>> -> memref<1x80xi32, #tpu.memory_space<vmem>>
    %dma_start3A_10 = tpu.memref_squeeze %dma_start3A_9 : memref<1x80xi32, #tpu.memory_space<vmem>> -> memref<80xi32, #tpu.memory_space<vmem>>
    %dma_start3A_11 = arith.constant 0 : i32
    %dma_start3A_12 = arith.constant 0 : i32
    %dma_start3A_13 = tpu.memref_slice %arg2[%dma_start3A_11, %dma_start3A_12] : memref<80000x128xf32, #tpu.memory_space<hbm>> -> memref<80000x128xf32, #tpu.memory_space<hbm>>
    tpu.enqueue_indirect_dma source(%dma_start3A_13 : memref<80000x128xf32, #tpu.memory_space<hbm>>) target(%arg12 : memref<80x128xf32, #tpu.memory_space<vmem>>) offsets(%dma_start3A_10 : memref<80xi32, #tpu.memory_space<vmem>>) semaphore(%arg14 : memref<!tpu.dma_semaphore, #tpu.memory_space<semaphore_mem>>)
    %scan3A = arith.constant 0 : i32
    %scan3A_14 = arith.constant 0 : i32
    %scan3A_15 = arith.constant 62 : i32
    %scan3A_16 = arith.addi %scan3A_14, %scan3A_15 : i32
    %scan3A_17 = arith.constant 1 : i32
    %scan3A_18 = scf.for %scan3A_41 = %scan3A_14 to %scan3A_16 step %scan3A_17 iter_args(%scan3A_42 = %scan3A) -> (i32)  : i32 {
      %mul3A_43 = arith.constant 2 : i32
      %mul3A_44 = arith.muli %mul3A_43, %scan3A_41 : i32
      %add3A_45 = arith.constant 1 : i32
      %add3A_46 = arith.addi %mul3A_44, %add3A_45 : i32
      %dma_start3A_47 = arith.constant 0 : i32
      %dma_start3A_48 = tpu.memref_slice %arg9[%add3A_46, %dma_start3A_47] : memref<125x80xi32, #tpu.memory_space<vmem>> -> memref<1x80xi32, #tpu.memory_space<vmem>>
      %dma_start3A_49 = tpu.memref_squeeze %dma_start3A_48 : memref<1x80xi32, #tpu.memory_space<vmem>> -> memref<80xi32, #tpu.memory_space<vmem>>
      %dma_start3A_50 = arith.constant 0 : i32
      %dma_start3A_51 = arith.constant 0 : i32
      %dma_start3A_52 = tpu.memref_slice %arg2[%dma_start3A_50, %dma_start3A_51] : memref<80000x128xf32, #tpu.memory_space<hbm>> -> memref<80000x128xf32, #tpu.memory_space<hbm>>
      tpu.enqueue_indirect_dma source(%dma_start3A_52 : memref<80000x128xf32, #tpu.memory_space<hbm>>) target(%arg13 : memref<80x128xf32, #tpu.memory_space<vmem>>) offsets(%dma_start3A_49 : memref<80xi32, #tpu.memory_space<vmem>>) semaphore(%arg15 : memref<!tpu.dma_semaphore, #tpu.memory_space<semaphore_mem>>)
      %dma_wait3A_53 = arith.constant 0 : i32
      %dma_wait3A_54 = tpu.memref_slice %arg9[%mul3A_44, %dma_wait3A_53] : memref<125x80xi32, #tpu.memory_space<vmem>> -> memref<1x80xi32, #tpu.memory_space<vmem>>
      %dma_wait3A_55 = tpu.memref_squeeze %dma_wait3A_54 : memref<1x80xi32, #tpu.memory_space<vmem>> -> memref<80xi32, #tpu.memory_space<vmem>>
      %dma_wait3A_56 = arith.constant 0 : i32
      %dma_wait3A_57 = arith.constant 0 : i32
      %dma_wait3A_58 = tpu.memref_slice %arg2[%dma_wait3A_56, %dma_wait3A_57] : memref<80000x128xf32, #tpu.memory_space<hbm>> -> memref<80000x128xf32, #tpu.memory_space<hbm>>
      tpu.wait_indirect_dma semaphore(%arg14 : memref<!tpu.dma_semaphore, #tpu.memory_space<semaphore_mem>>) src(%dma_wait3A_58 : memref<80000x128xf32, #tpu.memory_space<hbm>>) dst(%arg12 : memref<80x128xf32, #tpu.memory_space<vmem>>)
      %scan3A_59 = arith.constant 0 : i32
      %scan3A_60 = arith.constant 0 : i32
      %scan3A_61 = arith.constant 40 : i32
      %scan3A_62 = arith.addi %scan3A_60, %scan3A_61 : i32
      %scan3A_63 = arith.constant 1 : i32
      %scan3A_64 = scf.for %scan3A_94 = %scan3A_60 to %scan3A_62 step %scan3A_63 iter_args(%scan3A_95 = %scan3A_59) -> (i32)  : i32 {
        %mul3A_96 = arith.constant 2 : i32
        %mul3A_97 = arith.muli %scan3A_94, %mul3A_96 : i32
        %add3A_98 = vector.broadcast %mul3A_44 : i32 to vector<16xi32>
        %add3A_99 = arith.addi %broadcast_in_dim3A_7, %add3A_98 : vector<16xi32>
        %add3A_100 = vector.broadcast %mul3A_97 : i32 to vector<16xi32>
        %add3A_101 = arith.addi %broadcast_in_dim3A_7, %add3A_100 : vector<16xi32>
        %gather3A = tpu.vector_load_idx %arg11[%add3A_99, %add3A_101] : memref<125x80xf32, #tpu.memory_space<vmem>>[vector<16xi32>, vector<16xi32>], vector<16xf32>,
        %add3A_102 = vector.broadcast %mul3A_44 : i32 to vector<16xi32>
        %add3A_103 = arith.addi %broadcast_in_dim3A_7, %add3A_102 : vector<16xi32>
        %add3A_104 = arith.constant 1 : i32
        %add3A_105 = arith.addi %mul3A_97, %add3A_104 : i32
        %add3A_106 = vector.broadcast %add3A_105 : i32 to vector<16xi32>
        %add3A_107 = arith.addi %broadcast_in_dim3A_7, %add3A_106 : vector<16xi32>
        %gather3A_108 = tpu.vector_load_idx %arg11[%add3A_103, %add3A_107] : memref<125x80xf32, #tpu.memory_space<vmem>>[vector<16xi32>, vector<16xi32>], vector<16xf32>,
        %get3A = arith.index_cast %mul3A_97 : i32 to index
        %get3A_109 = arith.constant 0 : index
        %get3A_110 = tpu.vector_load %arg12[%get3A, %get3A_109] {strides = array<i32>} : memref<80x128xf32, #tpu.memory_space<vmem>>, vector<16xf32>,
        %mul3A_111 = arith.mulf %get3A_110, %gather3A : vector<16xf32>
        %swap3A = arith.index_cast %mul3A_97 : i32 to index
        %swap3A_112 = arith.constant 0 : index
        %swap3A_113 = tpu.vector_load %arg12[%swap3A, %swap3A_112] {strides = array<i32>} : memref<80x128xf32, #tpu.memory_space<vmem>>, vector<16xf32>,
        tpu.vector_store %arg12[%swap3A, %swap3A_112], %mul3A_111 {strides = array<i32>} : memref<80x128xf32, #tpu.memory_space<vmem>>, vector<16xf32>,
        %get3A_114 = arith.index_cast %mul3A_97 : i32 to index
        %get3A_115 = arith.constant 16 : index
        %get3A_116 = tpu.vector_load %arg12[%get3A_114, %get3A_115] {strides = array<i32>} : memref<80x128xf32, #tpu.memory_space<vmem>>, vector<16xf32>,
        %mul3A_117 = arith.mulf %get3A_116, %gather3A : vector<16xf32>
        %swap3A_118 = arith.index_cast %mul3A_97 : i32 to index
        %swap3A_119 = arith.constant 16 : index
        %swap3A_120 = tpu.vector_load %arg12[%swap3A_118, %swap3A_119] {strides = array<i32>} : memref<80x128xf32, #tpu.memory_space<vmem>>, vector<16xf32>,
        tpu.vector_store %arg12[%swap3A_118, %swap3A_119], %mul3A_117 {strides = array<i32>} : memref<80x128xf32, #tpu.memory_space<vmem>>, vector<16xf32>,
        %get3A_121 = arith.index_cast %mul3A_97 : i32 to index
        %get3A_122 = arith.constant 32 : index
        %get3A_123 = tpu.vector_load %arg12[%get3A_121, %get3A_122] {strides = array<i32>} : memref<80x128xf32, #tpu.memory_space<vmem>>, vector<16xf32>,
        %mul3A_124 = arith.mulf %get3A_123, %gather3A : vector<16xf32>
        %swap3A_125 = arith.index_cast %mul3A_97 : i32 to index
        %swap3A_126 = arith.constant 32 : index
        %swap3A_127 = tpu.vector_load %arg12[%swap3A_125, %swap3A_126] {strides = array<i32>} : memref<80x128xf32, #tpu.memory_space<vmem>>, vector<16xf32>,
        tpu.vector_store %arg12[%swap3A_125, %swap3A_126], %mul3A_124 {strides = array<i32>} : memref<80x128xf32, #tpu.memory_space<vmem>>, vector<16xf32>,
        %get3A_128 = arith.index_cast %mul3A_97 : i32 to index
        %get3A_129 = arith.constant 48 : index
        %get3A_130 = tpu.vector_load %arg12[%get3A_128, %get3A_129] {strides = array<i32>} : memref<80x128xf32, #tpu.memory_space<vmem>>, vector<16xf32>,
        %mul3A_131 = arith.mulf %get3A_130, %gather3A : vector<16xf32>
        %swap3A_132 = arith.index_cast %mul3A_97 : i32 to index
        %swap3A_133 = arith.constant 48 : index
        %swap3A_134 = tpu.vector_load %arg12[%swap3A_132, %swap3A_133] {strides = array<i32>} : memref<80x128xf32, #tpu.memory_space<vmem>>, vector<16xf32>,
        tpu.vector_store %arg12[%swap3A_132, %swap3A_133], %mul3A_131 {strides = array<i32>} : memref<80x128xf32, #tpu.memory_space<vmem>>, vector<16xf32>,
        %get3A_135 = arith.index_cast %mul3A_97 : i32 to index
        %get3A_136 = arith.constant 64 : index
        %get3A_137 = tpu.vector_load %arg12[%get3A_135, %get3A_136] {strides = array<i32>} : memref<80x128xf32, #tpu.memory_space<vmem>>, vector<16xf32>,
        %mul3A_138 = arith.mulf %get3A_137, %gather3A : vector<16xf32>
        %swap3A_139 = arith.index_cast %mul3A_97 : i32 to index
        %swap3A_140 = arith.constant 64 : index
        %swap3A_141 = tpu.vector_load %arg12[%swap3A_139, %swap3A_140] {strides = array<i32>} : memref<80x128xf32, #tpu.memory_space<vmem>>, vector<16xf32>,
        tpu.vector_store %arg12[%swap3A_139, %swap3A_140], %mul3A_138 {strides = array<i32>} : memref<80x128xf32, #tpu.memory_space<vmem>>, vector<16xf32>,
        %get3A_142 = arith.index_cast %mul3A_97 : i32 to index
        %get3A_143 = arith.constant 80 : index
        %get3A_144 = tpu.vector_load %arg12[%get3A_142, %get3A_143] {strides = array<i32>} : memref<80x128xf32, #tpu.memory_space<vmem>>, vector<16xf32>,
        %mul3A_145 = arith.mulf %get3A_144, %gather3A : vector<16xf32>
        %swap3A_146 = arith.index_cast %mul3A_97 : i32 to index
        %swap3A_147 = arith.constant 80 : index
        %swap3A_148 = tpu.vector_load %arg12[%swap3A_146, %swap3A_147] {strides = array<i32>} : memref<80x128xf32, #tpu.memory_space<vmem>>, vector<16xf32>,
        tpu.vector_store %arg12[%swap3A_146, %swap3A_147], %mul3A_145 {strides = array<i32>} : memref<80x128xf32, #tpu.memory_space<vmem>>, vector<16xf32>,
        %get3A_149 = arith.index_cast %mul3A_97 : i32 to index
        %get3A_150 = arith.constant 96 : index
        %get3A_151 = tpu.vector_load %arg12[%get3A_149, %get3A_150] {strides = array<i32>} : memref<80x128xf32, #tpu.memory_space<vmem>>, vector<16xf32>,
        %mul3A_152 = arith.mulf %get3A_151, %gather3A : vector<16xf32>
        %swap3A_153 = arith.index_cast %mul3A_97 : i32 to index
        %swap3A_154 = arith.constant 96 : index
        %swap3A_155 = tpu.vector_load %arg12[%swap3A_153, %swap3A_154] {strides = array<i32>} : memref<80x128xf32, #tpu.memory_space<vmem>>, vector<16xf32>,
        tpu.vector_store %arg12[%swap3A_153, %swap3A_154], %mul3A_152 {strides = array<i32>} : memref<80x128xf32, #tpu.memory_space<vmem>>, vector<16xf32>,
        %get3A_156 = arith.index_cast %mul3A_97 : i32 to index
        %get3A_157 = arith.constant 112 : index
        %get3A_158 = tpu.vector_load %arg12[%get3A_156, %get3A_157] {strides = array<i32>} : memref<80x128xf32, #tpu.memory_space<vmem>>, vector<16xf32>,
        %mul3A_159 = arith.mulf %get3A_158, %gather3A : vector<16xf32>
        %swap3A_160 = arith.index_cast %mul3A_97 : i32 to index
        %swap3A_161 = arith.constant 112 : index
        %swap3A_162 = tpu.vector_load %arg12[%swap3A_160, %swap3A_161] {strides = array<i32>} : memref<80x128xf32, #tpu.memory_space<vmem>>, vector<16xf32>,
        tpu.vector_store %arg12[%swap3A_160, %swap3A_161], %mul3A_159 {strides = array<i32>} : memref<80x128xf32, #tpu.memory_space<vmem>>, vector<16xf32>,
        %add3A_163 = arith.constant 1 : i32
        %add3A_164 = arith.addi %mul3A_97, %add3A_163 : i32
        %get3A_165 = arith.index_cast %add3A_164 : i32 to index
        %get3A_166 = arith.constant 0 : index
        %get3A_167 = tpu.vector_load %arg12[%get3A_165, %get3A_166] {strides = array<i32>} : memref<80x128xf32, #tpu.memory_space<vmem>>, vector<16xf32>,
        %mul3A_168 = arith.mulf %get3A_167, %gather3A_108 : vector<16xf32>
        %add3A_169 = arith.constant 1 : i32
        %add3A_170 = arith.addi %mul3A_97, %add3A_169 : i32
        %swap3A_171 = arith.index_cast %add3A_170 : i32 to index
        %swap3A_172 = arith.constant 0 : index
        %swap3A_173 = tpu.vector_load %arg12[%swap3A_171, %swap3A_172] {strides = array<i32>} : memref<80x128xf32, #tpu.memory_space<vmem>>, vector<16xf32>,
        tpu.vector_store %arg12[%swap3A_171, %swap3A_172], %mul3A_168 {strides = array<i32>} : memref<80x128xf32, #tpu.memory_space<vmem>>, vector<16xf32>,
        %add3A_174 = arith.constant 1 : i32
        %add3A_175 = arith.addi %mul3A_97, %add3A_174 : i32
        %get3A_176 = arith.index_cast %add3A_175 : i32 to index
        %get3A_177 = arith.constant 16 : index
        %get3A_178 = tpu.vector_load %arg12[%get3A_176, %get3A_177] {strides = array<i32>} : memref<80x128xf32, #tpu.memory_space<vmem>>, vector<16xf32>,
        %mul3A_179 = arith.mulf %get3A_178, %gather3A_108 : vector<16xf32>
        %add3A_180 = arith.constant 1 : i32
        %add3A_181 = arith.addi %mul3A_97, %add3A_180 : i32
        %swap3A_182 = arith.index_cast %add3A_181 : i32 to index
        %swap3A_183 = arith.constant 16 : index
        %swap3A_184 = tpu.vector_load %arg12[%swap3A_182, %swap3A_183] {strides = array<i32>} : memref<80x128xf32, #tpu.memory_space<vmem>>, vector<16xf32>,
        tpu.vector_store %arg12[%swap3A_182, %swap3A_183], %mul3A_179 {strides = array<i32>} : memref<80x128xf32, #tpu.memory_space<vmem>>, vector<16xf32>,
        %add3A_185 = arith.constant 1 : i32
        %add3A_186 = arith.addi %mul3A_97, %add3A_185 : i32
        %get3A_187 = arith.index_cast %add3A_186 : i32 to index
        %get3A_188 = arith.constant 32 : index
        %get3A_189 = tpu.vector_load %arg12[%get3A_187, %get3A_188] {strides = array<i32>} : memref<80x128xf32, #tpu.memory_space<vmem>>, vector<16xf32>,
        %mul3A_190 = arith.mulf %get3A_189, %gather3A_108 : vector<16xf32>
        %add3A_191 = arith.constant 1 : i32
        %add3A_192 = arith.addi %mul3A_97, %add3A_191 : i32
        %swap3A_193 = arith.index_cast %add3A_192 : i32 to index
        %swap3A_194 = arith.constant 32 : index
        %swap3A_195 = tpu.vector_load %arg12[%swap3A_193, %swap3A_194] {strides = array<i32>} : memref<80x128xf32, #tpu.memory_space<vmem>>, vector<16xf32>,
        tpu.vector_store %arg12[%swap3A_193, %swap3A_194], %mul3A_190 {strides = array<i32>} : memref<80x128xf32, #tpu.memory_space<vmem>>, vector<16xf32>,
        %add3A_196 = arith.constant 1 : i32
        %add3A_197 = arith.addi %mul3A_97, %add3A_196 : i32
        %get3A_198 = arith.index_cast %add3A_197 : i32 to index
        %get3A_199 = arith.constant 48 : index
        %get3A_200 = tpu.vector_load %arg12[%get3A_198, %get3A_199] {strides = array<i32>} : memref<80x128xf32, #tpu.memory_space<vmem>>, vector<16xf32>,
        %mul3A_201 = arith.mulf %get3A_200, %gather3A_108 : vector<16xf32>
        %add3A_202 = arith.constant 1 : i32
        %add3A_203 = arith.addi %mul3A_97, %add3A_202 : i32
        %swap3A_204 = arith.index_cast %add3A_203 : i32 to index
        %swap3A_205 = arith.constant 48 : index
        %swap3A_206 = tpu.vector_load %arg12[%swap3A_204, %swap3A_205] {strides = array<i32>} : memref<80x128xf32, #tpu.memory_space<vmem>>, vector<16xf32>,
        tpu.vector_store %arg12[%swap3A_204, %swap3A_205], %mul3A_201 {strides = array<i32>} : memref<80x128xf32, #tpu.memory_space<vmem>>, vector<16xf32>,
        %add3A_207 = arith.constant 1 : i32
        %add3A_208 = arith.addi %mul3A_97, %add3A_207 : i32
        %get3A_209 = arith.index_cast %add3A_208 : i32 to index
        %get3A_210 = arith.constant 64 : index
        %get3A_211 = tpu.vector_load %arg12[%get3A_209, %get3A_210] {strides = array<i32>} : memref<80x128xf32, #tpu.memory_space<vmem>>, vector<16xf32>,
        %mul3A_212 = arith.mulf %get3A_211, %gather3A_108 : vector<16xf32>
        %add3A_213 = arith.constant 1 : i32
        %add3A_214 = arith.addi %mul3A_97, %add3A_213 : i32
        %swap3A_215 = arith.index_cast %add3A_214 : i32 to index
        %swap3A_216 = arith.constant 64 : index
        %swap3A_217 = tpu.vector_load %arg12[%swap3A_215, %swap3A_216] {strides = array<i32>} : memref<80x128xf32, #tpu.memory_space<vmem>>, vector<16xf32>,
        tpu.vector_store %arg12[%swap3A_215, %swap3A_216], %mul3A_212 {strides = array<i32>} : memref<80x128xf32, #tpu.memory_space<vmem>>, vector<16xf32>,
        %add3A_218 = arith.constant 1 : i32
        %add3A_219 = arith.addi %mul3A_97, %add3A_218 : i32
        %get3A_220 = arith.index_cast %add3A_219 : i32 to index
        %get3A_221 = arith.constant 80 : index
        %get3A_222 = tpu.vector_load %arg12[%get3A_220, %get3A_221] {strides = array<i32>} : memref<80x128xf32, #tpu.memory_space<vmem>>, vector<16xf32>,
        %mul3A_223 = arith.mulf %get3A_222, %gather3A_108 : vector<16xf32>
        %add3A_224 = arith.constant 1 : i32
        %add3A_225 = arith.addi %mul3A_97, %add3A_224 : i32
        %swap3A_226 = arith.index_cast %add3A_225 : i32 to index
        %swap3A_227 = arith.constant 80 : index
        %swap3A_228 = tpu.vector_load %arg12[%swap3A_226, %swap3A_227] {strides = array<i32>} : memref<80x128xf32, #tpu.memory_space<vmem>>, vector<16xf32>,
        tpu.vector_store %arg12[%swap3A_226, %swap3A_227], %mul3A_223 {strides = array<i32>} : memref<80x128xf32, #tpu.memory_space<vmem>>, vector<16xf32>,
        %add3A_229 = arith.constant 1 : i32
        %add3A_230 = arith.addi %mul3A_97, %add3A_229 : i32
        %get3A_231 = arith.index_cast %add3A_230 : i32 to index
        %get3A_232 = arith.constant 96 : index
        %get3A_233 = tpu.vector_load %arg12[%get3A_231, %get3A_232] {strides = array<i32>} : memref<80x128xf32, #tpu.memory_space<vmem>>, vector<16xf32>,
        %mul3A_234 = arith.mulf %get3A_233, %gather3A_108 : vector<16xf32>
        %add3A_235 = arith.constant 1 : i32
        %add3A_236 = arith.addi %mul3A_97, %add3A_235 : i32
        %swap3A_237 = arith.index_cast %add3A_236 : i32 to index
        %swap3A_238 = arith.constant 96 : index
        %swap3A_239 = tpu.vector_load %arg12[%swap3A_237, %swap3A_238] {strides = array<i32>} : memref<80x128xf32, #tpu.memory_space<vmem>>, vector<16xf32>,
        tpu.vector_store %arg12[%swap3A_237, %swap3A_238], %mul3A_234 {strides = array<i32>} : memref<80x128xf32, #tpu.memory_space<vmem>>, vector<16xf32>,
        %add3A_240 = arith.constant 1 : i32
        %add3A_241 = arith.addi %mul3A_97, %add3A_240 : i32
        %get3A_242 = arith.index_cast %add3A_241 : i32 to index
        %get3A_243 = arith.constant 112 : index
        %get3A_244 = tpu.vector_load %arg12[%get3A_242, %get3A_243] {strides = array<i32>} : memref<80x128xf32, #tpu.memory_space<vmem>>, vector<16xf32>,
        %mul3A_245 = arith.mulf %get3A_244, %gather3A_108 : vector<16xf32>
        %add3A_246 = arith.constant 1 : i32
        %add3A_247 = arith.addi %mul3A_97, %add3A_246 : i32
        %swap3A_248 = arith.index_cast %add3A_247 : i32 to index
        %swap3A_249 = arith.constant 112 : index
        %swap3A_250 = tpu.vector_load %arg12[%swap3A_248, %swap3A_249] {strides = array<i32>} : memref<80x128xf32, #tpu.memory_space<vmem>>, vector<16xf32>,
        tpu.vector_store %arg12[%swap3A_248, %swap3A_249], %mul3A_245 {strides = array<i32>} : memref<80x128xf32, #tpu.memory_space<vmem>>, vector<16xf32>,
        %scan3A_251 = arith.constant 0 : i32
        scf.yield %scan3A_251 : i32
      }
      %scan3A_65 = arith.constant 40 : i32
      "tpu.region"() ({
        %run_scoped3A_94 = tpu.sem_alloc : memref<!tpu.dma_semaphore, #tpu.memory_space<semaphore_mem>>
        %dma_start3A_95 = arith.constant 0 : i32
        %dma_start3A_96 = tpu.memref_slice %arg10[%mul3A_44, %dma_start3A_95] : memref<125x80xi32, #tpu.memory_space<vmem>> -> memref<1x80xi32, #tpu.memory_space<vmem>>
        %dma_start3A_97 = tpu.memref_squeeze %dma_start3A_96 : memref<1x80xi32, #tpu.memory_space<vmem>> -> memref<80xi32, #tpu.memory_space<vmem>>
        %dma_start3A_98 = arith.constant 0 : i32
        %dma_start3A_99 = arith.constant 0 : i32
        %dma_start3A_100 = tpu.memref_slice %arg8[%dma_start3A_98, %dma_start3A_99] : memref<10000x128xf32, #tpu.memory_space<vmem_shared>> -> memref<10000x128xf32, #tpu.memory_space<vmem_shared>>
        tpu.enqueue_indirect_dma source(%arg12 : memref<80x128xf32, #tpu.memory_space<vmem>>) target(%dma_start3A_100 : memref<10000x128xf32, #tpu.memory_space<vmem_shared>>) offsets(%dma_start3A_97 : memref<80xi32, #tpu.memory_space<vmem>>) semaphore(%run_scoped3A_94 : memref<!tpu.dma_semaphore, #tpu.memory_space<semaphore_mem>>) {add = true}
        %dma_wait3A_101 = arith.constant 0 : i32
        %dma_wait3A_102 = tpu.memref_slice %arg10[%mul3A_44, %dma_wait3A_101] : memref<125x80xi32, #tpu.memory_space<vmem>> -> memref<1x80xi32, #tpu.memory_space<vmem>>
        %dma_wait3A_103 = tpu.memref_squeeze %dma_wait3A_102 : memref<1x80xi32, #tpu.memory_space<vmem>> -> memref<80xi32, #tpu.memory_space<vmem>>
        %dma_wait3A_104 = arith.constant 0 : i32
        %dma_wait3A_105 = arith.constant 0 : i32
        %dma_wait3A_106 = tpu.memref_slice %arg8[%dma_wait3A_104, %dma_wait3A_105] : memref<10000x128xf32, #tpu.memory_space<vmem_shared>> -> memref<10000x128xf32, #tpu.memory_space<vmem_shared>>
        tpu.wait_indirect_dma semaphore(%run_scoped3A_94 : memref<!tpu.dma_semaphore, #tpu.memory_space<semaphore_mem>>) src(%arg12 : memref<80x128xf32, #tpu.memory_space<vmem>>) dst(%dma_wait3A_106 : memref<10000x128xf32, #tpu.memory_space<vmem_shared>>)
        tpu.yield
      }) : () -> ()
      %add3A_66 = arith.constant 2 : i32
      %add3A_67 = arith.addi %mul3A_44, %add3A_66 : i32
      %dma_start3A_68 = arith.constant 0 : i32
      %dma_start3A_69 = tpu.memref_slice %arg9[%add3A_67, %dma_start3A_68] : memref<125x80xi32, #tpu.memory_space<vmem>> -> memref<1x80xi32, #tpu.memory_space<vmem>>
      %dma_start3A_70 = tpu.memref_squeeze %dma_start3A_69 : memref<1x80xi32, #tpu.memory_space<vmem>> -> memref<80xi32, #tpu.memory_space<vmem>>
      %dma_start3A_71 = arith.constant 0 : i32
      %dma_start3A_72 = arith.constant 0 : i32
      %dma_start3A_73 = tpu.memref_slice %arg2[%dma_start3A_71, %dma_start3A_72] : memref<80000x128xf32, #tpu.memory_space<hbm>> -> memref<80000x128xf32, #tpu.memory_space<hbm>>
      tpu.enqueue_indirect_dma source(%dma_start3A_73 : memref<80000x128xf32, #tpu.memory_space<hbm>>) target(%arg12 : memref<80x128xf32, #tpu.memory_space<vmem>>) offsets(%dma_start3A_70 : memref<80xi32, #tpu.memory_space<vmem>>) semaphore(%arg14 : memref<!tpu.dma_semaphore, #tpu.memory_space<semaphore_mem>>)
      %add3A_74 = arith.constant 1 : i32
      %add3A_75 = arith.addi %mul3A_44, %add3A_74 : i32
      %dma_wait3A_76 = arith.constant 0 : i32
      %dma_wait3A_77 = tpu.memref_slice %arg9[%add3A_75, %dma_wait3A_76] : memref<125x80xi32, #tpu.memory_space<vmem>> -> memref<1x80xi32, #tpu.memory_space<vmem>>
      %dma_wait3A_78 = tpu.memref_squeeze %dma_wait3A_77 : memref<1x80xi32, #tpu.memory_space<vmem>> -> memref<80xi32, #tpu.memory_space<vmem>>
      %dma_wait3A_79 = arith.constant 0 : i32
      %dma_wait3A_80 = arith.constant 0 : i32
      %dma_wait3A_81 = tpu.memref_slice %arg2[%dma_wait3A_79, %dma_wait3A_80] : memref<80000x128xf32, #tpu.memory_space<hbm>> -> memref<80000x128xf32, #tpu.memory_space<hbm>>
      tpu.wait_indirect_dma semaphore(%arg15 : memref<!tpu.dma_semaphore, #tpu.memory_space<semaphore_mem>>) src(%dma_wait3A_81 : memref<80000x128xf32, #tpu.memory_space<hbm>>) dst(%arg13 : memref<80x128xf32, #tpu.memory_space<vmem>>)
      %add3A_82 = arith.constant 1 : i32
      %add3A_83 = arith.addi %mul3A_44, %add3A_82 : i32
      %scan3A_84 = arith.constant 0 : i32
      %scan3A_85 = arith.constant 0 : i32
      %scan3A_86 = arith.constant 40 : i32
      %scan3A_87 = arith.addi %scan3A_85, %scan3A_86 : i32
      %scan3A_88 = arith.constant 1 : i32
      %scan3A_89 = scf.for %scan3A_94 = %scan3A_85 to %scan3A_87 step %scan3A_88 iter_args(%scan3A_95 = %scan3A_84) -> (i32)  : i32 {
        %mul3A_96 = arith.constant 2 : i32
        %mul3A_97 = arith.muli %scan3A_94, %mul3A_96 : i32
        %add3A_98 = vector.broadcast %add3A_83 : i32 to vector<16xi32>
        %add3A_99 = arith.addi %broadcast_in_dim3A_7, %add3A_98 : vector<16xi32>
        %add3A_100 = vector.broadcast %mul3A_97 : i32 to vector<16xi32>
        %add3A_101 = arith.addi %broadcast_in_dim3A_7, %add3A_100 : vector<16xi32>
        %gather3A = tpu.vector_load_idx %arg11[%add3A_99, %add3A_101] : memref<125x80xf32, #tpu.memory_space<vmem>>[vector<16xi32>, vector<16xi32>], vector<16xf32>,
        %add3A_102 = vector.broadcast %add3A_83 : i32 to vector<16xi32>
        %add3A_103 = arith.addi %broadcast_in_dim3A_7, %add3A_102 : vector<16xi32>
        %add3A_104 = arith.constant 1 : i32
        %add3A_105 = arith.addi %mul3A_97, %add3A_104 : i32
        %add3A_106 = vector.broadcast %add3A_105 : i32 to vector<16xi32>
        %add3A_107 = arith.addi %broadcast_in_dim3A_7, %add3A_106 : vector<16xi32>
        %gather3A_108 = tpu.vector_load_idx %arg11[%add3A_103, %add3A_107] : memref<125x80xf32, #tpu.memory_space<vmem>>[vector<16xi32>, vector<16xi32>], vector<16xf32>,
        %get3A = arith.index_cast %mul3A_97 : i32 to index
        %get3A_109 = arith.constant 0 : index
        %get3A_110 = tpu.vector_load %arg13[%get3A, %get3A_109] {strides = array<i32>} : memref<80x128xf32, #tpu.memory_space<vmem>>, vector<16xf32>,
        %mul3A_111 = arith.mulf %get3A_110, %gather3A : vector<16xf32>
        %swap3A = arith.index_cast %mul3A_97 : i32 to index
        %swap3A_112 = arith.constant 0 : index
        %swap3A_113 = tpu.vector_load %arg13[%swap3A, %swap3A_112] {strides = array<i32>} : memref<80x128xf32, #tpu.memory_space<vmem>>, vector<16xf32>,
        tpu.vector_store %arg13[%swap3A, %swap3A_112], %mul3A_111 {strides = array<i32>} : memref<80x128xf32, #tpu.memory_space<vmem>>, vector<16xf32>,
        %get3A_114 = arith.index_cast %mul3A_97 : i32 to index
        %get3A_115 = arith.constant 16 : index
        %get3A_116 = tpu.vector_load %arg13[%get3A_114, %get3A_115] {strides = array<i32>} : memref<80x128xf32, #tpu.memory_space<vmem>>, vector<16xf32>,
        %mul3A_117 = arith.mulf %get3A_116, %gather3A : vector<16xf32>
        %swap3A_118 = arith.index_cast %mul3A_97 : i32 to index
        %swap3A_119 = arith.constant 16 : index
        %swap3A_120 = tpu.vector_load %arg13[%swap3A_118, %swap3A_119] {strides = array<i32>} : memref<80x128xf32, #tpu.memory_space<vmem>>, vector<16xf32>,
        tpu.vector_store %arg13[%swap3A_118, %swap3A_119], %mul3A_117 {strides = array<i32>} : memref<80x128xf32, #tpu.memory_space<vmem>>, vector<16xf32>,
        %get3A_121 = arith.index_cast %mul3A_97 : i32 to index
        %get3A_122 = arith.constant 32 : index
        %get3A_123 = tpu.vector_load %arg13[%get3A_121, %get3A_122] {strides = array<i32>} : memref<80x128xf32, #tpu.memory_space<vmem>>, vector<16xf32>,
        %mul3A_124 = arith.mulf %get3A_123, %gather3A : vector<16xf32>
        %swap3A_125 = arith.index_cast %mul3A_97 : i32 to index
        %swap3A_126 = arith.constant 32 : index
        %swap3A_127 = tpu.vector_load %arg13[%swap3A_125, %swap3A_126] {strides = array<i32>} : memref<80x128xf32, #tpu.memory_space<vmem>>, vector<16xf32>,
        tpu.vector_store %arg13[%swap3A_125, %swap3A_126], %mul3A_124 {strides = array<i32>} : memref<80x128xf32, #tpu.memory_space<vmem>>, vector<16xf32>,
        %get3A_128 = arith.index_cast %mul3A_97 : i32 to index
        %get3A_129 = arith.constant 48 : index
        %get3A_130 = tpu.vector_load %arg13[%get3A_128, %get3A_129] {strides = array<i32>} : memref<80x128xf32, #tpu.memory_space<vmem>>, vector<16xf32>,
        %mul3A_131 = arith.mulf %get3A_130, %gather3A : vector<16xf32>
        %swap3A_132 = arith.index_cast %mul3A_97 : i32 to index
        %swap3A_133 = arith.constant 48 : index
        %swap3A_134 = tpu.vector_load %arg13[%swap3A_132, %swap3A_133] {strides = array<i32>} : memref<80x128xf32, #tpu.memory_space<vmem>>, vector<16xf32>,
        tpu.vector_store %arg13[%swap3A_132, %swap3A_133], %mul3A_131 {strides = array<i32>} : memref<80x128xf32, #tpu.memory_space<vmem>>, vector<16xf32>,
        %get3A_135 = arith.index_cast %mul3A_97 : i32 to index
        %get3A_136 = arith.constant 64 : index
        %get3A_137 = tpu.vector_load %arg13[%get3A_135, %get3A_136] {strides = array<i32>} : memref<80x128xf32, #tpu.memory_space<vmem>>, vector<16xf32>,
        %mul3A_138 = arith.mulf %get3A_137, %gather3A : vector<16xf32>
        %swap3A_139 = arith.index_cast %mul3A_97 : i32 to index
        %swap3A_140 = arith.constant 64 : index
        %swap3A_141 = tpu.vector_load %arg13[%swap3A_139, %swap3A_140] {strides = array<i32>} : memref<80x128xf32, #tpu.memory_space<vmem>>, vector<16xf32>,
        tpu.vector_store %arg13[%swap3A_139, %swap3A_140], %mul3A_138 {strides = array<i32>} : memref<80x128xf32, #tpu.memory_space<vmem>>, vector<16xf32>,
        %get3A_142 = arith.index_cast %mul3A_97 : i32 to index
        %get3A_143 = arith.constant 80 : index
        %get3A_144 = tpu.vector_load %arg13[%get3A_142, %get3A_143] {strides = array<i32>} : memref<80x128xf32, #tpu.memory_space<vmem>>, vector<16xf32>,
        %mul3A_145 = arith.mulf %get3A_144, %gather3A : vector<16xf32>
        %swap3A_146 = arith.index_cast %mul3A_97 : i32 to index
        %swap3A_147 = arith.constant 80 : index
        %swap3A_148 = tpu.vector_load %arg13[%swap3A_146, %swap3A_147] {strides = array<i32>} : memref<80x128xf32, #tpu.memory_space<vmem>>, vector<16xf32>,
        tpu.vector_store %arg13[%swap3A_146, %swap3A_147], %mul3A_145 {strides = array<i32>} : memref<80x128xf32, #tpu.memory_space<vmem>>, vector<16xf32>,
        %get3A_149 = arith.index_cast %mul3A_97 : i32 to index
        %get3A_150 = arith.constant 96 : index
        %get3A_151 = tpu.vector_load %arg13[%get3A_149, %get3A_150] {strides = array<i32>} : memref<80x128xf32, #tpu.memory_space<vmem>>, vector<16xf32>,
        %mul3A_152 = arith.mulf %get3A_151, %gather3A : vector<16xf32>
        %swap3A_153 = arith.index_cast %mul3A_97 : i32 to index
        %swap3A_154 = arith.constant 96 : index
        %swap3A_155 = tpu.vector_load %arg13[%swap3A_153, %swap3A_154] {strides = array<i32>} : memref<80x128xf32, #tpu.memory_space<vmem>>, vector<16xf32>,
        tpu.vector_store %arg13[%swap3A_153, %swap3A_154], %mul3A_152 {strides = array<i32>} : memref<80x128xf32, #tpu.memory_space<vmem>>, vector<16xf32>,
        %get3A_156 = arith.index_cast %mul3A_97 : i32 to index
        %get3A_157 = arith.constant 112 : index
        %get3A_158 = tpu.vector_load %arg13[%get3A_156, %get3A_157] {strides = array<i32>} : memref<80x128xf32, #tpu.memory_space<vmem>>, vector<16xf32>,
        %mul3A_159 = arith.mulf %get3A_158, %gather3A : vector<16xf32>
        %swap3A_160 = arith.index_cast %mul3A_97 : i32 to index
        %swap3A_161 = arith.constant 112 : index
        %swap3A_162 = tpu.vector_load %arg13[%swap3A_160, %swap3A_161] {strides = array<i32>} : memref<80x128xf32, #tpu.memory_space<vmem>>, vector<16xf32>,
        tpu.vector_store %arg13[%swap3A_160, %swap3A_161], %mul3A_159 {strides = array<i32>} : memref<80x128xf32, #tpu.memory_space<vmem>>, vector<16xf32>,
        %add3A_163 = arith.constant 1 : i32
        %add3A_164 = arith.addi %mul3A_97, %add3A_163 : i32
        %get3A_165 = arith.index_cast %add3A_164 : i32 to index
        %get3A_166 = arith.constant 0 : index
        %get3A_167 = tpu.vector_load %arg13[%get3A_165, %get3A_166] {strides = array<i32>} : memref<80x128xf32, #tpu.memory_space<vmem>>, vector<16xf32>,
        %mul3A_168 = arith.mulf %get3A_167, %gather3A_108 : vector<16xf32>
        %add3A_169 = arith.constant 1 : i32
        %add3A_170 = arith.addi %mul3A_97, %add3A_169 : i32
        %swap3A_171 = arith.index_cast %add3A_170 : i32 to index
        %swap3A_172 = arith.constant 0 : index
        %swap3A_173 = tpu.vector_load %arg13[%swap3A_171, %swap3A_172] {strides = array<i32>} : memref<80x128xf32, #tpu.memory_space<vmem>>, vector<16xf32>,
        tpu.vector_store %arg13[%swap3A_171, %swap3A_172], %mul3A_168 {strides = array<i32>} : memref<80x128xf32, #tpu.memory_space<vmem>>, vector<16xf32>,
        %add3A_174 = arith.constant 1 : i32
        %add3A_175 = arith.addi %mul3A_97, %add3A_174 : i32
        %get3A_176 = arith.index_cast %add3A_175 : i32 to index
        %get3A_177 = arith.constant 16 : index
        %get3A_178 = tpu.vector_load %arg13[%get3A_176, %get3A_177] {strides = array<i32>} : memref<80x128xf32, #tpu.memory_space<vmem>>, vector<16xf32>,
        %mul3A_179 = arith.mulf %get3A_178, %gather3A_108 : vector<16xf32>
        %add3A_180 = arith.constant 1 : i32
        %add3A_181 = arith.addi %mul3A_97, %add3A_180 : i32
        %swap3A_182 = arith.index_cast %add3A_181 : i32 to index
        %swap3A_183 = arith.constant 16 : index
        %swap3A_184 = tpu.vector_load %arg13[%swap3A_182, %swap3A_183] {strides = array<i32>} : memref<80x128xf32, #tpu.memory_space<vmem>>, vector<16xf32>,
        tpu.vector_store %arg13[%swap3A_182, %swap3A_183], %mul3A_179 {strides = array<i32>} : memref<80x128xf32, #tpu.memory_space<vmem>>, vector<16xf32>,
        %add3A_185 = arith.constant 1 : i32
        %add3A_186 = arith.addi %mul3A_97, %add3A_185 : i32
        %get3A_187 = arith.index_cast %add3A_186 : i32 to index
        %get3A_188 = arith.constant 32 : index
        %get3A_189 = tpu.vector_load %arg13[%get3A_187, %get3A_188] {strides = array<i32>} : memref<80x128xf32, #tpu.memory_space<vmem>>, vector<16xf32>,
        %mul3A_190 = arith.mulf %get3A_189, %gather3A_108 : vector<16xf32>
        %add3A_191 = arith.constant 1 : i32
        %add3A_192 = arith.addi %mul3A_97, %add3A_191 : i32
        %swap3A_193 = arith.index_cast %add3A_192 : i32 to index
        %swap3A_194 = arith.constant 32 : index
        %swap3A_195 = tpu.vector_load %arg13[%swap3A_193, %swap3A_194] {strides = array<i32>} : memref<80x128xf32, #tpu.memory_space<vmem>>, vector<16xf32>,
        tpu.vector_store %arg13[%swap3A_193, %swap3A_194], %mul3A_190 {strides = array<i32>} : memref<80x128xf32, #tpu.memory_space<vmem>>, vector<16xf32>,
        %add3A_196 = arith.constant 1 : i32
        %add3A_197 = arith.addi %mul3A_97, %add3A_196 : i32
        %get3A_198 = arith.index_cast %add3A_197 : i32 to index
        %get3A_199 = arith.constant 48 : index
        %get3A_200 = tpu.vector_load %arg13[%get3A_198, %get3A_199] {strides = array<i32>} : memref<80x128xf32, #tpu.memory_space<vmem>>, vector<16xf32>,
        %mul3A_201 = arith.mulf %get3A_200, %gather3A_108 : vector<16xf32>
        %add3A_202 = arith.constant 1 : i32
        %add3A_203 = arith.addi %mul3A_97, %add3A_202 : i32
        %swap3A_204 = arith.index_cast %add3A_203 : i32 to index
        %swap3A_205 = arith.constant 48 : index
        %swap3A_206 = tpu.vector_load %arg13[%swap3A_204, %swap3A_205] {strides = array<i32>} : memref<80x128xf32, #tpu.memory_space<vmem>>, vector<16xf32>,
        tpu.vector_store %arg13[%swap3A_204, %swap3A_205], %mul3A_201 {strides = array<i32>} : memref<80x128xf32, #tpu.memory_space<vmem>>, vector<16xf32>,
        %add3A_207 = arith.constant 1 : i32
        %add3A_208 = arith.addi %mul3A_97, %add3A_207 : i32
        %get3A_209 = arith.index_cast %add3A_208 : i32 to index
        %get3A_210 = arith.constant 64 : index
        %get3A_211 = tpu.vector_load %arg13[%get3A_209, %get3A_210] {strides = array<i32>} : memref<80x128xf32, #tpu.memory_space<vmem>>, vector<16xf32>,
        %mul3A_212 = arith.mulf %get3A_211, %gather3A_108 : vector<16xf32>
        %add3A_213 = arith.constant 1 : i32
        %add3A_214 = arith.addi %mul3A_97, %add3A_213 : i32
        %swap3A_215 = arith.index_cast %add3A_214 : i32 to index
        %swap3A_216 = arith.constant 64 : index
        %swap3A_217 = tpu.vector_load %arg13[%swap3A_215, %swap3A_216] {strides = array<i32>} : memref<80x128xf32, #tpu.memory_space<vmem>>, vector<16xf32>,
        tpu.vector_store %arg13[%swap3A_215, %swap3A_216], %mul3A_212 {strides = array<i32>} : memref<80x128xf32, #tpu.memory_space<vmem>>, vector<16xf32>,
        %add3A_218 = arith.constant 1 : i32
        %add3A_219 = arith.addi %mul3A_97, %add3A_218 : i32
        %get3A_220 = arith.index_cast %add3A_219 : i32 to index
        %get3A_221 = arith.constant 80 : index
        %get3A_222 = tpu.vector_load %arg13[%get3A_220, %get3A_221] {strides = array<i32>} : memref<80x128xf32, #tpu.memory_space<vmem>>, vector<16xf32>,
        %mul3A_223 = arith.mulf %get3A_222, %gather3A_108 : vector<16xf32>
        %add3A_224 = arith.constant 1 : i32
        %add3A_225 = arith.addi %mul3A_97, %add3A_224 : i32
        %swap3A_226 = arith.index_cast %add3A_225 : i32 to index
        %swap3A_227 = arith.constant 80 : index
        %swap3A_228 = tpu.vector_load %arg13[%swap3A_226, %swap3A_227] {strides = array<i32>} : memref<80x128xf32, #tpu.memory_space<vmem>>, vector<16xf32>,
        tpu.vector_store %arg13[%swap3A_226, %swap3A_227], %mul3A_223 {strides = array<i32>} : memref<80x128xf32, #tpu.memory_space<vmem>>, vector<16xf32>,
        %add3A_229 = arith.constant 1 : i32
        %add3A_230 = arith.addi %mul3A_97, %add3A_229 : i32
        %get3A_231 = arith.index_cast %add3A_230 : i32 to index
        %get3A_232 = arith.constant 96 : index
        %get3A_233 = tpu.vector_load %arg13[%get3A_231, %get3A_232] {strides = array<i32>} : memref<80x128xf32, #tpu.memory_space<vmem>>, vector<16xf32>,
        %mul3A_234 = arith.mulf %get3A_233, %gather3A_108 : vector<16xf32>
        %add3A_235 = arith.constant 1 : i32
        %add3A_236 = arith.addi %mul3A_97, %add3A_235 : i32
        %swap3A_237 = arith.index_cast %add3A_236 : i32 to index
        %swap3A_238 = arith.constant 96 : index
        %swap3A_239 = tpu.vector_load %arg13[%swap3A_237, %swap3A_238] {strides = array<i32>} : memref<80x128xf32, #tpu.memory_space<vmem>>, vector<16xf32>,
        tpu.vector_store %arg13[%swap3A_237, %swap3A_238], %mul3A_234 {strides = array<i32>} : memref<80x128xf32, #tpu.memory_space<vmem>>, vector<16xf32>,
        %add3A_240 = arith.constant 1 : i32
        %add3A_241 = arith.addi %mul3A_97, %add3A_240 : i32
        %get3A_242 = arith.index_cast %add3A_241 : i32 to index
        %get3A_243 = arith.constant 112 : index
        %get3A_244 = tpu.vector_load %arg13[%get3A_242, %get3A_243] {strides = array<i32>} : memref<80x128xf32, #tpu.memory_space<vmem>>, vector<16xf32>,
        %mul3A_245 = arith.mulf %get3A_244, %gather3A_108 : vector<16xf32>
        %add3A_246 = arith.constant 1 : i32
        %add3A_247 = arith.addi %mul3A_97, %add3A_246 : i32
        %swap3A_248 = arith.index_cast %add3A_247 : i32 to index
        %swap3A_249 = arith.constant 112 : index
        %swap3A_250 = tpu.vector_load %arg13[%swap3A_248, %swap3A_249] {strides = array<i32>} : memref<80x128xf32, #tpu.memory_space<vmem>>, vector<16xf32>,
        tpu.vector_store %arg13[%swap3A_248, %swap3A_249], %mul3A_245 {strides = array<i32>} : memref<80x128xf32, #tpu.memory_space<vmem>>, vector<16xf32>,
        %scan3A_251 = arith.constant 0 : i32
        scf.yield %scan3A_251 : i32
      }
      %scan3A_90 = arith.constant 40 : i32
      %add3A_91 = arith.constant 1 : i32
      %add3A_92 = arith.addi %mul3A_44, %add3A_91 : i32
      "tpu.region"() ({
        %run_scoped3A_94 = tpu.sem_alloc : memref<!tpu.dma_semaphore, #tpu.memory_space<semaphore_mem>>
        %dma_start3A_95 = arith.constant 0 : i32
        %dma_start3A_96 = tpu.memref_slice %arg10[%add3A_92, %dma_start3A_95] : memref<125x80xi32, #tpu.memory_space<vmem>> -> memref<1x80xi32, #tpu.memory_space<vmem>>
        %dma_start3A_97 = tpu.memref_squeeze %dma_start3A_96 : memref<1x80xi32, #tpu.memory_space<vmem>> -> memref<80xi32, #tpu.memory_space<vmem>>
        %dma_start3A_98 = arith.constant 0 : i32
        %dma_start3A_99 = arith.constant 0 : i32
        %dma_start3A_100 = tpu.memref_slice %arg8[%dma_start3A_98, %dma_start3A_99] : memref<10000x128xf32, #tpu.memory_space<vmem_shared>> -> memref<10000x128xf32, #tpu.memory_space<vmem_shared>>
        tpu.enqueue_indirect_dma source(%arg13 : memref<80x128xf32, #tpu.memory_space<vmem>>) target(%dma_start3A_100 : memref<10000x128xf32, #tpu.memory_space<vmem_shared>>) offsets(%dma_start3A_97 : memref<80xi32, #tpu.memory_space<vmem>>) semaphore(%run_scoped3A_94 : memref<!tpu.dma_semaphore, #tpu.memory_space<semaphore_mem>>) {add = true}
        %dma_wait3A_101 = arith.constant 0 : i32
        %dma_wait3A_102 = tpu.memref_slice %arg10[%add3A_92, %dma_wait3A_101] : memref<125x80xi32, #tpu.memory_space<vmem>> -> memref<1x80xi32, #tpu.memory_space<vmem>>
        %dma_wait3A_103 = tpu.memref_squeeze %dma_wait3A_102 : memref<1x80xi32, #tpu.memory_space<vmem>> -> memref<80xi32, #tpu.memory_space<vmem>>
        %dma_wait3A_104 = arith.constant 0 : i32
        %dma_wait3A_105 = arith.constant 0 : i32
        %dma_wait3A_106 = tpu.memref_slice %arg8[%dma_wait3A_104, %dma_wait3A_105] : memref<10000x128xf32, #tpu.memory_space<vmem_shared>> -> memref<10000x128xf32, #tpu.memory_space<vmem_shared>>
        tpu.wait_indirect_dma semaphore(%run_scoped3A_94 : memref<!tpu.dma_semaphore, #tpu.memory_space<semaphore_mem>>) src(%arg13 : memref<80x128xf32, #tpu.memory_space<vmem>>) dst(%dma_wait3A_106 : memref<10000x128xf32, #tpu.memory_space<vmem_shared>>)
        tpu.yield
      }) : () -> ()
      %scan3A_93 = arith.constant 0 : i32
      scf.yield %scan3A_93 : i32
    }
    %scan3A_19 = arith.constant 62 : i32
    %dma_wait3A = arith.constant 124 : i32
    %dma_wait3A_20 = arith.constant 0 : i32
    %dma_wait3A_21 = tpu.memref_slice %arg9[%dma_wait3A, %dma_wait3A_20] : memref<125x80xi32, #tpu.memory_space<vmem>> -> memref<1x80xi32, #tpu.memory_space<vmem>>
    %dma_wait3A_22 = tpu.memref_squeeze %dma_wait3A_21 : memref<1x80xi32, #tpu.memory_space<vmem>> -> memref<80xi32, #tpu.memory_space<vmem>>
    %dma_wait3A_23 = arith.constant 0 : i32
    %dma_wait3A_24 = arith.constant 0 : i32
    %dma_wait3A_25 = tpu.memref_slice %arg2[%dma_wait3A_23, %dma_wait3A_24] : memref<80000x128xf32, #tpu.memory_space<hbm>> -> memref<80000x128xf32, #tpu.memory_space<hbm>>
    tpu.wait_indirect_dma semaphore(%arg14 : memref<!tpu.dma_semaphore, #tpu.memory_space<semaphore_mem>>) src(%dma_wait3A_25 : memref<80000x128xf32, #tpu.memory_space<hbm>>) dst(%arg12 : memref<80x128xf32, #tpu.memory_space<vmem>>)
    %scan3A_26 = arith.constant 0 : i32
    %scan3A_27 = arith.constant 0 : i32
    %scan3A_28 = arith.constant 40 : i32
    %scan3A_29 = arith.addi %scan3A_27, %scan3A_28 : i32
    %scan3A_30 = arith.constant 1 : i32
    %scan3A_31 = scf.for %scan3A_41 = %scan3A_27 to %scan3A_29 step %scan3A_30 iter_args(%scan3A_42 = %scan3A_26) -> (i32)  : i32 {
      %mul3A_43 = arith.constant 2 : i32
      %mul3A_44 = arith.muli %scan3A_41, %mul3A_43 : i32
      %add3A_45 = arith.constant 124 : i32
      %add3A_46 = vector.broadcast %add3A_45 : i32 to vector<16xi32>
      %add3A_47 = arith.addi %broadcast_in_dim3A_7, %add3A_46 : vector<16xi32>
      %add3A_48 = vector.broadcast %mul3A_44 : i32 to vector<16xi32>
      %add3A_49 = arith.addi %broadcast_in_dim3A_7, %add3A_48 : vector<16xi32>
      %gather3A = tpu.vector_load_idx %arg11[%add3A_47, %add3A_49] : memref<125x80xf32, #tpu.memory_space<vmem>>[vector<16xi32>, vector<16xi32>], vector<16xf32>,
      %add3A_50 = arith.constant 124 : i32
      %add3A_51 = vector.broadcast %add3A_50 : i32 to vector<16xi32>
      %add3A_52 = arith.addi %broadcast_in_dim3A_7, %add3A_51 : vector<16xi32>
      %add3A_53 = arith.constant 1 : i32
      %add3A_54 = arith.addi %mul3A_44, %add3A_53 : i32
      %add3A_55 = vector.broadcast %add3A_54 : i32 to vector<16xi32>
      %add3A_56 = arith.addi %broadcast_in_dim3A_7, %add3A_55 : vector<16xi32>
      %gather3A_57 = tpu.vector_load_idx %arg11[%add3A_52, %add3A_56] : memref<125x80xf32, #tpu.memory_space<vmem>>[vector<16xi32>, vector<16xi32>], vector<16xf32>,
      %get3A = arith.index_cast %mul3A_44 : i32 to index
      %get3A_58 = arith.constant 0 : index
      %get3A_59 = tpu.vector_load %arg12[%get3A, %get3A_58] {strides = array<i32>} : memref<80x128xf32, #tpu.memory_space<vmem>>, vector<16xf32>,
      %mul3A_60 = arith.mulf %get3A_59, %gather3A : vector<16xf32>
      %swap3A = arith.index_cast %mul3A_44 : i32 to index
      %swap3A_61 = arith.constant 0 : index
      %swap3A_62 = tpu.vector_load %arg12[%swap3A, %swap3A_61] {strides = array<i32>} : memref<80x128xf32, #tpu.memory_space<vmem>>, vector<16xf32>,
      tpu.vector_store %arg12[%swap3A, %swap3A_61], %mul3A_60 {strides = array<i32>} : memref<80x128xf32, #tpu.memory_space<vmem>>, vector<16xf32>,
      %get3A_63 = arith.index_cast %mul3A_44 : i32 to index
      %get3A_64 = arith.constant 16 : index
      %get3A_65 = tpu.vector_load %arg12[%get3A_63, %get3A_64] {strides = array<i32>} : memref<80x128xf32, #tpu.memory_space<vmem>>, vector<16xf32>,
      %mul3A_66 = arith.mulf %get3A_65, %gather3A : vector<16xf32>
      %swap3A_67 = arith.index_cast %mul3A_44 : i32 to index
      %swap3A_68 = arith.constant 16 : index
      %swap3A_69 = tpu.vector_load %arg12[%swap3A_67, %swap3A_68] {strides = array<i32>} : memref<80x128xf32, #tpu.memory_space<vmem>>, vector<16xf32>,
      tpu.vector_store %arg12[%swap3A_67, %swap3A_68], %mul3A_66 {strides = array<i32>} : memref<80x128xf32, #tpu.memory_space<vmem>>, vector<16xf32>,
      %get3A_70 = arith.index_cast %mul3A_44 : i32 to index
      %get3A_71 = arith.constant 32 : index
      %get3A_72 = tpu.vector_load %arg12[%get3A_70, %get3A_71] {strides = array<i32>} : memref<80x128xf32, #tpu.memory_space<vmem>>, vector<16xf32>,
      %mul3A_73 = arith.mulf %get3A_72, %gather3A : vector<16xf32>
      %swap3A_74 = arith.index_cast %mul3A_44 : i32 to index
      %swap3A_75 = arith.constant 32 : index
      %swap3A_76 = tpu.vector_load %arg12[%swap3A_74, %swap3A_75] {strides = array<i32>} : memref<80x128xf32, #tpu.memory_space<vmem>>, vector<16xf32>,
      tpu.vector_store %arg12[%swap3A_74, %swap3A_75], %mul3A_73 {strides = array<i32>} : memref<80x128xf32, #tpu.memory_space<vmem>>, vector<16xf32>,
      %get3A_77 = arith.index_cast %mul3A_44 : i32 to index
      %get3A_78 = arith.constant 48 : index
      %get3A_79 = tpu.vector_load %arg12[%get3A_77, %get3A_78] {strides = array<i32>} : memref<80x128xf32, #tpu.memory_space<vmem>>, vector<16xf32>,
      %mul3A_80 = arith.mulf %get3A_79, %gather3A : vector<16xf32>
      %swap3A_81 = arith.index_cast %mul3A_44 : i32 to index
      %swap3A_82 = arith.constant 48 : index
      %swap3A_83 = tpu.vector_load %arg12[%swap3A_81, %swap3A_82] {strides = array<i32>} : memref<80x128xf32, #tpu.memory_space<vmem>>, vector<16xf32>,
      tpu.vector_store %arg12[%swap3A_81, %swap3A_82], %mul3A_80 {strides = array<i32>} : memref<80x128xf32, #tpu.memory_space<vmem>>, vector<16xf32>,
      %get3A_84 = arith.index_cast %mul3A_44 : i32 to index
      %get3A_85 = arith.constant 64 : index
      %get3A_86 = tpu.vector_load %arg12[%get3A_84, %get3A_85] {strides = array<i32>} : memref<80x128xf32, #tpu.memory_space<vmem>>, vector<16xf32>,
      %mul3A_87 = arith.mulf %get3A_86, %gather3A : vector<16xf32>
      %swap3A_88 = arith.index_cast %mul3A_44 : i32 to index
      %swap3A_89 = arith.constant 64 : index
      %swap3A_90 = tpu.vector_load %arg12[%swap3A_88, %swap3A_89] {strides = array<i32>} : memref<80x128xf32, #tpu.memory_space<vmem>>, vector<16xf32>,
      tpu.vector_store %arg12[%swap3A_88, %swap3A_89], %mul3A_87 {strides = array<i32>} : memref<80x128xf32, #tpu.memory_space<vmem>>, vector<16xf32>,
      %get3A_91 = arith.index_cast %mul3A_44 : i32 to index
      %get3A_92 = arith.constant 80 : index
      %get3A_93 = tpu.vector_load %arg12[%get3A_91, %get3A_92] {strides = array<i32>} : memref<80x128xf32, #tpu.memory_space<vmem>>, vector<16xf32>,
      %mul3A_94 = arith.mulf %get3A_93, %gather3A : vector<16xf32>
      %swap3A_95 = arith.index_cast %mul3A_44 : i32 to index
      %swap3A_96 = arith.constant 80 : index
      %swap3A_97 = tpu.vector_load %arg12[%swap3A_95, %swap3A_96] {strides = array<i32>} : memref<80x128xf32, #tpu.memory_space<vmem>>, vector<16xf32>,
      tpu.vector_store %arg12[%swap3A_95, %swap3A_96], %mul3A_94 {strides = array<i32>} : memref<80x128xf32, #tpu.memory_space<vmem>>, vector<16xf32>,
      %get3A_98 = arith.index_cast %mul3A_44 : i32 to index
      %get3A_99 = arith.constant 96 : index
      %get3A_100 = tpu.vector_load %arg12[%get3A_98, %get3A_99] {strides = array<i32>} : memref<80x128xf32, #tpu.memory_space<vmem>>, vector<16xf32>,
      %mul3A_101 = arith.mulf %get3A_100, %gather3A : vector<16xf32>
      %swap3A_102 = arith.index_cast %mul3A_44 : i32 to index
      %swap3A_103 = arith.constant 96 : index
      %swap3A_104 = tpu.vector_load %arg12[%swap3A_102, %swap3A_103] {strides = array<i32>} : memref<80x128xf32, #tpu.memory_space<vmem>>, vector<16xf32>,
      tpu.vector_store %arg12[%swap3A_102, %swap3A_103], %mul3A_101 {strides = array<i32>} : memref<80x128xf32, #tpu.memory_space<vmem>>, vector<16xf32>,
      %get3A_105 = arith.index_cast %mul3A_44 : i32 to index
      %get3A_106 = arith.constant 112 : index
      %get3A_107 = tpu.vector_load %arg12[%get3A_105, %get3A_106] {strides = array<i32>} : memref<80x128xf32, #tpu.memory_space<vmem>>, vector<16xf32>,
      %mul3A_108 = arith.mulf %get3A_107, %gather3A : vector<16xf32>
      %swap3A_109 = arith.index_cast %mul3A_44 : i32 to index
      %swap3A_110 = arith.constant 112 : index
      %swap3A_111 = tpu.vector_load %arg12[%swap3A_109, %swap3A_110] {strides = array<i32>} : memref<80x128xf32, #tpu.memory_space<vmem>>, vector<16xf32>,
      tpu.vector_store %arg12[%swap3A_109, %swap3A_110], %mul3A_108 {strides = array<i32>} : memref<80x128xf32, #tpu.memory_space<vmem>>, vector<16xf32>,
      %add3A_112 = arith.constant 1 : i32
      %add3A_113 = arith.addi %mul3A_44, %add3A_112 : i32
      %get3A_114 = arith.index_cast %add3A_113 : i32 to index
      %get3A_115 = arith.constant 0 : index
      %get3A_116 = tpu.vector_load %arg12[%get3A_114, %get3A_115] {strides = array<i32>} : memref<80x128xf32, #tpu.memory_space<vmem>>, vector<16xf32>,
      %mul3A_117 = arith.mulf %get3A_116, %gather3A_57 : vector<16xf32>
      %add3A_118 = arith.constant 1 : i32
      %add3A_119 = arith.addi %mul3A_44, %add3A_118 : i32
      %swap3A_120 = arith.index_cast %add3A_119 : i32 to index
      %swap3A_121 = arith.constant 0 : index
      %swap3A_122 = tpu.vector_load %arg12[%swap3A_120, %swap3A_121] {strides = array<i32>} : memref<80x128xf32, #tpu.memory_space<vmem>>, vector<16xf32>,
      tpu.vector_store %arg12[%swap3A_120, %swap3A_121], %mul3A_117 {strides = array<i32>} : memref<80x128xf32, #tpu.memory_space<vmem>>, vector<16xf32>,
      %add3A_123 = arith.constant 1 : i32
      %add3A_124 = arith.addi %mul3A_44, %add3A_123 : i32
      %get3A_125 = arith.index_cast %add3A_124 : i32 to index
      %get3A_126 = arith.constant 16 : index
      %get3A_127 = tpu.vector_load %arg12[%get3A_125, %get3A_126] {strides = array<i32>} : memref<80x128xf32, #tpu.memory_space<vmem>>, vector<16xf32>,
      %mul3A_128 = arith.mulf %get3A_127, %gather3A_57 : vector<16xf32>
      %add3A_129 = arith.constant 1 : i32
      %add3A_130 = arith.addi %mul3A_44, %add3A_129 : i32
      %swap3A_131 = arith.index_cast %add3A_130 : i32 to index
      %swap3A_132 = arith.constant 16 : index
      %swap3A_133 = tpu.vector_load %arg12[%swap3A_131, %swap3A_132] {strides = array<i32>} : memref<80x128xf32, #tpu.memory_space<vmem>>, vector<16xf32>,
      tpu.vector_store %arg12[%swap3A_131, %swap3A_132], %mul3A_128 {strides = array<i32>} : memref<80x128xf32, #tpu.memory_space<vmem>>, vector<16xf32>,
      %add3A_134 = arith.constant 1 : i32
      %add3A_135 = arith.addi %mul3A_44, %add3A_134 : i32
      %get3A_136 = arith.index_cast %add3A_135 : i32 to index
      %get3A_137 = arith.constant 32 : index
      %get3A_138 = tpu.vector_load %arg12[%get3A_136, %get3A_137] {strides = array<i32>} : memref<80x128xf32, #tpu.memory_space<vmem>>, vector<16xf32>,
      %mul3A_139 = arith.mulf %get3A_138, %gather3A_57 : vector<16xf32>
      %add3A_140 = arith.constant 1 : i32
      %add3A_141 = arith.addi %mul3A_44, %add3A_140 : i32
      %swap3A_142 = arith.index_cast %add3A_141 : i32 to index
      %swap3A_143 = arith.constant 32 : index
      %swap3A_144 = tpu.vector_load %arg12[%swap3A_142, %swap3A_143] {strides = array<i32>} : memref<80x128xf32, #tpu.memory_space<vmem>>, vector<16xf32>,
      tpu.vector_store %arg12[%swap3A_142, %swap3A_143], %mul3A_139 {strides = array<i32>} : memref<80x128xf32, #tpu.memory_space<vmem>>, vector<16xf32>,
      %add3A_145 = arith.constant 1 : i32
      %add3A_146 = arith.addi %mul3A_44, %add3A_145 : i32
      %get3A_147 = arith.index_cast %add3A_146 : i32 to index
      %get3A_148 = arith.constant 48 : index
      %get3A_149 = tpu.vector_load %arg12[%get3A_147, %get3A_148] {strides = array<i32>} : memref<80x128xf32, #tpu.memory_space<vmem>>, vector<16xf32>,
      %mul3A_150 = arith.mulf %get3A_149, %gather3A_57 : vector<16xf32>
      %add3A_151 = arith.constant 1 : i32
      %add3A_152 = arith.addi %mul3A_44, %add3A_151 : i32
      %swap3A_153 = arith.index_cast %add3A_152 : i32 to index
      %swap3A_154 = arith.constant 48 : index
      %swap3A_155 = tpu.vector_load %arg12[%swap3A_153, %swap3A_154] {strides = array<i32>} : memref<80x128xf32, #tpu.memory_space<vmem>>, vector<16xf32>,
      tpu.vector_store %arg12[%swap3A_153, %swap3A_154], %mul3A_150 {strides = array<i32>} : memref<80x128xf32, #tpu.memory_space<vmem>>, vector<16xf32>,
      %add3A_156 = arith.constant 1 : i32
      %add3A_157 = arith.addi %mul3A_44, %add3A_156 : i32
      %get3A_158 = arith.index_cast %add3A_157 : i32 to index
      %get3A_159 = arith.constant 64 : index
      %get3A_160 = tpu.vector_load %arg12[%get3A_158, %get3A_159] {strides = array<i32>} : memref<80x128xf32, #tpu.memory_space<vmem>>, vector<16xf32>,
      %mul3A_161 = arith.mulf %get3A_160, %gather3A_57 : vector<16xf32>
      %add3A_162 = arith.constant 1 : i32
      %add3A_163 = arith.addi %mul3A_44, %add3A_162 : i32
      %swap3A_164 = arith.index_cast %add3A_163 : i32 to index
      %swap3A_165 = arith.constant 64 : index
      %swap3A_166 = tpu.vector_load %arg12[%swap3A_164, %swap3A_165] {strides = array<i32>} : memref<80x128xf32, #tpu.memory_space<vmem>>, vector<16xf32>,
      tpu.vector_store %arg12[%swap3A_164, %swap3A_165], %mul3A_161 {strides = array<i32>} : memref<80x128xf32, #tpu.memory_space<vmem>>, vector<16xf32>,
      %add3A_167 = arith.constant 1 : i32
      %add3A_168 = arith.addi %mul3A_44, %add3A_167 : i32
      %get3A_169 = arith.index_cast %add3A_168 : i32 to index
      %get3A_170 = arith.constant 80 : index
      %get3A_171 = tpu.vector_load %arg12[%get3A_169, %get3A_170] {strides = array<i32>} : memref<80x128xf32, #tpu.memory_space<vmem>>, vector<16xf32>,
      %mul3A_172 = arith.mulf %get3A_171, %gather3A_57 : vector<16xf32>
      %add3A_173 = arith.constant 1 : i32
      %add3A_174 = arith.addi %mul3A_44, %add3A_173 : i32
      %swap3A_175 = arith.index_cast %add3A_174 : i32 to index
      %swap3A_176 = arith.constant 80 : index
      %swap3A_177 = tpu.vector_load %arg12[%swap3A_175, %swap3A_176] {strides = array<i32>} : memref<80x128xf32, #tpu.memory_space<vmem>>, vector<16xf32>,
      tpu.vector_store %arg12[%swap3A_175, %swap3A_176], %mul3A_172 {strides = array<i32>} : memref<80x128xf32, #tpu.memory_space<vmem>>, vector<16xf32>,
      %add3A_178 = arith.constant 1 : i32
      %add3A_179 = arith.addi %mul3A_44, %add3A_178 : i32
      %get3A_180 = arith.index_cast %add3A_179 : i32 to index
      %get3A_181 = arith.constant 96 : index
      %get3A_182 = tpu.vector_load %arg12[%get3A_180, %get3A_181] {strides = array<i32>} : memref<80x128xf32, #tpu.memory_space<vmem>>, vector<16xf32>,
      %mul3A_183 = arith.mulf %get3A_182, %gather3A_57 : vector<16xf32>
      %add3A_184 = arith.constant 1 : i32
      %add3A_185 = arith.addi %mul3A_44, %add3A_184 : i32
      %swap3A_186 = arith.index_cast %add3A_185 : i32 to index
      %swap3A_187 = arith.constant 96 : index
      %swap3A_188 = tpu.vector_load %arg12[%swap3A_186, %swap3A_187] {strides = array<i32>} : memref<80x128xf32, #tpu.memory_space<vmem>>, vector<16xf32>,
      tpu.vector_store %arg12[%swap3A_186, %swap3A_187], %mul3A_183 {strides = array<i32>} : memref<80x128xf32, #tpu.memory_space<vmem>>, vector<16xf32>,
      %add3A_189 = arith.constant 1 : i32
      %add3A_190 = arith.addi %mul3A_44, %add3A_189 : i32
      %get3A_191 = arith.index_cast %add3A_190 : i32 to index
      %get3A_192 = arith.constant 112 : index
      %get3A_193 = tpu.vector_load %arg12[%get3A_191, %get3A_192] {strides = array<i32>} : memref<80x128xf32, #tpu.memory_space<vmem>>, vector<16xf32>,
      %mul3A_194 = arith.mulf %get3A_193, %gather3A_57 : vector<16xf32>
      %add3A_195 = arith.constant 1 : i32
      %add3A_196 = arith.addi %mul3A_44, %add3A_195 : i32
      %swap3A_197 = arith.index_cast %add3A_196 : i32 to index
      %swap3A_198 = arith.constant 112 : index
      %swap3A_199 = tpu.vector_load %arg12[%swap3A_197, %swap3A_198] {strides = array<i32>} : memref<80x128xf32, #tpu.memory_space<vmem>>, vector<16xf32>,
      tpu.vector_store %arg12[%swap3A_197, %swap3A_198], %mul3A_194 {strides = array<i32>} : memref<80x128xf32, #tpu.memory_space<vmem>>, vector<16xf32>,
      %scan3A_200 = arith.constant 0 : i32
      scf.yield %scan3A_200 : i32
    }
    %scan3A_32 = arith.constant 40 : i32
    %run_scoped3A = arith.constant 124 : i32
    "tpu.region"() ({
      %run_scoped3A_41 = tpu.sem_alloc : memref<!tpu.dma_semaphore, #tpu.memory_space<semaphore_mem>>
      %dma_start3A_42 = arith.constant 0 : i32
      %dma_start3A_43 = tpu.memref_slice %arg10[%run_scoped3A, %dma_start3A_42] : memref<125x80xi32, #tpu.memory_space<vmem>> -> memref<1x80xi32, #tpu.memory_space<vmem>>
      %dma_start3A_44 = tpu.memref_squeeze %dma_start3A_43 : memref<1x80xi32, #tpu.memory_space<vmem>> -> memref<80xi32, #tpu.memory_space<vmem>>
      %dma_start3A_45 = arith.constant 0 : i32
      %dma_start3A_46 = arith.constant 0 : i32
      %dma_start3A_47 = tpu.memref_slice %arg8[%dma_start3A_45, %dma_start3A_46] : memref<10000x128xf32, #tpu.memory_space<vmem_shared>> -> memref<10000x128xf32, #tpu.memory_space<vmem_shared>>
      tpu.enqueue_indirect_dma source(%arg12 : memref<80x128xf32, #tpu.memory_space<vmem>>) target(%dma_start3A_47 : memref<10000x128xf32, #tpu.memory_space<vmem_shared>>) offsets(%dma_start3A_44 : memref<80xi32, #tpu.memory_space<vmem>>) semaphore(%run_scoped3A_41 : memref<!tpu.dma_semaphore, #tpu.memory_space<semaphore_mem>>) {add = true}
      %dma_wait3A_48 = arith.constant 0 : i32
      %dma_wait3A_49 = tpu.memref_slice %arg10[%run_scoped3A, %dma_wait3A_48] : memref<125x80xi32, #tpu.memory_space<vmem>> -> memref<1x80xi32, #tpu.memory_space<vmem>>
      %dma_wait3A_50 = tpu.memref_squeeze %dma_wait3A_49 : memref<1x80xi32, #tpu.memory_space<vmem>> -> memref<80xi32, #tpu.memory_space<vmem>>
      %dma_wait3A_51 = arith.constant 0 : i32
      %dma_wait3A_52 = arith.constant 0 : i32
      %dma_wait3A_53 = tpu.memref_slice %arg8[%dma_wait3A_51, %dma_wait3A_52] : memref<10000x128xf32, #tpu.memory_space<vmem_shared>> -> memref<10000x128xf32, #tpu.memory_space<vmem_shared>>
      tpu.wait_indirect_dma semaphore(%run_scoped3A_41 : memref<!tpu.dma_semaphore, #tpu.memory_space<semaphore_mem>>) src(%arg12 : memref<80x128xf32, #tpu.memory_space<vmem>>) dst(%dma_wait3A_53 : memref<10000x128xf32, #tpu.memory_space<vmem_shared>>)
      tpu.yield
    }) : () -> ()
    %barrier3A_33 = arith.constant 0 : index
    tpu.barrier barrier_id(%barrier3A_33)
    %mul3A_34 = arith.constant 625 : i32
    %mul3A_35 = arith.muli %arg1, %mul3A_34 : i32
    %mul3A_36 = arith.constant 10000 : i32
    %mul3A_37 = arith.muli %arg0, %mul3A_36 : i32
    %mul3A_38 = arith.constant 625 : i32
    %mul3A_39 = arith.muli %arg1, %mul3A_38 : i32
    %add3A_40 = arith.addi %mul3A_37, %mul3A_39 : i32
    "tpu.region"() ({
      %run_scoped3A_41 = tpu.sem_alloc : memref<!tpu.dma_semaphore, #tpu.memory_space<semaphore_mem>>
      %dma_start3A_42 = arith.constant 0 : i32
      %dma_start3A_43 = tpu.memref_slice %arg7[%add3A_40, %dma_start3A_42] : memref<20000x128xf32, #tpu.memory_space<hbm>> -> memref<625x128xf32, #tpu.memory_space<hbm>>
      %dma_start3A_44 = arith.constant 0 : i32
      %dma_start3A_45 = tpu.memref_slice %arg8[%mul3A_35, %dma_start3A_44] : memref<10000x128xf32, #tpu.memory_space<vmem_shared>> -> memref<625x128xf32, #tpu.memory_space<vmem_shared>>
      tpu.enqueue_dma source(%dma_start3A_45 : memref<625x128xf32, #tpu.memory_space<vmem_shared>>) target(%dma_start3A_43 : memref<625x128xf32, #tpu.memory_space<hbm>>) target_semaphore(%run_scoped3A_41 : memref<!tpu.dma_semaphore, #tpu.memory_space<semaphore_mem>>)
      %dma_wait3A_46 = arith.constant 0 : i32
      %dma_wait3A_47 = tpu.memref_slice %arg7[%add3A_40, %dma_wait3A_46] : memref<20000x128xf32, #tpu.memory_space<hbm>> -> memref<625x128xf32, #tpu.memory_space<hbm>>
      %dma_wait3A_48 = arith.constant 0 : i32
      %dma_wait3A_49 = tpu.memref_slice %arg8[%mul3A_35, %dma_wait3A_48] : memref<10000x128xf32, #tpu.memory_space<vmem_shared>> -> memref<625x128xf32, #tpu.memory_space<vmem_shared>>
      tpu.wait_dma2 semaphore(%run_scoped3A_41 : memref<!tpu.dma_semaphore, #tpu.memory_space<semaphore_mem>>) src(%dma_wait3A_49 : memref<625x128xf32, #tpu.memory_space<vmem_shared>>) dst(%dma_wait3A_47 : memref<625x128xf32, #tpu.memory_space<hbm>>)
      tpu.yield
    }) : () -> ()
    return
  }
}

module attributes {stable_mosaic.version = 14 : i64} {
  func.func @_tc_mid_body(%arg0: i32, %arg1: i32, %arg2: memref<1000x128xf32, #tpu.memory_space<vmem>>, %arg3: memref<128x128xf32, #tpu.memory_space<vmem>>, %arg4: memref<128xf32, #tpu.memory_space<vmem>>, %arg5: memref<1000x128xf32, #tpu.memory_space<vmem>>, %arg6: memref<1000x128xf32, #tpu.memory_space<vmem>>, %arg7: memref<1x128x128xf32, #tpu.memory_space<vmem>>, %arg8: memref<1000x128xf32, #tpu.memory_space<vmem>>, %arg9: memref<1x1000x128xf32, #tpu.memory_space<vmem>>) attributes {dimension_semantics = [#tpu.dimension_semantics<arbitrary>, #tpu.dimension_semantics<arbitrary>], iteration_bounds = array<i64: 10, 8>, scalar_prefetch = 0 : i64, scratch_operands = 0 : i64, tpu.core_type = #tpu.core_type<tc>, window_params = [{transform_indices = @transform_0, window_bounds = array<i64: 1000, 128>}, {pipeline_mode = #tpu.pipeline_mode<synchronous>, transform_indices = @transform_1, window_bounds = array<i64: 128, 128>}, {pipeline_mode = #tpu.pipeline_mode<synchronous>, transform_indices = @transform_2, window_bounds = array<i64: 128>}, {transform_indices = @transform_3, window_bounds = array<i64: 1000, 128>}, {transform_indices = @transform_4, window_bounds = array<i64: 1000, 128>}, {transform_indices = @transform_5, window_bounds = array<i64: 1, 128, 128>}, {transform_indices = @transform_6, window_bounds = array<i64: 1000, 128>}, {transform_indices = @transform_7, window_bounds = array<i64: 1, 1000, 128>}]} {
    %eq3A = arith.constant 0 : i32
    %eq3A_0 = arith.cmpi eq, %arg1, %eq3A : i32
    %convert_element_type3A = arith.extui %eq3A_0 : i1 to i32
    %cond3A = arith.constant 0 : i32
    %cond3A_1 = arith.cmpi ne, %convert_element_type3A, %cond3A : i32
    scf.if %cond3A_1 {
      %get3A_15 = arith.constant 0 : index
      %get3A_16 = arith.constant 0 : index
      %get3A_17 = vector.load %arg2[%get3A_15, %get3A_16] : memref<1000x128xf32, #tpu.memory_space<vmem>>, vector<1000x128xf32>
      %get3A_18 = arith.constant 0 : index
      %get3A_19 = arith.constant 0 : index
      %get3A_20 = vector.load %arg3[%get3A_18, %get3A_19] : memref<128x128xf32, #tpu.memory_space<vmem>>, vector<128x128xf32>
      %dot_general3A_21 = arith.constant dense<0.000000e+00> : vector<1000x128xf32>
      %dot_general3A_22 = tpu.matmul %get3A_17, %get3A_20, %dot_general3A_21 {dimension_numbers = #tpu.dot_dimension_numbers<[1], [0], [0], [1], [0, 0, 1, 1], [], []>, precision = #tpu.contract_precision<fp32>, transpose_lhs_hint = false} : vector<1000x128xf32>, vector<128x128xf32>, vector<1000x128xf32> -> vector<1000x128xf32>
      %get3A_23 = arith.constant 0 : index
      %get3A_24 = vector.load %arg4[%get3A_23] : memref<128xf32, #tpu.memory_space<vmem>>, vector<128xf32>
      %broadcast_in_dim3A = vector.shape_cast %get3A_24 : vector<128xf32> to vector<1x128xf32>
      %add3A = vector.broadcast %broadcast_in_dim3A : vector<1x128xf32> to vector<1000x128xf32>
      %add3A_25 = arith.addf %dot_general3A_22, %add3A : vector<1000x128xf32>
      %get3A_26 = arith.constant 0 : index
      %get3A_27 = arith.constant 0 : index
      %get3A_28 = vector.load %arg5[%get3A_26, %get3A_27] : memref<1000x128xf32, #tpu.memory_space<vmem>>, vector<1000x128xf32>
      %add3A_29 = arith.addf %add3A_25, %get3A_28 : vector<1000x128xf32>
      %get3A_30 = arith.constant 0 : index
      %get3A_31 = arith.constant 0 : index
      %get3A_32 = vector.load %arg6[%get3A_30, %get3A_31] : memref<1000x128xf32, #tpu.memory_space<vmem>>, vector<1000x128xf32>
      %add3A_33 = arith.addf %add3A_29, %get3A_32 : vector<1000x128xf32>
      %max3A = arith.constant 0.000000e+00 : f32
      %max3A_34 = vector.broadcast %max3A : f32 to vector<1000x128xf32>
      %max3A_35 = arith.maximumf %add3A_33, %max3A_34 : vector<1000x128xf32>
      %swap3A_36 = arith.constant 0 : index
      %swap3A_37 = arith.constant 0 : index
      %swap3A_38 = vector.load %arg8[%swap3A_36, %swap3A_37] : memref<1000x128xf32, #tpu.memory_space<vmem>>, vector<1000x128xf32>
      tpu.vector_store %arg8[%swap3A_36, %swap3A_37], %max3A_35 {strides = array<i32>} : memref<1000x128xf32, #tpu.memory_space<vmem>>, vector<1000x128xf32>,
    } else {
    }
    %get3A = arith.constant 0 : index
    %get3A_2 = arith.constant 0 : index
    %get3A_3 = vector.load %arg8[%get3A, %get3A_2] : memref<1000x128xf32, #tpu.memory_space<vmem>>, vector<1000x128xf32>
    %get3A_4 = arith.constant 0 : index
    %get3A_5 = arith.constant 0 : index
    %get3A_6 = arith.constant 0 : index
    %get3A_7 = vector.load %arg7[%get3A_4, %get3A_5, %get3A_6] : memref<1x128x128xf32, #tpu.memory_space<vmem>>, vector<1x128x128xf32>
    %get3A_8 = vector.shape_cast %get3A_7 : vector<1x128x128xf32> to vector<128x128xf32>
    %dot_general3A = arith.constant dense<0.000000e+00> : vector<1000x128xf32>
    %dot_general3A_9 = tpu.matmul %get3A_3, %get3A_8, %dot_general3A {dimension_numbers = #tpu.dot_dimension_numbers<[1], [0], [0], [1], [0, 0, 1, 1], [], []>, precision = #tpu.contract_precision<fp32>, transpose_lhs_hint = false} : vector<1000x128xf32>, vector<128x128xf32>, vector<1000x128xf32> -> vector<1000x128xf32>
    %swap3A = arith.constant 0 : index
    %swap3A_10 = arith.constant 0 : index
    %swap3A_11 = arith.constant 0 : index
    %swap3A_12 = vector.load %arg9[%swap3A, %swap3A_10, %swap3A_11] : memref<1x1000x128xf32, #tpu.memory_space<vmem>>, vector<1x1000x128xf32>
    %swap3A_13 = vector.shape_cast %swap3A_12 : vector<1x1000x128xf32> to vector<1000x128xf32>
    %swap3A_14 = vector.shape_cast %dot_general3A_9 : vector<1000x128xf32> to vector<1x1000x128xf32>
    tpu.vector_store %arg9[%swap3A, %swap3A_10, %swap3A_11], %swap3A_14 {strides = array<i32>} : memref<1x1000x128xf32, #tpu.memory_space<vmem>>, vector<1x1000x128xf32>,
    return
  }
  func.func @transform_0(%arg0: i32, %arg1: i32) -> (i32, i32) {
    %c0_i32 = arith.constant 0 : i32
    %c0_i32_0 = arith.constant 0 : i32
    return %arg0, %c0_i32 : i32, i32
  }
  func.func @transform_1(%arg0: i32, %arg1: i32) -> (i32, i32) {
    %c0_i32 = arith.constant 0 : i32
    %c0_i32_0 = arith.constant 0 : i32
    %c0_i32_1 = arith.constant 0 : i32
    return %c0_i32, %c0_i32_0 : i32, i32
  }
  func.func @transform_2(%arg0: i32, %arg1: i32) -> i32 {
    %c0_i32 = arith.constant 0 : i32
    %c0_i32_0 = arith.constant 0 : i32
    return %c0_i32 : i32
  }
  func.func @transform_3(%arg0: i32, %arg1: i32) -> (i32, i32) {
    %c0_i32 = arith.constant 0 : i32
    %c0_i32_0 = arith.constant 0 : i32
    return %arg0, %c0_i32 : i32, i32
  }
  func.func @transform_4(%arg0: i32, %arg1: i32) -> (i32, i32) {
    %add3A = arith.constant 10 : i32
    %add3A_0 = arith.addi %add3A, %arg0 : i32
    %c0_i32 = arith.constant 0 : i32
    %c0_i32_1 = arith.constant 0 : i32
    return %add3A_0, %c0_i32 : i32, i32
  }
  func.func @transform_5(%arg0: i32, %arg1: i32) -> (i32, i32, i32) {
    %c0_i32 = arith.constant 0 : i32
    %c0_i32_0 = arith.constant 0 : i32
    %c0_i32_1 = arith.constant 0 : i32
    return %arg1, %c0_i32, %c0_i32_0 : i32, i32, i32
  }
  func.func @transform_6(%arg0: i32, %arg1: i32) -> (i32, i32) {
    %c0_i32 = arith.constant 0 : i32
    %c0_i32_0 = arith.constant 0 : i32
    return %arg0, %c0_i32 : i32, i32
  }
  func.func @transform_7(%arg0: i32, %arg1: i32) -> (i32, i32, i32) {
    %c0_i32 = arith.constant 0 : i32
    %c0_i32_0 = arith.constant 0 : i32
    return %arg1, %arg0, %c0_i32 : i32, i32, i32
  }
}

module attributes {stable_mosaic.version = 14 : i64} {
  func.func @_tc_z_body(%arg0: i32, %arg1: i32, %arg2: memref<1000x128xf32, #tpu.memory_space<vmem>>, %arg3: memref<1x128x128xf32, #tpu.memory_space<vmem>>, %arg4: memref<1x1000x128xf32, #tpu.memory_space<vmem>>) attributes {dimension_semantics = [#tpu.dimension_semantics<arbitrary>, #tpu.dimension_semantics<arbitrary>], iteration_bounds = array<i64: 10, 8>, scalar_prefetch = 0 : i64, scratch_operands = 0 : i64, tpu.core_type = #tpu.core_type<tc>, window_params = [{transform_indices = @transform_0, window_bounds = array<i64: 1000, 128>}, {transform_indices = @transform_1, window_bounds = array<i64: 1, 128, 128>}, {transform_indices = @transform_2, window_bounds = array<i64: 1, 1000, 128>}]} {
    %get3A = arith.constant 0 : index
    %get3A_0 = arith.constant 0 : index
    %get3A_1 = vector.load %arg2[%get3A, %get3A_0] : memref<1000x128xf32, #tpu.memory_space<vmem>>, vector<1000x128xf32>
    %get3A_2 = arith.constant 0 : index
    %get3A_3 = arith.constant 0 : index
    %get3A_4 = arith.constant 0 : index
    %get3A_5 = vector.load %arg3[%get3A_2, %get3A_3, %get3A_4] : memref<1x128x128xf32, #tpu.memory_space<vmem>>, vector<1x128x128xf32>
    %get3A_6 = vector.shape_cast %get3A_5 : vector<1x128x128xf32> to vector<128x128xf32>
    %dot_general3A = arith.constant dense<0.000000e+00> : vector<1000x128xf32>
    %dot_general3A_7 = tpu.matmul %get3A_1, %get3A_6, %dot_general3A {dimension_numbers = #tpu.dot_dimension_numbers<[1], [0], [0], [1], [0, 0, 1, 1], [], []>, precision = #tpu.contract_precision<fp32>, transpose_lhs_hint = false} : vector<1000x128xf32>, vector<128x128xf32>, vector<1000x128xf32> -> vector<1000x128xf32>
    %swap3A = arith.constant 0 : index
    %swap3A_8 = arith.constant 0 : index
    %swap3A_9 = arith.constant 0 : index
    %swap3A_10 = vector.load %arg4[%swap3A, %swap3A_8, %swap3A_9] : memref<1x1000x128xf32, #tpu.memory_space<vmem>>, vector<1x1000x128xf32>
    %swap3A_11 = vector.shape_cast %swap3A_10 : vector<1x1000x128xf32> to vector<1000x128xf32>
    %swap3A_12 = vector.shape_cast %dot_general3A_7 : vector<1000x128xf32> to vector<1x1000x128xf32>
    tpu.vector_store %arg4[%swap3A, %swap3A_8, %swap3A_9], %swap3A_12 {strides = array<i32>} : memref<1x1000x128xf32, #tpu.memory_space<vmem>>, vector<1x1000x128xf32>,
    return
  }
  func.func @transform_0(%arg0: i32, %arg1: i32) -> (i32, i32) {
    %c0_i32 = arith.constant 0 : i32
    %c0_i32_0 = arith.constant 0 : i32
    return %arg0, %c0_i32 : i32, i32
  }
  func.func @transform_1(%arg0: i32, %arg1: i32) -> (i32, i32, i32) {
    %c0_i32 = arith.constant 0 : i32
    %c0_i32_0 = arith.constant 0 : i32
    %c0_i32_1 = arith.constant 0 : i32
    return %arg1, %c0_i32, %c0_i32_0 : i32, i32, i32
  }
  func.func @transform_2(%arg0: i32, %arg1: i32) -> (i32, i32, i32) {
    %c0_i32 = arith.constant 0 : i32
    %c0_i32_0 = arith.constant 0 : i32
    return %arg1, %arg0, %c0_i32 : i32, i32, i32
  }
}

module attributes {stable_mosaic.version = 14 : i64} {
  func.func @_tc_final_body(%arg0: i32, %arg1: memref<1000x128xf32, #tpu.memory_space<vmem>>, %arg2: memref<128x128xf32, #tpu.memory_space<vmem>>, %arg3: memref<128xf32, #tpu.memory_space<vmem>>, %arg4: memref<1000x128xf32, #tpu.memory_space<vmem>>, %arg5: memref<1000x128xf32, #tpu.memory_space<vmem>>, %arg6: memref<1000x128xf32, #tpu.memory_space<vmem>>) attributes {dimension_semantics = [#tpu.dimension_semantics<arbitrary>], iteration_bounds = array<i64: 10>, scalar_prefetch = 0 : i64, scratch_operands = 0 : i64, tpu.core_type = #tpu.core_type<tc>, window_params = [{transform_indices = @transform_0, window_bounds = array<i64: 1000, 128>}, {pipeline_mode = #tpu.pipeline_mode<synchronous>, transform_indices = @transform_1, window_bounds = array<i64: 128, 128>}, {pipeline_mode = #tpu.pipeline_mode<synchronous>, transform_indices = @transform_2, window_bounds = array<i64: 128>}, {transform_indices = @transform_3, window_bounds = array<i64: 1000, 128>}, {transform_indices = @transform_4, window_bounds = array<i64: 1000, 128>}, {transform_indices = @transform_5, window_bounds = array<i64: 1000, 128>}]} {
    %get3A = arith.constant 0 : index
    %get3A_0 = arith.constant 0 : index
    %get3A_1 = vector.load %arg1[%get3A, %get3A_0] : memref<1000x128xf32, #tpu.memory_space<vmem>>, vector<1000x128xf32>
    %get3A_2 = arith.constant 0 : index
    %get3A_3 = arith.constant 0 : index
    %get3A_4 = vector.load %arg2[%get3A_2, %get3A_3] : memref<128x128xf32, #tpu.memory_space<vmem>>, vector<128x128xf32>
    %dot_general3A = arith.constant dense<0.000000e+00> : vector<1000x128xf32>
    %dot_general3A_5 = tpu.matmul %get3A_1, %get3A_4, %dot_general3A {dimension_numbers = #tpu.dot_dimension_numbers<[1], [0], [0], [1], [0, 0, 1, 1], [], []>, precision = #tpu.contract_precision<fp32>, transpose_lhs_hint = false} : vector<1000x128xf32>, vector<128x128xf32>, vector<1000x128xf32> -> vector<1000x128xf32>
    %get3A_6 = arith.constant 0 : index
    %get3A_7 = vector.load %arg3[%get3A_6] : memref<128xf32, #tpu.memory_space<vmem>>, vector<128xf32>
    %broadcast_in_dim3A = vector.shape_cast %get3A_7 : vector<128xf32> to vector<1x128xf32>
    %add3A = vector.broadcast %broadcast_in_dim3A : vector<1x128xf32> to vector<1000x128xf32>
    %add3A_8 = arith.addf %dot_general3A_5, %add3A : vector<1000x128xf32>
    %get3A_9 = arith.constant 0 : index
    %get3A_10 = arith.constant 0 : index
    %get3A_11 = vector.load %arg4[%get3A_9, %get3A_10] : memref<1000x128xf32, #tpu.memory_space<vmem>>, vector<1000x128xf32>
    %add3A_12 = arith.addf %add3A_8, %get3A_11 : vector<1000x128xf32>
    %get3A_13 = arith.constant 0 : index
    %get3A_14 = arith.constant 0 : index
    %get3A_15 = vector.load %arg5[%get3A_13, %get3A_14] : memref<1000x128xf32, #tpu.memory_space<vmem>>, vector<1000x128xf32>
    %add3A_16 = arith.addf %add3A_12, %get3A_15 : vector<1000x128xf32>
    %swap3A = arith.constant 0 : index
    %swap3A_17 = arith.constant 0 : index
    %swap3A_18 = vector.load %arg6[%swap3A, %swap3A_17] : memref<1000x128xf32, #tpu.memory_space<vmem>>, vector<1000x128xf32>
    tpu.vector_store %arg6[%swap3A, %swap3A_17], %add3A_16 {strides = array<i32>} : memref<1000x128xf32, #tpu.memory_space<vmem>>, vector<1000x128xf32>,
    return
  }
  func.func @transform_0(%arg0: i32) -> (i32, i32) {
    %c0_i32 = arith.constant 0 : i32
    %c0_i32_0 = arith.constant 0 : i32
    return %arg0, %c0_i32 : i32, i32
  }
  func.func @transform_1(%arg0: i32) -> (i32, i32) {
    %c0_i32 = arith.constant 0 : i32
    %c0_i32_0 = arith.constant 0 : i32
    %c0_i32_1 = arith.constant 0 : i32
    return %c0_i32, %c0_i32_0 : i32, i32
  }
  func.func @transform_2(%arg0: i32) -> i32 {
    %c0_i32 = arith.constant 0 : i32
    %c0_i32_0 = arith.constant 0 : i32
    return %c0_i32 : i32
  }
  func.func @transform_3(%arg0: i32) -> (i32, i32) {
    %c0_i32 = arith.constant 0 : i32
    %c0_i32_0 = arith.constant 0 : i32
    return %arg0, %c0_i32 : i32, i32
  }
  func.func @transform_4(%arg0: i32) -> (i32, i32) {
    %add3A = arith.constant 10 : i32
    %add3A_0 = arith.addi %add3A, %arg0 : i32
    %c0_i32 = arith.constant 0 : i32
    %c0_i32_1 = arith.constant 0 : i32
    return %add3A_0, %c0_i32 : i32, i32
  }
  func.func @transform_5(%arg0: i32) -> (i32, i32) {
    %c0_i32 = arith.constant 0 : i32
    %c0_i32_0 = arith.constant 0 : i32
    return %arg0, %c0_i32 : i32, i32
  }
}

</mosaic_0001>

<sc_bundles>
// kernel: kernel.11.cloned.1.call-start
scs
__scs_entry_jumppad:
0x0: {  	(pc) =	sbr.rel $0x88, $3  }
0x1: {  	(tag) =	ssettag $0x0;
	lr =	simm.s32 $0x1  }
0x2: {  	[smem:$0x3F98] =	sst lr;
	_ =	strace $0xD0000000  }
0x3: {  	_ = 	snop  }
0x4: {  	_ = 	snop  }
0x5: {  	_ = 	snop  }
0x6: {  	_ = 	snop  }
0x7: {  	_ = 	snop  }
__scs_overlays_trampoline_lowered:
0x8: {  	[smem:$0x3FA7] =	sst s0  }
0x9: {  	[smem:$0x3FA8] =	sst s1  }
0xa: {  	[smem:$0x3FA9] =	sst s2  }
0xb: {  	[smem:$0x3FAA] =	sst s3  }
0xc: {  	[smem:$0x3FAB] =	sst s4  }
0xd: {  	[smem:$0x3FAC] =	sst s5  }
0xe: {  	[smem:$0x3FAD] =	sst s6  }
0xf: {  	[smem:$0x3FAE] =	sst s7  }
0x10: {  	[smem:$0x3FAF] =	sst s8  }
0x11: {  	[smem:$0x3FB0] =	sst s9;
	s0 =	simm.s32 @!p0 $0x0  }
0x12: {  	s1 =	sld [smem:$0x3F96];
	s0 =	simm.s32 @p0 $0x1  }
0x13: {  	[smem:$0x3FB1] =	sst s0;
	s0 =	simm.s32 @!p1 $0x0  }
0x14: {  	s2 =	sld [smem:$0x3F95];
	s0 =	simm.s32 @p1 $0x1  }
0x15: {  	[smem:$0x3FB2] =	sst s0;
	s0 =	simm.s32 @!p2 $0x0  }
0x16: {  	s3 =	sld [smem:$0x3FDB];
	s0 =	simm.s32 @p2 $0x1  }
0x17: {  	s4 =	simm.s32 $0x1BF5;
	[smem:$0x3FB4] =	sst s0  }
0x18: {  	s0 =	sld [smem:$0x3F97];
	_ =	swait.ge [sflag:s4], $0x0  }
0x19: {  	s7 =	sld [smem:$0x3F98]  }
0x1a: {  	s8 =	sadd.s32 $0xFFFFE003, lr  }
0x1b: {  	s9 =	sadd.s32 $0xFFFFFEF7, lr;
	s5 =	simm.s32 $0xFFFFFFFF;
	p2 =	slt.u32 s8, $0xFFFFF086  }
0x1c: {  	p1 =	slt.u32 s9, $0xF7A;
	s5 =	simm.s32 @!p2 $0x0  }
0x1d: {  	s5 =	simm.s32 @p1 $0x1;
	p0 =	seq.s32 s7, s2  }
0x1e: {  	s7 =	smul.u32 @!p0 $0xF7A, s2;
	p2 =	seq.s32 @!p0 s5, $0x0  }
0x1f: {  	s9 =	smul.u32 $0xF7A, s1;
	s8 =	simm.s32 @!p0 $0x1BF5;
	p2 =	por !p2, p0  }
0x20: {  	[sflag:s8] =	ssyncset.s32 @!p0 $0xFFFFF086;
	s6 =	sadd.s32 @!p0 s3, s7;
	s7 =	simm.s32 @!p0 $0x108  }
0x21: {  	s3 =	sadd.s32 s3, s9;
	s6 =	sadd.s32 @!p0 $0x88, s6;
	s7 =	simm.s32 @p2 $0x1082  }
0x22: {  	[simem:s7], [sflag:s8] =	dma.local @!p0 [hbm:s6], $0xF7A  }
0x23: {  	s9 =	sor.u32 $0xD0000000, s2;
	s6 =	simm.s32 $0x108;
	_ =	swait.ge @!p0 [sflag:s8], $0x0  }
0x24: {  	s3 =	sadd.s32 $0x88, s3;
	s6 =	simm.s32 @!p1 $0x1082;
	[sflag:s4] =	ssyncset.s32 $0xFFFFF086  }
0x25: {  	[simem:s6], [sflag:s4] =	dma.local [hbm:s3], $0xF7A  }
0x26: {  	[smem:$0x3F98] =	sst s1;
	(tag) =	ssettag s2;
	_ =	strace s9  }
0x27: {  	s1 =	sld [smem:$0x3FA8]  }
0x28: {  	s2 =	sld [smem:$0x3FA9]  }
0x29: {  	s4 =	sld [smem:$0x3FAB]  }
0x2a: {  	p0 =	seq.s32 s5, $0x0;
	s5 =	sld [smem:$0x3FAC]  }
0x2b: {  	s6 =	sld [smem:$0x3FAD]  }
0x2c: {  	s7 =	sld [smem:$0x3FAE]  }
0x2d: {  	s3 =	simm.s32 $0x108;
	s8 =	sld [smem:$0x3FAF]  }
0x2e: {  	s3 =	simm.s32 @!p0 $0x1082;
	s9 =	sld [smem:$0x3FB0]  }
0x2f: {  	lr =	sadd.s32 s0, s3;
	s0 =	sld [smem:$0x3FA7]  }
0x30: {  	s3 =	sld [smem:$0x3FAA]  }
0x31: {  	[smem:$0x3FB3] =	sst s10  }
0x32: {  	s10 =	sld [smem:$0x3FB1];
	_ =	sdelay $0x3  }
0x33: {  	p0 =	seq.s32 s10, $0x1;
	s10 =	sld [smem:$0x3FB3];
	_ =	sdelay $0x3  }
0x34: {  	[smem:$0x3FB3] =	sst s10  }
0x35: {  	s10 =	sld [smem:$0x3FB2];
	_ =	sdelay $0x3  }
0x36: {  	p1 =	seq.s32 s10, $0x1;
	s10 =	sld [smem:$0x3FB3];
	_ =	sdelay $0x3  }
0x37: {  	[smem:$0x3FB3] =	sst s10  }
0x38: {  	s10 =	sld [smem:$0x3FB4]  }
0x39: {  	_ = 	snop;
	(pc) =	sbr.ind lr, $3  }
0x3a: {  	_ = 	snop  }
0x3b: {  	_ = 	snop  }
0x3c: {  	p2 =	seq.s32 s10, $0x1;
	s10 =	sld [smem:$0x3FB3]  }
0x3d: {  	_ =	shalt  }
0x3e: {  	_ =	shalt  }
0x3f: {  	_ =	shalt  }
0x40: {  	_ =	shalt  }
0x41: {  	_ =	shalt  }
0x42: {  	_ =	shalt  }
0x43: {  	_ =	shalt  }
0x44: {  	_ =	shalt  }
0x45: {  	_ =	shalt  }
0x46: {  	_ =	shalt  }
0x47: {  	_ =	shalt  }
0x48: {  	_ =	shalt  }
0x49: {  	_ =	shalt  }
0x4a: {  	_ =	shalt  }
0x4b: {  	_ =	shalt  }
0x4c: {  	_ =	shalt  }
0x4d: {  	_ =	shalt  }
0x4e: {  	_ =	shalt  }
0x4f: {  	_ =	shalt  }
0x50: {  	_ =	shalt  }
0x51: {  	_ =	shalt  }
0x52: {  	_ =	shalt  }
0x53: {  	_ =	shalt  }
0x54: {  	_ =	shalt  }
0x55: {  	_ =	shalt  }
0x56: {  	_ =	shalt  }
0x57: {  	_ =	shalt  }
0x58: {  	_ =	shalt  }
0x59: {  	_ =	shalt  }
0x5a: {  	_ =	shalt  }
0x5b: {  	_ =	shalt  }
0x5c: {  	_ =	shalt  }
0x5d: {  	_ =	shalt  }
0x5e: {  	_ =	shalt  }
0x5f: {  	_ =	shalt  }
0x60: {  	_ =	shalt  }
0x61: {  	_ =	shalt  }
0x62: {  	_ =	shalt  }
0x63: {  	_ =	shalt  }
0x64: {  	_ =	shalt  }
0x65: {  	_ =	shalt  }
0x66: {  	_ =	shalt  }
0x67: {  	_ =	shalt  }
0x68: {  	_ =	shalt  }
0x69: {  	_ =	shalt  }
0x6a: {  	_ =	shalt  }
0x6b: {  	_ =	shalt  }
0x6c: {  	_ =	shalt  }
0x6d: {  	_ =	shalt  }
0x6e: {  	_ =	shalt  }
0x6f: {  	_ =	shalt  }
0x70: {  	_ =	shalt  }
0x71: {  	_ =	shalt  }
0x72: {  	_ =	shalt  }
0x73: {  	_ =	shalt  }
0x74: {  	_ =	shalt  }
0x75: {  	_ =	shalt  }
0x76: {  	_ =	shalt  }
0x77: {  	_ =	shalt  }
0x78: {  	_ =	shalt  }
0x79: {  	_ =	shalt  }
0x7a: {  	_ =	shalt  }
0x7b: {  	_ =	shalt  }
0x7c: {  	_ =	shalt  }
0x7d: {  	_ =	shalt  }
0x7e: {  	_ =	shalt  }
0x7f: {  	_ =	shalt  }
0x80: {  	_ =	shalt  }
0x81: {  	_ =	shalt  }
0x82: {  	_ =	shalt  }
0x83: {  	_ =	shalt  }
0x84: {  	_ =	shalt  }
0x85: {  	_ =	shalt  }
0x86: {  	_ =	shalt  }
0x87: {  	_ =	shalt  }
.Lfunc_end0:
.L_simem_size_0:
called_computation.1_lowered:
.L_overlay_start_0:
0x88: {  	s2 =	sld [smem:$0x3FD9]  }
0x89: {  	s3 =	sld [smem:$0x3FFE];
	_ =	sdelay $0x1  }
0x8a: {  	s1 =	srdreg.scid  }
0x8b: {  	s0 =	sand.u32 $0x1, s1  }
0x8c: {  	s17 =	sshll.u32 s0, $0xA;
	s2 =	sadd.s32 s3, s2  }
0x8d: {  	s2 =	sadd.s32 s2, s17  }
0x8e: {  	[smem:$0x3FBF] =	sst s2  }
0x8f: {  	_ = 	snop  }
0x90: {  	s2 =	sld [smem:$0x3FD0];
	(tm) =	ssettm $0x1  }
0x91: {  	s18 =	sld [smem:$0x3FFB];
	_ =	sdelay $0x3  }
0x92: {  	_ =	strace s18  }
0x93: {  	s3 =	sld [smem:$0x3FFC];
	_ =	sdelay $0x3  }
0x94: {  	_ =	strace s3  }
0x95: {  	s3 =	sld [smem:$0x3FFD];
	_ =	sdelay $0x3  }
0x96: {  	_ =	strace s3  }
0x97: {  	_ =	strace $0x8FFFFFFF  }
0x98: {  	s19 =	sld [smem:$0x3FDB];
	_ =	sdelay $0x1  }
0x99: {  	s4 =	simm.s32 $_scs_section_size  }
0x9a: {  	s5 =	simm.s32 $_size__tile_overlayer_lowered;
	s6 =	simm.s32 $_tile_overlayer_lowered  }
0x9b: {  	s22 =	simm.s32 $0x1BFF;
	s21 =	sshll.u32 s6, $0x1;
	s3 =	sadd.s32 s4, s19  }
0x9c: {  	s7 =	simm.s32 $0x0;
	s20 =	sshll.u32 s5, $0x1;
	s5 =	sadd.s32 s21, s3  }
0x9d: {  	[timem:s7], [sflag:s22] =	dma.local [hbm:s5], s20  }
0x9e: {  	_ =	swait.ge [sflag:s22], s20  }
0x9f: {  	s4 =	ssub.s32 $0x0, s20;
	[sflag:s22] =	ssyncset.done $0x0  }
0xa0: {  	[sflag:s22] =	ssyncadd.s32 s4;
	_ =	sdelay $0x1  }
0xa1: {  	s23 =	simm.s32 $0x1B8B  }
0xa2: {  	_ =	swait.ge [sflag:s23], $0x1  }
0xa3: {  	[sflag:s23] =	ssyncset.done $0x0  }
0xa4: {  	s25 =	simm.s32 $0x1B8E;
	s24 =	sld [smem:$0x3FFE];
	[sflag:s23] =	ssyncadd.s32 $0xFFFFFFFF  }
0xa5: {  	s26 =	simm.s32 $execute0_lowered;
	[smem:$0x3FD2] =	sst s25  }
0xa6: {  	s5 =	sshll.u32 s26, $0x1;
	_ =	strace $0x80000049;
	[dreg:$0x1] =	wrdreg $0xFFFFFFFF  }
0xa7: {  	s28 =	simm.s32 $_size_execute0_lowered;
	s3 =	sadd.s32 s3, s5;
	[dreg:$0x0] =	wrdreg $0x0  }
0xa8: {  	s5 =	sshll.u32 s28, $0x1;
	[dreg:$0x2] =	wrdreg s3  }
0xa9: {  	[dreg:$0x3] =	wrdreg s5  }
0xaa: {  	[dreg:$0x4] =	wrdreg $0xC0  }
0xab: {  	_ =	task [dreg:s7], $0x5FFFF  }
0xac: {  	[dreg:$0x1] =	wrdreg $0xFFFFFFFF  }
0xad: {  	[dreg:$0x0] =	wrdreg $0x60  }
0xae: {  	[dreg:$0x2] =	wrdreg s24  }
0xaf: {  	[dreg:$0x3] =	wrdreg s2  }
0xb0: {  	[dreg:$0x4] =	wrdreg $0x0  }
0xb1: {  	[dreg:$0x5] =	wrdreg $0x9  }
0xb2: {  	_ =	task.clear_ibuf [dreg:s7], $0x6FFFF;
	_ =	strace $0x90000049  }
0xb3: {  	s29 =	simm.s32 $0x9;
	_ =	strace $0x8000004B  }
0xb4: {  	_ =	swait.ge [sflag:s29], $0x1  }
0xb5: {  	[sflag:s29] =	ssyncadd.s32 $0xFFFFFFFF  }
0xb6: {  	_ =	strace $0x9000004B  }
0xb7: {  	_ =	sfence  }
0xb8: {  	s30 =	sld [smem:$0x0];
	_ =	sdelay $0x2  }
0xb9: {  	s31 =	sshll.u32 s1, $0xD;
	s1 =	sshrl.u32 s1, $0x2  }
0xba: {  	s3 =	sand.u32 $0x4000, s31;
	s1 =	sadd.s32 s1, s30  }
0xbb: {  	s0 =	sor.u32 s3, s0;
	s1 =	sshll.u32 s1, $0x11  }
0xbc: {  	s0 =	sor.u32 s1, s0  }
0xbd: {  	s0 =	sadd.s32 $0x8F2B, s0  }
0xbe: {  	[sflag:s0] =	ssyncadd.remote.s32 $0x1  }
0xbf: {  	_ =	sfence.sel $0xFFFF  }
0xc0: {  	[dreg:$0x0] =	wrdreg $0xFFFFFFFF;
	(pc) =	sbr.abs _section_cstart, $3  }
0xc1: {  	[dreg:$0x1] =	wrdreg $0xFFFFFFFF  }
0xc2: {  	_ =	task.clear_ibuf [dreg:s7], $0x2FFFF;
	_ =	strace $0x9FFFFFFF  }
0xc3: {  	(tm) =	ssettm $0x7FFFFFFF  }
tec
execute0_lowered:
.L_overlay_start_1:
0x0: {  	(tag) =	ssettag $0x1  }
0x1: {  	s5 =	rddreg [dreg:$0x0]  }
0x2: {  	s6 =	rddreg [dreg:$0x1]  }
0x3: {  	s1 =	rddreg [dreg:$0x2]  }
0x4: {  	s0 =	rddreg [dreg:$0x3];
	s3 =	simm.s32 $0x0  }
0x5: {  	s4 =	srdreg.scid;
	s2 =	stileid.u32;
	s15 =	simm.s32 $0x15F90  }
0x6: {  	s16 =	simm.s32 $0x186A0;
	s17 =	simm.s32 $0x50;
	s18 =	simm.s32 $0x1ADB0  }
0x7: {  	s19 =	simm.s32 $0x1D5B0;
	s20 =	simm.s32 $0x2;
	s21 =	simm.s32 $0x18650  }
0x8: {  	s22 =	simm.s32 $0x0;
	[smem:$0x7FF] =	sst s3;
	s7 =	sand.u32 $0x1, s4  }
0x9: {  	s28 =	sshll.u32 s2, $0x1;
	s8 =	smul.u32 $0x2710, s2;
	s4 =	sadd.s32 $0x1FC00, s5  }
0xa: {  	s11 =	smul.u32 $0x13880, s2;
	s31 =	sshll.u32 s2, $0x6;
	_ =	strace $0x8000004A  }
0xb: {  	s9 =	sor.u32 s7, s28;
	s10 =	smul.u32 $0x27100, s7;
	s7 =	ssub.s32 $0x2, s7  }
0xc: {  	s9 =	smul.u32 $0x4E2, s9;
	s29 =	sshrl.u32 s7, $0x1;
	s14 =	sadd.s32 s11, s1  }
0xd: {  	s30 =	sshrl.u32 s11, $0x3;
	s8 =	sadd.s32 s8, s10;
	s13 =	ssub.s32 s7, s29  }
0xe: {  	s9 =	sadd.s32 s9, s5;
	s12 =	sadd.s32 s8, s5;
	s5 =	sadd.s32 s6, s30  }
0xf: {  	s6 =	sor.u32 $0x1C03, s31;
	s11 =	smax.u32 s13, $0x1;
	s13 =	simm.s32 $0x3  }
0x10: {  	s7 =	sadd.s32 $0x15E00, s9;
	s8 =	sadd.s32 $0x2200, s9;
	s9 =	sadd.s32 $0xC000, s9  }
0x11: {  	s10 =	sadd.s32 $0x158400, s12;
	s12 =	sshrl.u32 s14, $0x3;
	s14 =	simm.s32 $0x13880  }
.LBB2_1:
0x12: {  	[spmem:s12], [sflag:s6] =	dma.local [hbm:s5], $0x2710  }
0x13: {  	_ =	swait.ge [sflag:s13], $0x2710  }
0x14: {  	[sflag:s13] =	ssyncset.done $0x0  }
0x15: {  	[sflag:s13] =	ssyncadd.s32 $0xFFFFD8F0  }
0x16: {  	[tilespmem:s14], [sflag:$0x3] =	stream.linear.gather [hbm4b:s7+s3], $0x2710, $0x38;
	[tilespmem:$0x1FDB0] =	vst v63  }
0x17: {  	_ =	swait.ge [sflag:s13], $0x2710  }
0x18: {  	[sflag:s13] =	ssyncset.done $0x0  }
0x19: {  	[sflag:s13] =	ssyncadd.s32 $0xFFFFD8F0  }
0x1a: {  	[tilespmem:s15], [sflag:$0x3] =	stream.linear.gather [hbm4b:s8+s3], $0x2710, $0x38;
	[tilespmem:$0x1FDB0] =	vst v63  }
0x1b: {  	_ =	swait.ge [sflag:s13], $0x2710  }
0x1c: {  	[sflag:s13] =	ssyncset.done $0x0  }
0x1d: {  	[sflag:s13] =	ssyncadd.s32 $0xFFFFD8F0  }
0x1e: {  	[tilespmem:s16], [sflag:$0x3] =	stream.linear.gather [hbm4b:s9+s3], $0x2710, $0x38;
	[tilespmem:$0x1FDB0] =	vst v63  }
0x1f: {  	_ =	swait.ge [sflag:s13], $0x2710  }
0x20: {  	[sflag:s13] =	ssyncset.done $0x0  }
0x21: {  	[sflag:s13] =	ssyncadd.s32 $0xFFFFD8F0  }
0x22: {  	s23 =	simm.s32 $0x0;
	[bflag:$0x0] =	sbarrier.arrive $0xFFFF  }
0x23: {  	[tilespmem:s18], [sflag:$0x1] =	stream.indirect.gather [hbm4b:s4+s17], $0x80, s14, s17, $0xb8;
	[tilespmem:$0x1FDB0] =	vst v63  }
.LBB2_2:
0x24: {  	s25 =	sshllo.u32 s23, $0x1  }
0x25: {  	s26 =	sshll.u32 s23, $0x1;
	s24 =	smul.u32 $0x50, s25  }
0x26: {  	v0 =	vmov s26  }
0x27: {  	s31 =	simm.s32 $0x1;
	v0 =	vmul.u32 $0x50, v0;
	s28 =	sadd.s32 $0x13880, s24  }
0x28: {  	[tilespmem:s19], [sflag:$0x2] =	stream.indirect.gather [hbm4b:s4+s17], $0x80, s28, s17, $0xb8;
	[tilespmem:$0x1FDB0] =	vst v63  }
0x29: {  	v1 =	vmov s31;
	v0 =	vbroadcast v0, $0x0;
	_ =	swait.ge [sflag:s31], $0x2800  }
0x2a: {  	v2 =	vand.u32 $0x78, v1;
	[sflag:s31] =	ssyncset.done $0x0  }
0x2b: {  	s26 =	simm.s32 $0x1AE30;
	v1 =	vand.u32 $0x7, v1;
	v2 =	vadd.s32 v0, v2;
	[sflag:s31] =	ssyncadd.s32 $0xFFFFD800  }
0x2c: {  	v1 =	vor.u32 v1, v2;
	v6 =	vld [tilespmem:s26+$0xFFFFFFF0]  }
0x2d: {  	v5 =	vld [tilespmem:s26+$0x50]  }
0x2e: {  	v9 =	vld [tilespmem:s26+$0xFFFFFFD0]  }
0x2f: {  	s28 =	simm.s32 $0x0;
	v3 =	vld [tilespmem:s26+$0x60]  }
0x30: {  	v2 =	vmov s28;
	v4 =	vld [tilespmem:s26+$0x70]  }
0x31: {  	v7 =	vand.u32 $0x78, v2;
	v8 =	vld.idx.msk [tilespmem:v1+s16+$0x0], $0xffff  }
0x32: {  	v1 =	vand.u32 $0x6, v2;
	v2 =	vadd.s32 v0, v7;
	v7 =	vld [tilespmem:s26+$0x0]  }
0x33: {  	v10 =	vld [tilespmem:s26+$0x10]  }
0x34: {  	v13 =	vld [tilespmem:s26+$0x40];
	v1 =	vor.u32 v1, v2  }
0x35: {  	v11 =	vld [tilespmem:s26+$0x20]  }
0x36: {  	v12 =	vld [tilespmem:s26+$0x30]  }
0x37: {  	v14 =	vld [tilespmem:s26+$0xFFFFFF80];
	v7 =	vmul.f32 v7, v8  }
0x38: {  	v15 =	vld [tilespmem:s26+$0xFFFFFFA0];
	v10 =	vmul.f32 v10, v8  }
0x39: {  	v62 =	vmul.f32 v13, v8;
	v2 =	vld.idx.msk [tilespmem:v1+s16+$0x0], $0xffff;
	[tilespmem:s26+$0x0] =	vst v7  }
0x3a: {  	v63 =	vmul.f32 v5, v8;
	v5 =	vld [tilespmem:s26+$0xFFFFFF90];
	v1 =	vmul.f32 v3, v8;
	[tilespmem:s26+$0x10] =	vst v10  }
0x3b: {  	v3 =	vld [tilespmem:s26+$0xFFFFFFE0];
	v7 =	vmul.f32 v11, v8;
	[tilespmem:s26+$0x40] =	vst v62  }
0x3c: {  	[tilespmem:s26+$0x60] =	vst v1;
	v1 =	vld [tilespmem:s26+$0xFFFFFFB0]  }
0x3d: {  	v4 =	vmul.f32 v4, v8;
	v11 =	vmul.f32 v12, v8;
	[tilespmem:s26+$0x20] =	vst v7;
	v7 =	vld [tilespmem:s26+$0xFFFFFFC0]  }
0x3e: {  	[tilespmem:s26+$0x50] =	vst v63;
	v8 =	vmul.f32 v14, v2;
	v10 =	vmul.f32 v6, v2  }
0x3f: {  	s29 =	simm.s32 $0x1AE30;
	s28 =	simm.s32 $0x3;
	[tilespmem:s26+$0x30] =	vst v11;
	v6 =	vmul.f32 v15, v2;
	v9 =	vmul.f32 v9, v2  }
.LBB2_3:
0x40: {  	p0 =	sne.s32 s28, $0x4F  }
0x41: {  	v11 =	vmov s28;
	v5 =	vmul.f32 v5, v2;
	v3 =	vmul.f32 v3, v2;
	[tilespmem:s26+$0x70] =	vst v4;
	s29 =	sadd.s32 $0x100, s29;
	s30 =	smov.u32 s28;
	s28 =	sadd.s32 $0x2, s28  }
0x42: {  	v1 =	vmul.f32 v1, v2;
	v4 =	vand.u32 $0x78, v11;
	v2 =	vmul.f32 v7, v2;
	[tilespmem:s26+$0xFFFFFFF0] =	vst v10  }
0x43: {  	v7 =	vand.u32 $0x7, v11;
	v4 =	vadd.s32 v0, v4;
	[tilespmem:s26+$0xFFFFFF80] =	vst v8  }
0x44: {  	v4 =	vor.u32 v7, v4;
	v10 =	vld [tilespmem:s29+$0xFFFFFFF0];
	[tilespmem:s26+$0xFFFFFFD0] =	vst v9  }
0x45: {  	v8 =	vld [tilespmem:s29+$0x50];
	[tilespmem:s26+$0xFFFFFFA0] =	vst v6  }
0x46: {  	v9 =	vld [tilespmem:s29+$0xFFFFFFD0];
	[tilespmem:s26+$0xFFFFFFB0] =	vst v1  }
0x47: {  	v1 =	vld [tilespmem:s29+$0xFFFFFFB0];
	[tilespmem:s26+$0xFFFFFFC0] =	vst v2  }
0x48: {  	s30 =	sadd.s32 $0xFFFFFFFF, s30;
	v6 =	vld [tilespmem:s29+$0x60];
	[tilespmem:s26+$0xFFFFFFE0] =	vst v3  }
0x49: {  	v2 =	vmov s30;
	v3 =	vld [tilespmem:s29+$0x70];
	[tilespmem:s26+$0xFFFFFF90] =	vst v5;
	s26 =	smov.u32 s29  }
0x4a: {  	v5 =	vand.u32 $0x78, v2;
	v11 =	vld.idx.msk [tilespmem:v4+s16+$0x0], $0xffff  }
0x4b: {  	v2 =	vand.u32 $0x6, v2;
	v4 =	vadd.s32 v0, v5;
	v5 =	vld [tilespmem:s29+$0x0]  }
0x4c: {  	v2 =	vor.u32 v2, v4;
	v7 =	vld [tilespmem:s29+$0x10]  }
0x4d: {  	v12 =	vld [tilespmem:s29+$0x20]  }
0x4e: {  	v13 =	vld [tilespmem:s29+$0x30]  }
0x4f: {  	v14 =	vld [tilespmem:s29+$0x40]  }
0x50: {  	v4 =	vmul.f32 v3, v11;
	v15 =	vld [tilespmem:s29+$0xFFFFFF80];
	v5 =	vmul.f32 v5, v11  }
0x51: {  	v6 =	vmul.f32 v6, v11;
	v2 =	vld.idx.msk [tilespmem:v2+s16+$0x0], $0xffff;
	v7 =	vmul.f32 v7, v11  }
0x52: {  	v16 =	vld [tilespmem:s29+$0xFFFFFFA0];
	[tilespmem:s29+$0x0] =	vst v5;
	v12 =	vmul.f32 v12, v11  }
0x53: {  	v3 =	vld [tilespmem:s29+$0xFFFFFFE0];
	v13 =	vmul.f32 v13, v11;
	[tilespmem:s29+$0x60] =	vst v6  }
.Ltmp0:
0x54: {  	v5 =	vld [tilespmem:s29+$0xFFFFFF90];
	[tilespmem:s29+$0x10] =	vst v7;
	v6 =	vmul.f32 v14, v11;
	(pc) =	sbr.rel @p0 .LBB2_3-.Ltmp0, $4  }
0x55: {  	v11 =	vmul.f32 v8, v11;
	v7 =	vld [tilespmem:s29+$0xFFFFFFC0];
	[tilespmem:s29+$0x20] =	vst v12  }
0x56: {  	[tilespmem:s29+$0x30] =	vst v13  }
0x57: {  	v8 =	vmul.f32 v15, v2;
	v10 =	vmul.f32 v10, v2;
	[tilespmem:s29+$0x40] =	vst v6  }
0x58: {  	v9 =	vmul.f32 v9, v2;
	v6 =	vmul.f32 v16, v2;
	[tilespmem:s29+$0x50] =	vst v11  }
0x59: {  	[tilespmem:s26+$0x70] =	vst v4  }
0x5a: {  	[tilespmem:s26+$0xFFFFFFF0] =	vst v10  }
0x5b: {  	[tilespmem:s26+$0xFFFFFF80] =	vst v8  }
0x5c: {  	v0 =	vmul.f32 v1, v2;
	[tilespmem:s26+$0xFFFFFFD0] =	vst v9  }
0x5d: {  	v3 =	vmul.f32 v3, v2;
	[tilespmem:s26+$0xFFFFFFA0] =	vst v6  }
0x5e: {  	s28 =	smul.u32 $0x280, s23;
	v1 =	vmul.f32 v7, v2;
	[tilespmem:s26+$0xFFFFFFB0] =	vst v0  }
0x5f: {  	v0 =	vmul.f32 v5, v2;
	[tilespmem:s26+$0xFFFFFFE0] =	vst v3  }
0x60: {  	s28 =	sshra.s32 s28, $0x2;
	[tilespmem:s26+$0xFFFFFFC0] =	vst v1  }
0x61: {  	s31 =	sadd.s32 $0x15F90, s28;
	[tilespmem:s26+$0xFFFFFF90] =	vst v0  }
0x62: {  	[spmem:s1] =	stream.indirect.scatter.add.f32 [tilespmem:s18], [sflag:$0x3], $0x80, s31, s17, $0xb8;
	[tilespmem:$0x1FDB0] =	vst v63  }
0x63: {  	_ =	swait.ge [sflag:s13], $0x2800  }
0x64: {  	v0 =	vmov s25;
	[sflag:s13] =	ssyncset.done $0x0  }
0x65: {  	s30 =	simm.s32 $0x1;
	s29 =	sadd.s32 $0x13920, s28;
	v0 =	vmul.u32 $0x50, v0;
	[sflag:s13] =	ssyncadd.s32 $0xFFFFD800  }
0x66: {  	[tilespmem:s18], [sflag:$0x1] =	stream.indirect.gather [hbm4b:s4+s17], $0x80, s29, s17, $0xb8;
	[tilespmem:$0x1FDB0] =	vst v63  }
0x67: {  	v1 =	vmov s30;
	v0 =	vbroadcast v0, $0x0;
	_ =	swait.ge [sflag:s20], $0x2800  }
0x68: {  	v2 =	vand.u32 $0x78, v1;
	[sflag:s20] =	ssyncset.done $0x0  }
0x69: {  	s25 =	simm.s32 $0x1D630;
	v1 =	vand.u32 $0x7, v1;
	v2 =	vadd.s32 v0, v2;
	[sflag:s20] =	ssyncadd.s32 $0xFFFFD800  }
0x6a: {  	v1 =	vor.u32 v1, v2;
	v6 =	vld [tilespmem:s25+$0xFFFFFFF0]  }
0x6b: {  	v5 =	vld [tilespmem:s25+$0x50]  }
0x6c: {  	v9 =	vld [tilespmem:s25+$0xFFFFFFD0]  }
0x6d: {  	s31 =	simm.s32 $0x0;
	v3 =	vld [tilespmem:s25+$0x60]  }
0x6e: {  	v2 =	vmov s31;
	v4 =	vld [tilespmem:s25+$0x70]  }
0x6f: {  	v7 =	vand.u32 $0x78, v2;
	v8 =	vld.idx.msk [tilespmem:v1+s16+$0x0], $0xffff  }
0x70: {  	v1 =	vand.u32 $0x6, v2;
	v2 =	vadd.s32 v0, v7;
	v7 =	vld [tilespmem:s25+$0x0]  }
0x71: {  	v10 =	vld [tilespmem:s25+$0x10]  }
0x72: {  	v13 =	vld [tilespmem:s25+$0x40];
	v1 =	vor.u32 v1, v2  }
0x73: {  	v11 =	vld [tilespmem:s25+$0x20]  }
0x74: {  	v12 =	vld [tilespmem:s25+$0x30]  }
0x75: {  	v14 =	vld [tilespmem:s25+$0xFFFFFF80];
	v7 =	vmul.f32 v7, v8  }
0x76: {  	v15 =	vld [tilespmem:s25+$0xFFFFFFA0];
	v10 =	vmul.f32 v10, v8  }
0x77: {  	v62 =	vmul.f32 v13, v8;
	v2 =	vld.idx.msk [tilespmem:v1+s16+$0x0], $0xffff;
	[tilespmem:s25+$0x0] =	vst v7  }
0x78: {  	v63 =	vmul.f32 v5, v8;
	v5 =	vld [tilespmem:s25+$0xFFFFFF90];
	v1 =	vmul.f32 v3, v8;
	[tilespmem:s25+$0x10] =	vst v10  }
0x79: {  	v3 =	vld [tilespmem:s25+$0xFFFFFFE0];
	v7 =	vmul.f32 v11, v8;
	[tilespmem:s25+$0x40] =	vst v62  }
0x7a: {  	[tilespmem:s25+$0x60] =	vst v1;
	v1 =	vld [tilespmem:s25+$0xFFFFFFB0]  }
0x7b: {  	v4 =	vmul.f32 v4, v8;
	v11 =	vmul.f32 v12, v8;
	[tilespmem:s25+$0x20] =	vst v7;
	v7 =	vld [tilespmem:s25+$0xFFFFFFC0]  }
0x7c: {  	[tilespmem:s25+$0x50] =	vst v63;
	v8 =	vmul.f32 v14, v2;
	v10 =	vmul.f32 v6, v2  }
0x7d: {  	s28 =	simm.s32 $0x1D630;
	s26 =	simm.s32 $0x3;
	[tilespmem:s25+$0x30] =	vst v11;
	v6 =	vmul.f32 v15, v2;
	v9 =	vmul.f32 v9, v2  }
.LBB2_5:
0x7e: {  	p0 =	sne.s32 s26, $0x4F  }
0x7f: {  	v11 =	vmov s26;
	v5 =	vmul.f32 v5, v2;
	v3 =	vmul.f32 v3, v2;
	[tilespmem:s25+$0x70] =	vst v4;
	s28 =	sadd.s32 $0x100, s28;
	s29 =	smov.u32 s26;
	s26 =	sadd.s32 $0x2, s26  }
0x80: {  	v1 =	vmul.f32 v1, v2;
	v4 =	vand.u32 $0x78, v11;
	v2 =	vmul.f32 v7, v2;
	[tilespmem:s25+$0xFFFFFFF0] =	vst v10  }
0x81: {  	v7 =	vand.u32 $0x7, v11;
	v4 =	vadd.s32 v0, v4;
	[tilespmem:s25+$0xFFFFFF80] =	vst v8  }
0x82: {  	v4 =	vor.u32 v7, v4;
	v10 =	vld [tilespmem:s28+$0xFFFFFFF0];
	[tilespmem:s25+$0xFFFFFFD0] =	vst v9  }
0x83: {  	v8 =	vld [tilespmem:s28+$0x50];
	[tilespmem:s25+$0xFFFFFFA0] =	vst v6  }
0x84: {  	v9 =	vld [tilespmem:s28+$0xFFFFFFD0];
	[tilespmem:s25+$0xFFFFFFB0] =	vst v1  }
0x85: {  	v1 =	vld [tilespmem:s28+$0xFFFFFFB0];
	[tilespmem:s25+$0xFFFFFFC0] =	vst v2  }
0x86: {  	s29 =	sadd.s32 $0xFFFFFFFF, s29;
	v6 =	vld [tilespmem:s28+$0x60];
	[tilespmem:s25+$0xFFFFFFE0] =	vst v3  }
0x87: {  	v2 =	vmov s29;
	v3 =	vld [tilespmem:s28+$0x70];
	[tilespmem:s25+$0xFFFFFF90] =	vst v5;
	s25 =	smov.u32 s28  }
0x88: {  	v5 =	vand.u32 $0x78, v2;
	v11 =	vld.idx.msk [tilespmem:v4+s16+$0x0], $0xffff  }
0x89: {  	v2 =	vand.u32 $0x6, v2;
	v4 =	vadd.s32 v0, v5;
	v5 =	vld [tilespmem:s28+$0x0]  }
0x8a: {  	v2 =	vor.u32 v2, v4;
	v7 =	vld [tilespmem:s28+$0x10]  }
0x8b: {  	v12 =	vld [tilespmem:s28+$0x20]  }
0x8c: {  	v13 =	vld [tilespmem:s28+$0x30]  }
0x8d: {  	v14 =	vld [tilespmem:s28+$0x40]  }
0x8e: {  	v4 =	vmul.f32 v3, v11;
	v15 =	vld [tilespmem:s28+$0xFFFFFF80];
	v5 =	vmul.f32 v5, v11  }
0x8f: {  	v6 =	vmul.f32 v6, v11;
	v2 =	vld.idx.msk [tilespmem:v2+s16+$0x0], $0xffff;
	v7 =	vmul.f32 v7, v11  }
0x90: {  	v16 =	vld [tilespmem:s28+$0xFFFFFFA0];
	[tilespmem:s28+$0x0] =	vst v5;
	v12 =	vmul.f32 v12, v11  }
0x91: {  	v3 =	vld [tilespmem:s28+$0xFFFFFFE0];
	v13 =	vmul.f32 v13, v11;
	[tilespmem:s28+$0x60] =	vst v6  }
.Ltmp1:
0x92: {  	v5 =	vld [tilespmem:s28+$0xFFFFFF90];
	[tilespmem:s28+$0x10] =	vst v7;
	v6 =	vmul.f32 v14, v11;
	(pc) =	sbr.rel @p0 .LBB2_5-.Ltmp1, $4  }
0x93: {  	v11 =	vmul.f32 v8, v11;
	v7 =	vld [tilespmem:s28+$0xFFFFFFC0];
	[tilespmem:s28+$0x20] =	vst v12  }
0x94: {  	[tilespmem:s28+$0x30] =	vst v13  }
0x95: {  	v8 =	vmul.f32 v15, v2;
	v10 =	vmul.f32 v10, v2;
	[tilespmem:s28+$0x40] =	vst v6  }
0x96: {  	v9 =	vmul.f32 v9, v2;
	v6 =	vmul.f32 v16, v2;
	[tilespmem:s28+$0x50] =	vst v11  }
0x97: {  	[tilespmem:s25+$0x70] =	vst v4  }
0x98: {  	[tilespmem:s25+$0xFFFFFFF0] =	vst v10  }
0x99: {  	[tilespmem:s25+$0xFFFFFF80] =	vst v8  }
0x9a: {  	v0 =	vmul.f32 v1, v2;
	[tilespmem:s25+$0xFFFFFFD0] =	vst v9  }
0x9b: {  	v3 =	vmul.f32 v3, v2;
	[tilespmem:s25+$0xFFFFFFA0] =	vst v6  }
0x9c: {  	v63 =	vmul.f32 v5, v2;
	[tilespmem:s25+$0xFFFFFFB0] =	vst v0  }
0x9d: {  	s23 =	sadd.s32 $0x1, s23;
	v62 =	vmul.f32 v7, v2;
	[tilespmem:s25+$0xFFFFFFE0] =	vst v3  }
0x9e: {  	p0 =	sne.s32 s23, $0x3E;
	[tilespmem:s25+$0xFFFFFF90] =	vst v63  }
.Ltmp2:
0x9f: {  	s24 =	sadd.s32 $0x15F90, s24;
	[tilespmem:s25+$0xFFFFFFC0] =	vst v62;
	(pc) =	sbr.rel @p0 .LBB2_2-.Ltmp2, $4  }
0xa0: {  	[spmem:s1] =	stream.indirect.scatter.add.f32 [tilespmem:s19], [sflag:$0x3], $0x80, s24, s17, $0xb8;
	[tilespmem:$0x1FDB0] =	vst v63  }
0xa1: {  	_ =	swait.ge [sflag:s13], $0x2800  }
0xa2: {  	[sflag:s13] =	ssyncset.done $0x0  }
0xa3: {  	[sflag:s13] =	ssyncadd.s32 $0xFFFFD800  }
0xa4: {  	s23 =	simm.s32 $0x1  }
0xa5: {  	_ =	swait.ge [sflag:s23], $0x2800  }
0xa6: {  	v0 =	vmov s23;
	[sflag:s23] =	ssyncset.done $0x0  }
0xa7: {  	v0 =	vand.u32 $0x7F, v0;
	[sflag:s23] =	ssyncadd.s32 $0xFFFFD800;
	s23 =	simm.s32 $0x1AE30  }
0xa8: {  	v0 =	vadd.s32 $0x26C0, v0;
	v5 =	vld [tilespmem:s23+$0xFFFFFFF0]  }
0xa9: {  	v4 =	vld [tilespmem:s23+$0x60]  }
0xaa: {  	v3 =	vld [tilespmem:s23+$0x50]  }
0xab: {  	v9 =	vld [tilespmem:s23+$0xFFFFFFD0]  }
0xac: {  	s24 =	simm.s32 $0x0;
	v7 =	vld [tilespmem:s23+$0x70]  }
0xad: {  	v1 =	vmov s24;
	v6 =	vld.idx.msk [tilespmem:v0+s16+$0x0], $0xffff  }
0xae: {  	v0 =	vand.u32 $0x7E, v1;
	v1 =	vld [tilespmem:s23+$0x0]  }
0xaf: {  	v2 =	vld [tilespmem:s23+$0x10];
	v0 =	vadd.s32 $0x26C0, v0  }
0xb0: {  	v8 =	vld [tilespmem:s23+$0x20]  }
0xb1: {  	v10 =	vld [tilespmem:s23+$0x30]  }
0xb2: {  	v11 =	vld [tilespmem:s23+$0x40]  }
0xb3: {  	v13 =	vld [tilespmem:s23+$0xFFFFFF80];
	v12 =	vmul.f32 v1, v6  }
0xb4: {  	v1 =	vld.idx.msk [tilespmem:v0+s16+$0x0], $0xffff;
	v0 =	vmul.f32 v2, v6  }
0xb5: {  	v63 =	vld [tilespmem:s23+$0xFFFFFFA0];
	v8 =	vmul.f32 v8, v6;
	[tilespmem:s23+$0x0] =	vst v12  }
0xb6: {  	v2 =	vld [tilespmem:s23+$0xFFFFFFE0];
	[tilespmem:s23+$0x10] =	vst v0;
	v0 =	vmul.f32 v10, v6  }
0xb7: {  	[tilespmem:s23+$0x20] =	vst v8;
	v8 =	vmul.f32 v11, v6;
	v11 =	vmul.f32 v4, v6;
	v4 =	vld [tilespmem:s23+$0xFFFFFF90]  }
0xb8: {  	[tilespmem:s23+$0x30] =	vst v0;
	v0 =	vld [tilespmem:s23+$0xFFFFFFB0]  }
0xb9: {  	v10 =	vmul.f32 v3, v6;
	[tilespmem:s23+$0x40] =	vst v8;
	v8 =	vmul.f32 v5, v1;
	v5 =	vld [tilespmem:s23+$0xFFFFFFC0]  }
0xba: {  	v3 =	vmul.f32 v7, v6;
	[tilespmem:s23+$0x60] =	vst v11;
	v7 =	vmul.f32 v13, v1  }
0xbb: {  	s25 =	simm.s32 $0x1AE30;
	s24 =	simm.s32 $0x3;
	[tilespmem:s23+$0x50] =	vst v10;
	v6 =	vmul.f32 v63, v1;
	v9 =	vmul.f32 v9, v1  }
.LBB2_8:
0xbc: {  	p0 =	sne.s32 s24, $0x4F  }
0xbd: {  	v10 =	vmov s24;
	v4 =	vmul.f32 v4, v1;
	v2 =	vmul.f32 v2, v1;
	[tilespmem:s23+$0x70] =	vst v3;
	s25 =	sadd.s32 $0x100, s25;
	s26 =	smov.u32 s24;
	s24 =	sadd.s32 $0x2, s24  }
0xbe: {  	v0 =	vmul.f32 v0, v1;
	v3 =	vand.u32 $0x7F, v10;
	v1 =	vmul.f32 v5, v1;
	[tilespmem:s23+$0xFFFFFFF0] =	vst v8  }
0xbf: {  	v3 =	vadd.s32 $0x26C0, v3;
	[tilespmem:s23+$0xFFFFFF80] =	vst v7  }
0xc0: {  	v8 =	vld [tilespmem:s25+$0xFFFFFFF0];
	[tilespmem:s23+$0xFFFFFFD0] =	vst v9  }
0xc1: {  	v7 =	vld [tilespmem:s25+$0x60];
	[tilespmem:s23+$0xFFFFFFA0] =	vst v6  }
0xc2: {  	v6 =	vld [tilespmem:s25+$0x50];
	[tilespmem:s23+$0xFFFFFFB0] =	vst v0  }
0xc3: {  	v0 =	vld [tilespmem:s25+$0xFFFFFFB0];
	[tilespmem:s23+$0xFFFFFFC0] =	vst v1  }
0xc4: {  	v9 =	vld [tilespmem:s25+$0xFFFFFFD0];
	[tilespmem:s23+$0xFFFFFFE0] =	vst v2  }
0xc5: {  	s26 =	sadd.s32 $0xFFFFFFFF, s26;
	v1 =	vld [tilespmem:s25+$0x70];
	[tilespmem:s23+$0xFFFFFF90] =	vst v4;
	s23 =	smov.u32 s25  }
0xc6: {  	v2 =	vmov s26;
	v10 =	vld.idx.msk [tilespmem:v3+s16+$0x0], $0xffff  }
0xc7: {  	v2 =	vand.u32 $0x7E, v2;
	v3 =	vld [tilespmem:s25+$0x0]  }
0xc8: {  	v2 =	vadd.s32 $0x26C0, v2;
	v4 =	vld [tilespmem:s25+$0x10]  }
0xc9: {  	v5 =	vld [tilespmem:s25+$0x20]  }
0xca: {  	v11 =	vld [tilespmem:s25+$0x30]  }
0xcb: {  	v12 =	vld [tilespmem:s25+$0x40]  }
0xcc: {  	v13 =	vld [tilespmem:s25+$0xFFFFFF80];
	v14 =	vmul.f32 v3, v10;
	v3 =	vmul.f32 v1, v10  }
0xcd: {  	v1 =	vld.idx.msk [tilespmem:v2+s16+$0x0], $0xffff;
	v4 =	vmul.f32 v4, v10  }
0xce: {  	v15 =	vld [tilespmem:s25+$0xFFFFFFA0];
	[tilespmem:s25+$0x0] =	vst v14;
	v5 =	vmul.f32 v5, v10  }
0xcf: {  	v2 =	vld [tilespmem:s25+$0xFFFFFFE0];
	[tilespmem:s25+$0x10] =	vst v4;
	v11 =	vmul.f32 v11, v10  }
.Ltmp3:
0xd0: {  	v4 =	vld [tilespmem:s25+$0xFFFFFF90];
	[tilespmem:s25+$0x20] =	vst v5;
	v12 =	vmul.f32 v12, v10;
	(pc) =	sbr.rel @p0 .LBB2_8-.Ltmp3, $4  }
0xd1: {  	v6 =	vmul.f32 v6, v10;
	v5 =	vld [tilespmem:s25+$0xFFFFFFC0];
	[tilespmem:s25+$0x30] =	vst v11  }
0xd2: {  	v10 =	vmul.f32 v7, v10;
	[tilespmem:s25+$0x40] =	vst v12  }
0xd3: {  	v7 =	vmul.f32 v13, v1;
	v8 =	vmul.f32 v8, v1;
	[tilespmem:s25+$0x50] =	vst v6  }
0xd4: {  	v9 =	vmul.f32 v9, v1;
	v6 =	vmul.f32 v15, v1;
	[tilespmem:s25+$0x60] =	vst v10  }
0xd5: {  	[tilespmem:s23+$0x70] =	vst v3  }
0xd6: {  	[tilespmem:s23+$0xFFFFFFF0] =	vst v8  }
0xd7: {  	[tilespmem:s23+$0xFFFFFF80] =	vst v7  }
0xd8: {  	v0 =	vmul.f32 v0, v1;
	[tilespmem:s23+$0xFFFFFFD0] =	vst v9  }
0xd9: {  	v2 =	vmul.f32 v2, v1;
	[tilespmem:s23+$0xFFFFFFA0] =	vst v6  }
0xda: {  	v63 =	vmul.f32 v4, v1;
	[tilespmem:s23+$0xFFFFFFB0] =	vst v0  }
0xdb: {  	v62 =	vmul.f32 v5, v1;
	[tilespmem:s23+$0xFFFFFFE0] =	vst v2  }
0xdc: {  	[tilespmem:s23+$0xFFFFFF90] =	vst v63  }
0xdd: {  	[tilespmem:s23+$0xFFFFFFC0] =	vst v62  }
0xde: {  	[spmem:s1] =	stream.indirect.scatter.add.f32 [tilespmem:s18], [sflag:$0x3], $0x80, s21, s17, $0xb8;
	[tilespmem:$0x1FDB0] =	vst v63  }
0xdf: {  	_ =	swait.ge [sflag:s13], $0x2800  }
0xe0: {  	s22 =	sadd.s32 $0x1, s22;
	[sflag:s13] =	ssyncset.done $0x0  }
0xe1: {  	p0 =	sne.s32 s22, s11;
	[sflag:s13] =	ssyncadd.s32 $0xFFFFD800  }
.Ltmp4:
0xe2: {  	[bflag:$0x0] =	sbarrier.arrive $0xFFFF;
	(pc) =	sbr.rel @p0 .LBB2_1-.Ltmp4, $4  }
0xe3: {  	[hbm:s10], [sflag:s6] =	dma.local [spmem:s12], $0x2710  }
0xe4: {  	_ =	swait.ge [sflag:s13], $0x2710  }
0xe5: {  	[sflag:s13] =	ssyncset.done $0x0  }
0xe6: {  	[sflag:s13] =	ssyncadd.s32 $0xFFFFD8F0  }
0xe7: {  	_ =	sfence.sel $0x180000  }
0xe8: {  	[bflag:$0x0] =	sbarrier.arrive $0xFFFF  }
0xe9: {  	p0 =	sne.s32 s2, $0x0;
	_ =	strace $0x9000004A  }
0xea: {  	s0 =	sadd.s32 @!p0 $0x100000, s0;
	[bflag:$0x2] =	sbarrier.arrive $0xFFFF  }
0xeb: {  	[sflag:s0] =	ssyncadd.tile.s32 @!p0 $0x1;
	_ =	shalt  }
.Lfunc_end2:
_tile_overlayer_lowered:
.L_overlay_start_2:
0xec: {  	(tag) =	ssettag $0x2  }
0xed: {  	s0 =	rddreg [dreg:$0x0];
	s2 =	stileid.u32  }
0xee: {  	s1 =	rddreg [dreg:$0x1];
	p0 =	sne.s32 s2, $0x0  }
0xef: {  	s3 =	rddreg [dreg:$0x2];
	[bflag:$0x3] =	sbarrier.arrive $0xFFFF;
	s2 =	simm.s32 @!p0 $0x1C03  }
0xf0: {  	[timem:s3], [sflag:s2] =	dma.local @!p0 [hbm:s0], s1  }
0xf1: {  	s0 =	simm.s32 @!p0 $0x3  }
0xf2: {  	_ =	swait.ge @!p0 [sflag:s0], s1  }
0xf3: {  	s1 =	ssub.s32 @!p0 $0x0, s1;
	[sflag:s0] =	ssyncset.done @!p0 $0x0  }
0xf4: {  	[sflag:s0] =	ssyncadd.s32 @!p0 s1  }
0xf5: {  	[bflag:$0x3] =	sbarrier.arrive $0xFFFF  }
0xf6: {  	_ =	shalt  }

// kernel: kernel.14.cloned.1.call-start
scs
__scs_entry_jumppad:
0x0: {  	(pc) =	sbr.rel $0x88, $3  }
0x1: {  	(tag) =	ssettag $0x0;
	lr =	simm.s32 $0x1  }
0x2: {  	[smem:$0x3F98] =	sst lr;
	_ =	strace $0xD0000000  }
0x3: {  	_ = 	snop  }
0x4: {  	_ = 	snop  }
0x5: {  	_ = 	snop  }
0x6: {  	_ = 	snop  }
0x7: {  	_ = 	snop  }
__scs_overlays_trampoline_lowered:
0x8: {  	[smem:$0x3FA7] =	sst s0  }
0x9: {  	[smem:$0x3FA8] =	sst s1  }
0xa: {  	[smem:$0x3FA9] =	sst s2  }
0xb: {  	[smem:$0x3FAA] =	sst s3  }
0xc: {  	[smem:$0x3FAB] =	sst s4  }
0xd: {  	[smem:$0x3FAC] =	sst s5  }
0xe: {  	[smem:$0x3FAD] =	sst s6  }
0xf: {  	[smem:$0x3FAE] =	sst s7  }
0x10: {  	[smem:$0x3FAF] =	sst s8  }
0x11: {  	[smem:$0x3FB0] =	sst s9;
	s0 =	simm.s32 @!p0 $0x0  }
0x12: {  	s1 =	sld [smem:$0x3F96];
	s0 =	simm.s32 @p0 $0x1  }
0x13: {  	[smem:$0x3FB1] =	sst s0;
	s0 =	simm.s32 @!p1 $0x0  }
0x14: {  	s2 =	sld [smem:$0x3F95];
	s0 =	simm.s32 @p1 $0x1  }
0x15: {  	[smem:$0x3FB2] =	sst s0;
	s0 =	simm.s32 @!p2 $0x0  }
0x16: {  	s3 =	sld [smem:$0x3FDB];
	s0 =	simm.s32 @p2 $0x1  }
0x17: {  	s4 =	simm.s32 $0x1BF5;
	[smem:$0x3FB4] =	sst s0  }
0x18: {  	s0 =	sld [smem:$0x3F97];
	_ =	swait.ge [sflag:s4], $0x0  }
0x19: {  	s7 =	sld [smem:$0x3F98]  }
0x1a: {  	s8 =	sadd.s32 $0xFFFFE003, lr  }
0x1b: {  	s9 =	sadd.s32 $0xFFFFFEF7, lr;
	s5 =	simm.s32 $0xFFFFFFFF;
	p2 =	slt.u32 s8, $0xFFFFF086  }
0x1c: {  	p1 =	slt.u32 s9, $0xF7A;
	s5 =	simm.s32 @!p2 $0x0  }
0x1d: {  	s5 =	simm.s32 @p1 $0x1;
	p0 =	seq.s32 s7, s2  }
0x1e: {  	s7 =	smul.u32 @!p0 $0xF7A, s2;
	p2 =	seq.s32 @!p0 s5, $0x0  }
0x1f: {  	s9 =	smul.u32 $0xF7A, s1;
	s8 =	simm.s32 @!p0 $0x1BF5;
	p2 =	por !p2, p0  }
0x20: {  	[sflag:s8] =	ssyncset.s32 @!p0 $0xFFFFF086;
	s6 =	sadd.s32 @!p0 s3, s7;
	s7 =	simm.s32 @!p0 $0x108  }
0x21: {  	s3 =	sadd.s32 s3, s9;
	s6 =	sadd.s32 @!p0 $0x88, s6;
	s7 =	simm.s32 @p2 $0x1082  }
0x22: {  	[simem:s7], [sflag:s8] =	dma.local @!p0 [hbm:s6], $0xF7A  }
0x23: {  	s9 =	sor.u32 $0xD0000000, s2;
	s6 =	simm.s32 $0x108;
	_ =	swait.ge @!p0 [sflag:s8], $0x0  }
0x24: {  	s3 =	sadd.s32 $0x88, s3;
	s6 =	simm.s32 @!p1 $0x1082;
	[sflag:s4] =	ssyncset.s32 $0xFFFFF086  }
0x25: {  	[simem:s6], [sflag:s4] =	dma.local [hbm:s3], $0xF7A  }
0x26: {  	[smem:$0x3F98] =	sst s1;
	(tag) =	ssettag s2;
	_ =	strace s9  }
0x27: {  	s1 =	sld [smem:$0x3FA8]  }
0x28: {  	s2 =	sld [smem:$0x3FA9]  }
0x29: {  	s4 =	sld [smem:$0x3FAB]  }
0x2a: {  	p0 =	seq.s32 s5, $0x0;
	s5 =	sld [smem:$0x3FAC]  }
0x2b: {  	s6 =	sld [smem:$0x3FAD]  }
0x2c: {  	s7 =	sld [smem:$0x3FAE]  }
0x2d: {  	s3 =	simm.s32 $0x108;
	s8 =	sld [smem:$0x3FAF]  }
0x2e: {  	s3 =	simm.s32 @!p0 $0x1082;
	s9 =	sld [smem:$0x3FB0]  }
0x2f: {  	lr =	sadd.s32 s0, s3;
	s0 =	sld [smem:$0x3FA7]  }
0x30: {  	s3 =	sld [smem:$0x3FAA]  }
0x31: {  	[smem:$0x3FB3] =	sst s10  }
0x32: {  	s10 =	sld [smem:$0x3FB1];
	_ =	sdelay $0x3  }
0x33: {  	p0 =	seq.s32 s10, $0x1;
	s10 =	sld [smem:$0x3FB3];
	_ =	sdelay $0x3  }
0x34: {  	[smem:$0x3FB3] =	sst s10  }
0x35: {  	s10 =	sld [smem:$0x3FB2];
	_ =	sdelay $0x3  }
0x36: {  	p1 =	seq.s32 s10, $0x1;
	s10 =	sld [smem:$0x3FB3];
	_ =	sdelay $0x3  }
0x37: {  	[smem:$0x3FB3] =	sst s10  }
0x38: {  	s10 =	sld [smem:$0x3FB4]  }
0x39: {  	_ = 	snop;
	(pc) =	sbr.ind lr, $3  }
0x3a: {  	_ = 	snop  }
0x3b: {  	_ = 	snop  }
0x3c: {  	p2 =	seq.s32 s10, $0x1;
	s10 =	sld [smem:$0x3FB3]  }
0x3d: {  	_ =	shalt  }
0x3e: {  	_ =	shalt  }
0x3f: {  	_ =	shalt  }
0x40: {  	_ =	shalt  }
0x41: {  	_ =	shalt  }
0x42: {  	_ =	shalt  }
0x43: {  	_ =	shalt  }
0x44: {  	_ =	shalt  }
0x45: {  	_ =	shalt  }
0x46: {  	_ =	shalt  }
0x47: {  	_ =	shalt  }
0x48: {  	_ =	shalt  }
0x49: {  	_ =	shalt  }
0x4a: {  	_ =	shalt  }
0x4b: {  	_ =	shalt  }
0x4c: {  	_ =	shalt  }
0x4d: {  	_ =	shalt  }
0x4e: {  	_ =	shalt  }
0x4f: {  	_ =	shalt  }
0x50: {  	_ =	shalt  }
0x51: {  	_ =	shalt  }
0x52: {  	_ =	shalt  }
0x53: {  	_ =	shalt  }
0x54: {  	_ =	shalt  }
0x55: {  	_ =	shalt  }
0x56: {  	_ =	shalt  }
0x57: {  	_ =	shalt  }
0x58: {  	_ =	shalt  }
0x59: {  	_ =	shalt  }
0x5a: {  	_ =	shalt  }
0x5b: {  	_ =	shalt  }
0x5c: {  	_ =	shalt  }
0x5d: {  	_ =	shalt  }
0x5e: {  	_ =	shalt  }
0x5f: {  	_ =	shalt  }
0x60: {  	_ =	shalt  }
0x61: {  	_ =	shalt  }
0x62: {  	_ =	shalt  }
0x63: {  	_ =	shalt  }
0x64: {  	_ =	shalt  }
0x65: {  	_ =	shalt  }
0x66: {  	_ =	shalt  }
0x67: {  	_ =	shalt  }
0x68: {  	_ =	shalt  }
0x69: {  	_ =	shalt  }
0x6a: {  	_ =	shalt  }
0x6b: {  	_ =	shalt  }
0x6c: {  	_ =	shalt  }
0x6d: {  	_ =	shalt  }
0x6e: {  	_ =	shalt  }
0x6f: {  	_ =	shalt  }
0x70: {  	_ =	shalt  }
0x71: {  	_ =	shalt  }
0x72: {  	_ =	shalt  }
0x73: {  	_ =	shalt  }
0x74: {  	_ =	shalt  }
0x75: {  	_ =	shalt  }
0x76: {  	_ =	shalt  }
0x77: {  	_ =	shalt  }
0x78: {  	_ =	shalt  }
0x79: {  	_ =	shalt  }
0x7a: {  	_ =	shalt  }
0x7b: {  	_ =	shalt  }
0x7c: {  	_ =	shalt  }
0x7d: {  	_ =	shalt  }
0x7e: {  	_ =	shalt  }
0x7f: {  	_ =	shalt  }
0x80: {  	_ =	shalt  }
0x81: {  	_ =	shalt  }
0x82: {  	_ =	shalt  }
0x83: {  	_ =	shalt  }
0x84: {  	_ =	shalt  }
0x85: {  	_ =	shalt  }
0x86: {  	_ =	shalt  }
0x87: {  	_ =	shalt  }
.Lfunc_end0:
.L_simem_size_0:
called_computation.2_lowered:
.L_overlay_start_0:
0x88: {  	s2 =	sld [smem:$0x3FD9]  }
0x89: {  	s3 =	sld [smem:$0x3FFE];
	_ =	sdelay $0x1  }
0x8a: {  	s1 =	srdreg.scid  }
0x8b: {  	s0 =	sand.u32 $0x1, s1  }
0x8c: {  	s17 =	sshll.u32 s0, $0xA;
	s2 =	sadd.s32 s3, s2  }
0x8d: {  	s2 =	sadd.s32 s2, s17  }
0x8e: {  	[smem:$0x3FBF] =	sst s2  }
0x8f: {  	_ = 	snop  }
0x90: {  	s2 =	sld [smem:$0x3FD0];
	(tm) =	ssettm $0x1  }
0x91: {  	s18 =	sld [smem:$0x3FFB];
	_ =	sdelay $0x3  }
0x92: {  	_ =	strace s18  }
0x93: {  	s3 =	sld [smem:$0x3FFC];
	_ =	sdelay $0x3  }
0x94: {  	_ =	strace s3  }
0x95: {  	s3 =	sld [smem:$0x3FFD];
	_ =	sdelay $0x3  }
0x96: {  	_ =	strace s3  }
0x97: {  	_ =	strace $0x8FFFFFFF  }
0x98: {  	s19 =	sld [smem:$0x3FDB];
	_ =	sdelay $0x1  }
0x99: {  	s4 =	simm.s32 $_scs_section_size  }
0x9a: {  	s5 =	simm.s32 $_size__tile_overlayer_lowered;
	s6 =	simm.s32 $_tile_overlayer_lowered  }
0x9b: {  	s22 =	simm.s32 $0x1BFF;
	s21 =	sshll.u32 s6, $0x1;
	s3 =	sadd.s32 s4, s19  }
0x9c: {  	s7 =	simm.s32 $0x0;
	s20 =	sshll.u32 s5, $0x1;
	s5 =	sadd.s32 s21, s3  }
0x9d: {  	[timem:s7], [sflag:s22] =	dma.local [hbm:s5], s20  }
0x9e: {  	_ =	swait.ge [sflag:s22], s20  }
0x9f: {  	s4 =	ssub.s32 $0x0, s20;
	[sflag:s22] =	ssyncset.done $0x0  }
0xa0: {  	[sflag:s22] =	ssyncadd.s32 s4;
	_ =	sdelay $0x1  }
0xa1: {  	s23 =	simm.s32 $0x1B8B  }
0xa2: {  	_ =	swait.ge [sflag:s23], $0x1  }
0xa3: {  	[sflag:s23] =	ssyncset.done $0x0  }
0xa4: {  	s25 =	simm.s32 $0x1B8E;
	s24 =	sld [smem:$0x3FFE];
	[sflag:s23] =	ssyncadd.s32 $0xFFFFFFFF  }
0xa5: {  	s26 =	simm.s32 $execute0_lowered;
	[smem:$0x3FD2] =	sst s25  }
0xa6: {  	s5 =	sshll.u32 s26, $0x1;
	_ =	strace $0x8000004C;
	[dreg:$0x1] =	wrdreg $0xFFFFFFFF  }
0xa7: {  	s28 =	simm.s32 $_size_execute0_lowered;
	s3 =	sadd.s32 s3, s5;
	[dreg:$0x0] =	wrdreg $0x0  }
0xa8: {  	s5 =	sshll.u32 s28, $0x1;
	[dreg:$0x2] =	wrdreg s3  }
0xa9: {  	[dreg:$0x3] =	wrdreg s5  }
0xaa: {  	[dreg:$0x4] =	wrdreg $0xC0  }
0xab: {  	_ =	task [dreg:s7], $0x5FFFF  }
0xac: {  	[dreg:$0x1] =	wrdreg $0xFFFFFFFF  }
0xad: {  	[dreg:$0x0] =	wrdreg $0x60  }
0xae: {  	[dreg:$0x2] =	wrdreg s24  }
0xaf: {  	[dreg:$0x3] =	wrdreg s2  }
0xb0: {  	[dreg:$0x4] =	wrdreg $0x0  }
0xb1: {  	[dreg:$0x5] =	wrdreg $0x9  }
0xb2: {  	_ =	task.clear_ibuf [dreg:s7], $0x6FFFF;
	_ =	strace $0x9000004C  }
0xb3: {  	s29 =	simm.s32 $0x9;
	_ =	strace $0x8000004E  }
0xb4: {  	_ =	swait.ge [sflag:s29], $0x1  }
0xb5: {  	[sflag:s29] =	ssyncadd.s32 $0xFFFFFFFF  }
0xb6: {  	_ =	strace $0x9000004E  }
0xb7: {  	_ =	sfence  }
0xb8: {  	s30 =	sld [smem:$0x0];
	_ =	sdelay $0x2  }
0xb9: {  	s31 =	sshll.u32 s1, $0xD;
	s1 =	sshrl.u32 s1, $0x2  }
0xba: {  	s3 =	sand.u32 $0x4000, s31;
	s1 =	sadd.s32 s1, s30  }
0xbb: {  	s0 =	sor.u32 s3, s0;
	s1 =	sshll.u32 s1, $0x11  }
0xbc: {  	s0 =	sor.u32 s1, s0  }
0xbd: {  	s0 =	sadd.s32 $0x8F2B, s0  }
0xbe: {  	[sflag:s0] =	ssyncadd.remote.s32 $0x1  }
0xbf: {  	_ =	sfence.sel $0xFFFF  }
0xc0: {  	[dreg:$0x0] =	wrdreg $0xFFFFFFFF;
	(pc) =	sbr.abs _section_cstart, $3  }
0xc1: {  	[dreg:$0x1] =	wrdreg $0xFFFFFFFF  }
0xc2: {  	_ =	task.clear_ibuf [dreg:s7], $0x2FFFF;
	_ =	strace $0x9FFFFFFF  }
0xc3: {  	(tm) =	ssettm $0x7FFFFFFF  }
tec
execute0_lowered:
.L_overlay_start_1:
0x0: {  	(tag) =	ssettag $0x1  }
0x1: {  	s5 =	rddreg [dreg:$0x0]  }
0x2: {  	s6 =	rddreg [dreg:$0x1]  }
0x3: {  	s1 =	rddreg [dreg:$0x2]  }
0x4: {  	s0 =	rddreg [dreg:$0x3];
	s3 =	simm.s32 $0x0  }
0x5: {  	s4 =	srdreg.scid;
	s2 =	stileid.u32;
	s15 =	simm.s32 $0x15F90  }
0x6: {  	s16 =	simm.s32 $0x186A0;
	s17 =	simm.s32 $0x50;
	s18 =	simm.s32 $0x1ADB0  }
0x7: {  	s19 =	simm.s32 $0x1D5B0;
	s20 =	simm.s32 $0x2;
	s21 =	simm.s32 $0x18650  }
0x8: {  	s22 =	simm.s32 $0x0;
	[smem:$0x7FF] =	sst s3;
	s7 =	sand.u32 $0x1, s4  }
0x9: {  	s28 =	sshll.u32 s2, $0x1;
	s8 =	smul.u32 $0x2710, s2;
	s4 =	sadd.s32 $0x1FC00, s5  }
0xa: {  	s11 =	smul.u32 $0x13880, s2;
	s31 =	sshll.u32 s2, $0x6;
	_ =	strace $0x8000004D  }
0xb: {  	s9 =	sor.u32 s7, s28;
	s10 =	smul.u32 $0x27100, s7;
	s7 =	ssub.s32 $0x2, s7  }
0xc: {  	s9 =	smul.u32 $0x4E2, s9;
	s29 =	sshrl.u32 s7, $0x1;
	s14 =	sadd.s32 s11, s1  }
0xd: {  	s30 =	sshrl.u32 s11, $0x3;
	s8 =	sadd.s32 s8, s10;
	s13 =	ssub.s32 s7, s29  }
0xe: {  	s9 =	sadd.s32 s9, s5;
	s12 =	sadd.s32 s8, s5;
	s5 =	sadd.s32 s6, s30  }
0xf: {  	s6 =	sor.u32 $0x1C03, s31;
	s11 =	smax.u32 s13, $0x1;
	s13 =	simm.s32 $0x3  }
0x10: {  	s7 =	sadd.s32 $0x15E00, s9;
	s8 =	sadd.s32 $0x2200, s9;
	s9 =	sadd.s32 $0xC000, s9  }
0x11: {  	s10 =	sadd.s32 $0x158400, s12;
	s12 =	sshrl.u32 s14, $0x3;
	s14 =	simm.s32 $0x13880  }
.LBB2_1:
0x12: {  	[spmem:s12], [sflag:s6] =	dma.local [hbm:s5], $0x2710  }
0x13: {  	_ =	swait.ge [sflag:s13], $0x2710  }
0x14: {  	[sflag:s13] =	ssyncset.done $0x0  }
0x15: {  	[sflag:s13] =	ssyncadd.s32 $0xFFFFD8F0  }
0x16: {  	[tilespmem:s14], [sflag:$0x3] =	stream.linear.gather [hbm4b:s7+s3], $0x2710, $0x38;
	[tilespmem:$0x1FDB0] =	vst v63  }
0x17: {  	_ =	swait.ge [sflag:s13], $0x2710  }
0x18: {  	[sflag:s13] =	ssyncset.done $0x0  }
0x19: {  	[sflag:s13] =	ssyncadd.s32 $0xFFFFD8F0  }
0x1a: {  	[tilespmem:s15], [sflag:$0x3] =	stream.linear.gather [hbm4b:s8+s3], $0x2710, $0x38;
	[tilespmem:$0x1FDB0] =	vst v63  }
0x1b: {  	_ =	swait.ge [sflag:s13], $0x2710  }
0x1c: {  	[sflag:s13] =	ssyncset.done $0x0  }
0x1d: {  	[sflag:s13] =	ssyncadd.s32 $0xFFFFD8F0  }
0x1e: {  	[tilespmem:s16], [sflag:$0x3] =	stream.linear.gather [hbm4b:s9+s3], $0x2710, $0x38;
	[tilespmem:$0x1FDB0] =	vst v63  }
0x1f: {  	_ =	swait.ge [sflag:s13], $0x2710  }
0x20: {  	[sflag:s13] =	ssyncset.done $0x0  }
0x21: {  	[sflag:s13] =	ssyncadd.s32 $0xFFFFD8F0  }
0x22: {  	s23 =	simm.s32 $0x0;
	[bflag:$0x0] =	sbarrier.arrive $0xFFFF  }
0x23: {  	[tilespmem:s18], [sflag:$0x1] =	stream.indirect.gather [hbm4b:s4+s17], $0x80, s14, s17, $0xb8;
	[tilespmem:$0x1FDB0] =	vst v63  }
.LBB2_2:
0x24: {  	s25 =	sshllo.u32 s23, $0x1  }
0x25: {  	s26 =	sshll.u32 s23, $0x1;
	s24 =	smul.u32 $0x50, s25  }
0x26: {  	v0 =	vmov s26  }
0x27: {  	s31 =	simm.s32 $0x1;
	v0 =	vmul.u32 $0x50, v0;
	s28 =	sadd.s32 $0x13880, s24  }
0x28: {  	[tilespmem:s19], [sflag:$0x2] =	stream.indirect.gather [hbm4b:s4+s17], $0x80, s28, s17, $0xb8;
	[tilespmem:$0x1FDB0] =	vst v63  }
0x29: {  	v1 =	vmov s31;
	v0 =	vbroadcast v0, $0x0;
	_ =	swait.ge [sflag:s31], $0x2800  }
0x2a: {  	v2 =	vand.u32 $0x78, v1;
	[sflag:s31] =	ssyncset.done $0x0  }
0x2b: {  	s26 =	simm.s32 $0x1AE30;
	v1 =	vand.u32 $0x7, v1;
	v2 =	vadd.s32 v0, v2;
	[sflag:s31] =	ssyncadd.s32 $0xFFFFD800  }
0x2c: {  	v1 =	vor.u32 v1, v2;
	v6 =	vld [tilespmem:s26+$0xFFFFFFF0]  }
0x2d: {  	v5 =	vld [tilespmem:s26+$0x50]  }
0x2e: {  	v9 =	vld [tilespmem:s26+$0xFFFFFFD0]  }
0x2f: {  	s28 =	simm.s32 $0x0;
	v3 =	vld [tilespmem:s26+$0x60]  }
0x30: {  	v2 =	vmov s28;
	v4 =	vld [tilespmem:s26+$0x70]  }
0x31: {  	v7 =	vand.u32 $0x78, v2;
	v8 =	vld.idx.msk [tilespmem:v1+s16+$0x0], $0xffff  }
0x32: {  	v1 =	vand.u32 $0x6, v2;
	v2 =	vadd.s32 v0, v7;
	v7 =	vld [tilespmem:s26+$0x0]  }
0x33: {  	v10 =	vld [tilespmem:s26+$0x10]  }
0x34: {  	v13 =	vld [tilespmem:s26+$0x40];
	v1 =	vor.u32 v1, v2  }
0x35: {  	v11 =	vld [tilespmem:s26+$0x20]  }
0x36: {  	v12 =	vld [tilespmem:s26+$0x30]  }
0x37: {  	v14 =	vld [tilespmem:s26+$0xFFFFFF80];
	v7 =	vmul.f32 v7, v8  }
0x38: {  	v15 =	vld [tilespmem:s26+$0xFFFFFFA0];
	v10 =	vmul.f32 v10, v8  }
0x39: {  	v62 =	vmul.f32 v13, v8;
	v2 =	vld.idx.msk [tilespmem:v1+s16+$0x0], $0xffff;
	[tilespmem:s26+$0x0] =	vst v7  }
0x3a: {  	v63 =	vmul.f32 v5, v8;
	v5 =	vld [tilespmem:s26+$0xFFFFFF90];
	v1 =	vmul.f32 v3, v8;
	[tilespmem:s26+$0x10] =	vst v10  }
0x3b: {  	v3 =	vld [tilespmem:s26+$0xFFFFFFE0];
	v7 =	vmul.f32 v11, v8;
	[tilespmem:s26+$0x40] =	vst v62  }
0x3c: {  	[tilespmem:s26+$0x60] =	vst v1;
	v1 =	vld [tilespmem:s26+$0xFFFFFFB0]  }
0x3d: {  	v4 =	vmul.f32 v4, v8;
	v11 =	vmul.f32 v12, v8;
	[tilespmem:s26+$0x20] =	vst v7;
	v7 =	vld [tilespmem:s26+$0xFFFFFFC0]  }
0x3e: {  	[tilespmem:s26+$0x50] =	vst v63;
	v8 =	vmul.f32 v14, v2;
	v10 =	vmul.f32 v6, v2  }
0x3f: {  	s29 =	simm.s32 $0x1AE30;
	s28 =	simm.s32 $0x3;
	[tilespmem:s26+$0x30] =	vst v11;
	v6 =	vmul.f32 v15, v2;
	v9 =	vmul.f32 v9, v2  }
.LBB2_3:
0x40: {  	p0 =	sne.s32 s28, $0x4F  }
0x41: {  	v11 =	vmov s28;
	v5 =	vmul.f32 v5, v2;
	v3 =	vmul.f32 v3, v2;
	[tilespmem:s26+$0x70] =	vst v4;
	s29 =	sadd.s32 $0x100, s29;
	s30 =	smov.u32 s28;
	s28 =	sadd.s32 $0x2, s28  }
0x42: {  	v1 =	vmul.f32 v1, v2;
	v4 =	vand.u32 $0x78, v11;
	v2 =	vmul.f32 v7, v2;
	[tilespmem:s26+$0xFFFFFFF0] =	vst v10  }
0x43: {  	v7 =	vand.u32 $0x7, v11;
	v4 =	vadd.s32 v0, v4;
	[tilespmem:s26+$0xFFFFFF80] =	vst v8  }
0x44: {  	v4 =	vor.u32 v7, v4;
	v10 =	vld [tilespmem:s29+$0xFFFFFFF0];
	[tilespmem:s26+$0xFFFFFFD0] =	vst v9  }
0x45: {  	v8 =	vld [tilespmem:s29+$0x50];
	[tilespmem:s26+$0xFFFFFFA0] =	vst v6  }
0x46: {  	v9 =	vld [tilespmem:s29+$0xFFFFFFD0];
	[tilespmem:s26+$0xFFFFFFB0] =	vst v1  }
0x47: {  	v1 =	vld [tilespmem:s29+$0xFFFFFFB0];
	[tilespmem:s26+$0xFFFFFFC0] =	vst v2  }
0x48: {  	s30 =	sadd.s32 $0xFFFFFFFF, s30;
	v6 =	vld [tilespmem:s29+$0x60];
	[tilespmem:s26+$0xFFFFFFE0] =	vst v3  }
0x49: {  	v2 =	vmov s30;
	v3 =	vld [tilespmem:s29+$0x70];
	[tilespmem:s26+$0xFFFFFF90] =	vst v5;
	s26 =	smov.u32 s29  }
0x4a: {  	v5 =	vand.u32 $0x78, v2;
	v11 =	vld.idx.msk [tilespmem:v4+s16+$0x0], $0xffff  }
0x4b: {  	v2 =	vand.u32 $0x6, v2;
	v4 =	vadd.s32 v0, v5;
	v5 =	vld [tilespmem:s29+$0x0]  }
0x4c: {  	v2 =	vor.u32 v2, v4;
	v7 =	vld [tilespmem:s29+$0x10]  }
0x4d: {  	v12 =	vld [tilespmem:s29+$0x20]  }
0x4e: {  	v13 =	vld [tilespmem:s29+$0x30]  }
0x4f: {  	v14 =	vld [tilespmem:s29+$0x40]  }
0x50: {  	v4 =	vmul.f32 v3, v11;
	v15 =	vld [tilespmem:s29+$0xFFFFFF80];
	v5 =	vmul.f32 v5, v11  }
0x51: {  	v6 =	vmul.f32 v6, v11;
	v2 =	vld.idx.msk [tilespmem:v2+s16+$0x0], $0xffff;
	v7 =	vmul.f32 v7, v11  }
0x52: {  	v16 =	vld [tilespmem:s29+$0xFFFFFFA0];
	[tilespmem:s29+$0x0] =	vst v5;
	v12 =	vmul.f32 v12, v11  }
0x53: {  	v3 =	vld [tilespmem:s29+$0xFFFFFFE0];
	v13 =	vmul.f32 v13, v11;
	[tilespmem:s29+$0x60] =	vst v6  }
.Ltmp0:
0x54: {  	v5 =	vld [tilespmem:s29+$0xFFFFFF90];
	[tilespmem:s29+$0x10] =	vst v7;
	v6 =	vmul.f32 v14, v11;
	(pc) =	sbr.rel @p0 .LBB2_3-.Ltmp0, $4  }
0x55: {  	v11 =	vmul.f32 v8, v11;
	v7 =	vld [tilespmem:s29+$0xFFFFFFC0];
	[tilespmem:s29+$0x20] =	vst v12  }
0x56: {  	[tilespmem:s29+$0x30] =	vst v13  }
0x57: {  	v8 =	vmul.f32 v15, v2;
	v10 =	vmul.f32 v10, v2;
	[tilespmem:s29+$0x40] =	vst v6  }
0x58: {  	v9 =	vmul.f32 v9, v2;
	v6 =	vmul.f32 v16, v2;
	[tilespmem:s29+$0x50] =	vst v11  }
0x59: {  	[tilespmem:s26+$0x70] =	vst v4  }
0x5a: {  	[tilespmem:s26+$0xFFFFFFF0] =	vst v10  }
0x5b: {  	[tilespmem:s26+$0xFFFFFF80] =	vst v8  }
0x5c: {  	v0 =	vmul.f32 v1, v2;
	[tilespmem:s26+$0xFFFFFFD0] =	vst v9  }
0x5d: {  	v3 =	vmul.f32 v3, v2;
	[tilespmem:s26+$0xFFFFFFA0] =	vst v6  }
0x5e: {  	s28 =	smul.u32 $0x280, s23;
	v1 =	vmul.f32 v7, v2;
	[tilespmem:s26+$0xFFFFFFB0] =	vst v0  }
0x5f: {  	v0 =	vmul.f32 v5, v2;
	[tilespmem:s26+$0xFFFFFFE0] =	vst v3  }
0x60: {  	s28 =	sshra.s32 s28, $0x2;
	[tilespmem:s26+$0xFFFFFFC0] =	vst v1  }
0x61: {  	s31 =	sadd.s32 $0x15F90, s28;
	[tilespmem:s26+$0xFFFFFF90] =	vst v0  }
0x62: {  	[spmem:s1] =	stream.indirect.scatter.add.f32 [tilespmem:s18], [sflag:$0x3], $0x80, s31, s17, $0xb8;
	[tilespmem:$0x1FDB0] =	vst v63  }
0x63: {  	_ =	swait.ge [sflag:s13], $0x2800  }
0x64: {  	v0 =	vmov s25;
	[sflag:s13] =	ssyncset.done $0x0  }
0x65: {  	s30 =	simm.s32 $0x1;
	s29 =	sadd.s32 $0x13920, s28;
	v0 =	vmul.u32 $0x50, v0;
	[sflag:s13] =	ssyncadd.s32 $0xFFFFD800  }
0x66: {  	[tilespmem:s18], [sflag:$0x1] =	stream.indirect.gather [hbm4b:s4+s17], $0x80, s29, s17, $0xb8;
	[tilespmem:$0x1FDB0] =	vst v63  }
0x67: {  	v1 =	vmov s30;
	v0 =	vbroadcast v0, $0x0;
	_ =	swait.ge [sflag:s20], $0x2800  }
0x68: {  	v2 =	vand.u32 $0x78, v1;
	[sflag:s20] =	ssyncset.done $0x0  }
0x69: {  	s25 =	simm.s32 $0x1D630;
	v1 =	vand.u32 $0x7, v1;
	v2 =	vadd.s32 v0, v2;
	[sflag:s20] =	ssyncadd.s32 $0xFFFFD800  }
0x6a: {  	v1 =	vor.u32 v1, v2;
	v6 =	vld [tilespmem:s25+$0xFFFFFFF0]  }
0x6b: {  	v5 =	vld [tilespmem:s25+$0x50]  }
0x6c: {  	v9 =	vld [tilespmem:s25+$0xFFFFFFD0]  }
0x6d: {  	s31 =	simm.s32 $0x0;
	v3 =	vld [tilespmem:s25+$0x60]  }
0x6e: {  	v2 =	vmov s31;
	v4 =	vld [tilespmem:s25+$0x70]  }
0x6f: {  	v7 =	vand.u32 $0x78, v2;
	v8 =	vld.idx.msk [tilespmem:v1+s16+$0x0], $0xffff  }
0x70: {  	v1 =	vand.u32 $0x6, v2;
	v2 =	vadd.s32 v0, v7;
	v7 =	vld [tilespmem:s25+$0x0]  }
0x71: {  	v10 =	vld [tilespmem:s25+$0x10]  }
0x72: {  	v13 =	vld [tilespmem:s25+$0x40];
	v1 =	vor.u32 v1, v2  }
0x73: {  	v11 =	vld [tilespmem:s25+$0x20]  }
0x74: {  	v12 =	vld [tilespmem:s25+$0x30]  }
0x75: {  	v14 =	vld [tilespmem:s25+$0xFFFFFF80];
	v7 =	vmul.f32 v7, v8  }
0x76: {  	v15 =	vld [tilespmem:s25+$0xFFFFFFA0];
	v10 =	vmul.f32 v10, v8  }
0x77: {  	v62 =	vmul.f32 v13, v8;
	v2 =	vld.idx.msk [tilespmem:v1+s16+$0x0], $0xffff;
	[tilespmem:s25+$0x0] =	vst v7  }
0x78: {  	v63 =	vmul.f32 v5, v8;
	v5 =	vld [tilespmem:s25+$0xFFFFFF90];
	v1 =	vmul.f32 v3, v8;
	[tilespmem:s25+$0x10] =	vst v10  }
0x79: {  	v3 =	vld [tilespmem:s25+$0xFFFFFFE0];
	v7 =	vmul.f32 v11, v8;
	[tilespmem:s25+$0x40] =	vst v62  }
0x7a: {  	[tilespmem:s25+$0x60] =	vst v1;
	v1 =	vld [tilespmem:s25+$0xFFFFFFB0]  }
0x7b: {  	v4 =	vmul.f32 v4, v8;
	v11 =	vmul.f32 v12, v8;
	[tilespmem:s25+$0x20] =	vst v7;
	v7 =	vld [tilespmem:s25+$0xFFFFFFC0]  }
0x7c: {  	[tilespmem:s25+$0x50] =	vst v63;
	v8 =	vmul.f32 v14, v2;
	v10 =	vmul.f32 v6, v2  }
0x7d: {  	s28 =	simm.s32 $0x1D630;
	s26 =	simm.s32 $0x3;
	[tilespmem:s25+$0x30] =	vst v11;
	v6 =	vmul.f32 v15, v2;
	v9 =	vmul.f32 v9, v2  }
.LBB2_5:
0x7e: {  	p0 =	sne.s32 s26, $0x4F  }
0x7f: {  	v11 =	vmov s26;
	v5 =	vmul.f32 v5, v2;
	v3 =	vmul.f32 v3, v2;
	[tilespmem:s25+$0x70] =	vst v4;
	s28 =	sadd.s32 $0x100, s28;
	s29 =	smov.u32 s26;
	s26 =	sadd.s32 $0x2, s26  }
0x80: {  	v1 =	vmul.f32 v1, v2;
	v4 =	vand.u32 $0x78, v11;
	v2 =	vmul.f32 v7, v2;
	[tilespmem:s25+$0xFFFFFFF0] =	vst v10  }
0x81: {  	v7 =	vand.u32 $0x7, v11;
	v4 =	vadd.s32 v0, v4;
	[tilespmem:s25+$0xFFFFFF80] =	vst v8  }
0x82: {  	v4 =	vor.u32 v7, v4;
	v10 =	vld [tilespmem:s28+$0xFFFFFFF0];
	[tilespmem:s25+$0xFFFFFFD0] =	vst v9  }
0x83: {  	v8 =	vld [tilespmem:s28+$0x50];
	[tilespmem:s25+$0xFFFFFFA0] =	vst v6  }
0x84: {  	v9 =	vld [tilespmem:s28+$0xFFFFFFD0];
	[tilespmem:s25+$0xFFFFFFB0] =	vst v1  }
0x85: {  	v1 =	vld [tilespmem:s28+$0xFFFFFFB0];
	[tilespmem:s25+$0xFFFFFFC0] =	vst v2  }
0x86: {  	s29 =	sadd.s32 $0xFFFFFFFF, s29;
	v6 =	vld [tilespmem:s28+$0x60];
	[tilespmem:s25+$0xFFFFFFE0] =	vst v3  }
0x87: {  	v2 =	vmov s29;
	v3 =	vld [tilespmem:s28+$0x70];
	[tilespmem:s25+$0xFFFFFF90] =	vst v5;
	s25 =	smov.u32 s28  }
0x88: {  	v5 =	vand.u32 $0x78, v2;
	v11 =	vld.idx.msk [tilespmem:v4+s16+$0x0], $0xffff  }
0x89: {  	v2 =	vand.u32 $0x6, v2;
	v4 =	vadd.s32 v0, v5;
	v5 =	vld [tilespmem:s28+$0x0]  }
0x8a: {  	v2 =	vor.u32 v2, v4;
	v7 =	vld [tilespmem:s28+$0x10]  }
0x8b: {  	v12 =	vld [tilespmem:s28+$0x20]  }
0x8c: {  	v13 =	vld [tilespmem:s28+$0x30]  }
0x8d: {  	v14 =	vld [tilespmem:s28+$0x40]  }
0x8e: {  	v4 =	vmul.f32 v3, v11;
	v15 =	vld [tilespmem:s28+$0xFFFFFF80];
	v5 =	vmul.f32 v5, v11  }
0x8f: {  	v6 =	vmul.f32 v6, v11;
	v2 =	vld.idx.msk [tilespmem:v2+s16+$0x0], $0xffff;
	v7 =	vmul.f32 v7, v11  }
0x90: {  	v16 =	vld [tilespmem:s28+$0xFFFFFFA0];
	[tilespmem:s28+$0x0] =	vst v5;
	v12 =	vmul.f32 v12, v11  }
0x91: {  	v3 =	vld [tilespmem:s28+$0xFFFFFFE0];
	v13 =	vmul.f32 v13, v11;
	[tilespmem:s28+$0x60] =	vst v6  }
.Ltmp1:
0x92: {  	v5 =	vld [tilespmem:s28+$0xFFFFFF90];
	[tilespmem:s28+$0x10] =	vst v7;
	v6 =	vmul.f32 v14, v11;
	(pc) =	sbr.rel @p0 .LBB2_5-.Ltmp1, $4  }
0x93: {  	v11 =	vmul.f32 v8, v11;
	v7 =	vld [tilespmem:s28+$0xFFFFFFC0];
	[tilespmem:s28+$0x20] =	vst v12  }
0x94: {  	[tilespmem:s28+$0x30] =	vst v13  }
0x95: {  	v8 =	vmul.f32 v15, v2;
	v10 =	vmul.f32 v10, v2;
	[tilespmem:s28+$0x40] =	vst v6  }
0x96: {  	v9 =	vmul.f32 v9, v2;
	v6 =	vmul.f32 v16, v2;
	[tilespmem:s28+$0x50] =	vst v11  }
0x97: {  	[tilespmem:s25+$0x70] =	vst v4  }
0x98: {  	[tilespmem:s25+$0xFFFFFFF0] =	vst v10  }
0x99: {  	[tilespmem:s25+$0xFFFFFF80] =	vst v8  }
0x9a: {  	v0 =	vmul.f32 v1, v2;
	[tilespmem:s25+$0xFFFFFFD0] =	vst v9  }
0x9b: {  	v3 =	vmul.f32 v3, v2;
	[tilespmem:s25+$0xFFFFFFA0] =	vst v6  }
0x9c: {  	v63 =	vmul.f32 v5, v2;
	[tilespmem:s25+$0xFFFFFFB0] =	vst v0  }
0x9d: {  	s23 =	sadd.s32 $0x1, s23;
	v62 =	vmul.f32 v7, v2;
	[tilespmem:s25+$0xFFFFFFE0] =	vst v3  }
0x9e: {  	p0 =	sne.s32 s23, $0x3E;
	[tilespmem:s25+$0xFFFFFF90] =	vst v63  }
.Ltmp2:
0x9f: {  	s24 =	sadd.s32 $0x15F90, s24;
	[tilespmem:s25+$0xFFFFFFC0] =	vst v62;
	(pc) =	sbr.rel @p0 .LBB2_2-.Ltmp2, $4  }
0xa0: {  	[spmem:s1] =	stream.indirect.scatter.add.f32 [tilespmem:s19], [sflag:$0x3], $0x80, s24, s17, $0xb8;
	[tilespmem:$0x1FDB0] =	vst v63  }
0xa1: {  	_ =	swait.ge [sflag:s13], $0x2800  }
0xa2: {  	[sflag:s13] =	ssyncset.done $0x0  }
0xa3: {  	[sflag:s13] =	ssyncadd.s32 $0xFFFFD800  }
0xa4: {  	s23 =	simm.s32 $0x1  }
0xa5: {  	_ =	swait.ge [sflag:s23], $0x2800  }
0xa6: {  	v0 =	vmov s23;
	[sflag:s23] =	ssyncset.done $0x0  }
0xa7: {  	v0 =	vand.u32 $0x7F, v0;
	[sflag:s23] =	ssyncadd.s32 $0xFFFFD800;
	s23 =	simm.s32 $0x1AE30  }
0xa8: {  	v0 =	vadd.s32 $0x26C0, v0;
	v5 =	vld [tilespmem:s23+$0xFFFFFFF0]  }
0xa9: {  	v4 =	vld [tilespmem:s23+$0x60]  }
0xaa: {  	v3 =	vld [tilespmem:s23+$0x50]  }
0xab: {  	v9 =	vld [tilespmem:s23+$0xFFFFFFD0]  }
0xac: {  	s24 =	simm.s32 $0x0;
	v7 =	vld [tilespmem:s23+$0x70]  }
0xad: {  	v1 =	vmov s24;
	v6 =	vld.idx.msk [tilespmem:v0+s16+$0x0], $0xffff  }
0xae: {  	v0 =	vand.u32 $0x7E, v1;
	v1 =	vld [tilespmem:s23+$0x0]  }
0xaf: {  	v2 =	vld [tilespmem:s23+$0x10];
	v0 =	vadd.s32 $0x26C0, v0  }
0xb0: {  	v8 =	vld [tilespmem:s23+$0x20]  }
0xb1: {  	v10 =	vld [tilespmem:s23+$0x30]  }
0xb2: {  	v11 =	vld [tilespmem:s23+$0x40]  }
0xb3: {  	v13 =	vld [tilespmem:s23+$0xFFFFFF80];
	v12 =	vmul.f32 v1, v6  }
0xb4: {  	v1 =	vld.idx.msk [tilespmem:v0+s16+$0x0], $0xffff;
	v0 =	vmul.f32 v2, v6  }
0xb5: {  	v63 =	vld [tilespmem:s23+$0xFFFFFFA0];
	v8 =	vmul.f32 v8, v6;
	[tilespmem:s23+$0x0] =	vst v12  }
0xb6: {  	v2 =	vld [tilespmem:s23+$0xFFFFFFE0];
	[tilespmem:s23+$0x10] =	vst v0;
	v0 =	vmul.f32 v10, v6  }
0xb7: {  	[tilespmem:s23+$0x20] =	vst v8;
	v8 =	vmul.f32 v11, v6;
	v11 =	vmul.f32 v4, v6;
	v4 =	vld [tilespmem:s23+$0xFFFFFF90]  }
0xb8: {  	[tilespmem:s23+$0x30] =	vst v0;
	v0 =	vld [tilespmem:s23+$0xFFFFFFB0]  }
0xb9: {  	v10 =	vmul.f32 v3, v6;
	[tilespmem:s23+$0x40] =	vst v8;
	v8 =	vmul.f32 v5, v1;
	v5 =	vld [tilespmem:s23+$0xFFFFFFC0]  }
0xba: {  	v3 =	vmul.f32 v7, v6;
	[tilespmem:s23+$0x60] =	vst v11;
	v7 =	vmul.f32 v13, v1  }
0xbb: {  	s25 =	simm.s32 $0x1AE30;
	s24 =	simm.s32 $0x3;
	[tilespmem:s23+$0x50] =	vst v10;
	v6 =	vmul.f32 v63, v1;
	v9 =	vmul.f32 v9, v1  }
.LBB2_8:
0xbc: {  	p0 =	sne.s32 s24, $0x4F  }
0xbd: {  	v10 =	vmov s24;
	v4 =	vmul.f32 v4, v1;
	v2 =	vmul.f32 v2, v1;
	[tilespmem:s23+$0x70] =	vst v3;
	s25 =	sadd.s32 $0x100, s25;
	s26 =	smov.u32 s24;
	s24 =	sadd.s32 $0x2, s24  }
0xbe: {  	v0 =	vmul.f32 v0, v1;
	v3 =	vand.u32 $0x7F, v10;
	v1 =	vmul.f32 v5, v1;
	[tilespmem:s23+$0xFFFFFFF0] =	vst v8  }
0xbf: {  	v3 =	vadd.s32 $0x26C0, v3;
	[tilespmem:s23+$0xFFFFFF80] =	vst v7  }
0xc0: {  	v8 =	vld [tilespmem:s25+$0xFFFFFFF0];
	[tilespmem:s23+$0xFFFFFFD0] =	vst v9  }
0xc1: {  	v7 =	vld [tilespmem:s25+$0x60];
	[tilespmem:s23+$0xFFFFFFA0] =	vst v6  }
0xc2: {  	v6 =	vld [tilespmem:s25+$0x50];
	[tilespmem:s23+$0xFFFFFFB0] =	vst v0  }
0xc3: {  	v0 =	vld [tilespmem:s25+$0xFFFFFFB0];
	[tilespmem:s23+$0xFFFFFFC0] =	vst v1  }
0xc4: {  	v9 =	vld [tilespmem:s25+$0xFFFFFFD0];
	[tilespmem:s23+$0xFFFFFFE0] =	vst v2  }
0xc5: {  	s26 =	sadd.s32 $0xFFFFFFFF, s26;
	v1 =	vld [tilespmem:s25+$0x70];
	[tilespmem:s23+$0xFFFFFF90] =	vst v4;
	s23 =	smov.u32 s25  }
0xc6: {  	v2 =	vmov s26;
	v10 =	vld.idx.msk [tilespmem:v3+s16+$0x0], $0xffff  }
0xc7: {  	v2 =	vand.u32 $0x7E, v2;
	v3 =	vld [tilespmem:s25+$0x0]  }
0xc8: {  	v2 =	vadd.s32 $0x26C0, v2;
	v4 =	vld [tilespmem:s25+$0x10]  }
0xc9: {  	v5 =	vld [tilespmem:s25+$0x20]  }
0xca: {  	v11 =	vld [tilespmem:s25+$0x30]  }
0xcb: {  	v12 =	vld [tilespmem:s25+$0x40]  }
0xcc: {  	v13 =	vld [tilespmem:s25+$0xFFFFFF80];
	v14 =	vmul.f32 v3, v10;
	v3 =	vmul.f32 v1, v10  }
0xcd: {  	v1 =	vld.idx.msk [tilespmem:v2+s16+$0x0], $0xffff;
	v4 =	vmul.f32 v4, v10  }
0xce: {  	v15 =	vld [tilespmem:s25+$0xFFFFFFA0];
	[tilespmem:s25+$0x0] =	vst v14;
	v5 =	vmul.f32 v5, v10  }
0xcf: {  	v2 =	vld [tilespmem:s25+$0xFFFFFFE0];
	[tilespmem:s25+$0x10] =	vst v4;
	v11 =	vmul.f32 v11, v10  }
.Ltmp3:
0xd0: {  	v4 =	vld [tilespmem:s25+$0xFFFFFF90];
	[tilespmem:s25+$0x20] =	vst v5;
	v12 =	vmul.f32 v12, v10;
	(pc) =	sbr.rel @p0 .LBB2_8-.Ltmp3, $4  }
0xd1: {  	v6 =	vmul.f32 v6, v10;
	v5 =	vld [tilespmem:s25+$0xFFFFFFC0];
	[tilespmem:s25+$0x30] =	vst v11  }
0xd2: {  	v10 =	vmul.f32 v7, v10;
	[tilespmem:s25+$0x40] =	vst v12  }
0xd3: {  	v7 =	vmul.f32 v13, v1;
	v8 =	vmul.f32 v8, v1;
	[tilespmem:s25+$0x50] =	vst v6  }
0xd4: {  	v9 =	vmul.f32 v9, v1;
	v6 =	vmul.f32 v15, v1;
	[tilespmem:s25+$0x60] =	vst v10  }
0xd5: {  	[tilespmem:s23+$0x70] =	vst v3  }
0xd6: {  	[tilespmem:s23+$0xFFFFFFF0] =	vst v8  }
0xd7: {  	[tilespmem:s23+$0xFFFFFF80] =	vst v7  }
0xd8: {  	v0 =	vmul.f32 v0, v1;
	[tilespmem:s23+$0xFFFFFFD0] =	vst v9  }
0xd9: {  	v2 =	vmul.f32 v2, v1;
	[tilespmem:s23+$0xFFFFFFA0] =	vst v6  }
0xda: {  	v63 =	vmul.f32 v4, v1;
	[tilespmem:s23+$0xFFFFFFB0] =	vst v0  }
0xdb: {  	v62 =	vmul.f32 v5, v1;
	[tilespmem:s23+$0xFFFFFFE0] =	vst v2  }
0xdc: {  	[tilespmem:s23+$0xFFFFFF90] =	vst v63  }
0xdd: {  	[tilespmem:s23+$0xFFFFFFC0] =	vst v62  }
0xde: {  	[spmem:s1] =	stream.indirect.scatter.add.f32 [tilespmem:s18], [sflag:$0x3], $0x80, s21, s17, $0xb8;
	[tilespmem:$0x1FDB0] =	vst v63  }
0xdf: {  	_ =	swait.ge [sflag:s13], $0x2800  }
0xe0: {  	s22 =	sadd.s32 $0x1, s22;
	[sflag:s13] =	ssyncset.done $0x0  }
0xe1: {  	p0 =	sne.s32 s22, s11;
	[sflag:s13] =	ssyncadd.s32 $0xFFFFD800  }
.Ltmp4:
0xe2: {  	[bflag:$0x0] =	sbarrier.arrive $0xFFFF;
	(pc) =	sbr.rel @p0 .LBB2_1-.Ltmp4, $4  }
0xe3: {  	[hbm:s10], [sflag:s6] =	dma.local [spmem:s12], $0x2710  }
0xe4: {  	_ =	swait.ge [sflag:s13], $0x2710  }
0xe5: {  	[sflag:s13] =	ssyncset.done $0x0  }
0xe6: {  	[sflag:s13] =	ssyncadd.s32 $0xFFFFD8F0  }
0xe7: {  	_ =	sfence.sel $0x180000  }
0xe8: {  	[bflag:$0x0] =	sbarrier.arrive $0xFFFF  }
0xe9: {  	p0 =	sne.s32 s2, $0x0;
	_ =	strace $0x9000004D  }
0xea: {  	s0 =	sadd.s32 @!p0 $0x100000, s0;
	[bflag:$0x2] =	sbarrier.arrive $0xFFFF  }
0xeb: {  	[sflag:s0] =	ssyncadd.tile.s32 @!p0 $0x1;
	_ =	shalt  }
.Lfunc_end2:
_tile_overlayer_lowered:
.L_overlay_start_2:
0xec: {  	(tag) =	ssettag $0x2  }
0xed: {  	s0 =	rddreg [dreg:$0x0];
	s2 =	stileid.u32  }
0xee: {  	s1 =	rddreg [dreg:$0x1];
	p0 =	sne.s32 s2, $0x0  }
0xef: {  	s3 =	rddreg [dreg:$0x2];
	[bflag:$0x3] =	sbarrier.arrive $0xFFFF;
	s2 =	simm.s32 @!p0 $0x1C03  }
0xf0: {  	[timem:s3], [sflag:s2] =	dma.local @!p0 [hbm:s0], s1  }
0xf1: {  	s0 =	simm.s32 @!p0 $0x3  }
0xf2: {  	_ =	swait.ge @!p0 [sflag:s0], s1  }
0xf3: {  	s1 =	ssub.s32 @!p0 $0x0, s1;
	[sflag:s0] =	ssyncset.done @!p0 $0x0  }
0xf4: {  	[sflag:s0] =	ssyncadd.s32 @!p0 s1  }
0xf5: {  	[bflag:$0x3] =	sbarrier.arrive $0xFFFF  }
0xf6: {  	_ =	shalt  }

// kernel: kernel.8.cloned.1.call-start
scs
__scs_entry_jumppad:
0x0: {  	(pc) =	sbr.rel $0x88, $3  }
0x1: {  	(tag) =	ssettag $0x0;
	lr =	simm.s32 $0x1  }
0x2: {  	[smem:$0x3F98] =	sst lr;
	_ =	strace $0xD0000000  }
0x3: {  	_ = 	snop  }
0x4: {  	_ = 	snop  }
0x5: {  	_ = 	snop  }
0x6: {  	_ = 	snop  }
0x7: {  	_ = 	snop  }
__scs_overlays_trampoline_lowered:
0x8: {  	[smem:$0x3FA7] =	sst s0  }
0x9: {  	[smem:$0x3FA8] =	sst s1  }
0xa: {  	[smem:$0x3FA9] =	sst s2  }
0xb: {  	[smem:$0x3FAA] =	sst s3  }
0xc: {  	[smem:$0x3FAB] =	sst s4  }
0xd: {  	[smem:$0x3FAC] =	sst s5  }
0xe: {  	[smem:$0x3FAD] =	sst s6  }
0xf: {  	[smem:$0x3FAE] =	sst s7  }
0x10: {  	[smem:$0x3FAF] =	sst s8  }
0x11: {  	[smem:$0x3FB0] =	sst s9;
	s0 =	simm.s32 @!p0 $0x0  }
0x12: {  	s1 =	sld [smem:$0x3F96];
	s0 =	simm.s32 @p0 $0x1  }
0x13: {  	[smem:$0x3FB1] =	sst s0;
	s0 =	simm.s32 @!p1 $0x0  }
0x14: {  	s2 =	sld [smem:$0x3F95];
	s0 =	simm.s32 @p1 $0x1  }
0x15: {  	[smem:$0x3FB2] =	sst s0;
	s0 =	simm.s32 @!p2 $0x0  }
0x16: {  	s3 =	sld [smem:$0x3FDB];
	s0 =	simm.s32 @p2 $0x1  }
0x17: {  	s4 =	simm.s32 $0x1BF5;
	[smem:$0x3FB4] =	sst s0  }
0x18: {  	s0 =	sld [smem:$0x3F97];
	_ =	swait.ge [sflag:s4], $0x0  }
0x19: {  	s7 =	sld [smem:$0x3F98]  }
0x1a: {  	s8 =	sadd.s32 $0xFFFFE003, lr  }
0x1b: {  	s9 =	sadd.s32 $0xFFFFFEF7, lr;
	s5 =	simm.s32 $0xFFFFFFFF;
	p2 =	slt.u32 s8, $0xFFFFF086  }
0x1c: {  	p1 =	slt.u32 s9, $0xF7A;
	s5 =	simm.s32 @!p2 $0x0  }
0x1d: {  	s5 =	simm.s32 @p1 $0x1;
	p0 =	seq.s32 s7, s2  }
0x1e: {  	s7 =	smul.u32 @!p0 $0xF7A, s2;
	p2 =	seq.s32 @!p0 s5, $0x0  }
0x1f: {  	s9 =	smul.u32 $0xF7A, s1;
	s8 =	simm.s32 @!p0 $0x1BF5;
	p2 =	por !p2, p0  }
0x20: {  	[sflag:s8] =	ssyncset.s32 @!p0 $0xFFFFF086;
	s6 =	sadd.s32 @!p0 s3, s7;
	s7 =	simm.s32 @!p0 $0x108  }
0x21: {  	s3 =	sadd.s32 s3, s9;
	s6 =	sadd.s32 @!p0 $0x88, s6;
	s7 =	simm.s32 @p2 $0x1082  }
0x22: {  	[simem:s7], [sflag:s8] =	dma.local @!p0 [hbm:s6], $0xF7A  }
0x23: {  	s9 =	sor.u32 $0xD0000000, s2;
	s6 =	simm.s32 $0x108;
	_ =	swait.ge @!p0 [sflag:s8], $0x0  }
0x24: {  	s3 =	sadd.s32 $0x88, s3;
	s6 =	simm.s32 @!p1 $0x1082;
	[sflag:s4] =	ssyncset.s32 $0xFFFFF086  }
0x25: {  	[simem:s6], [sflag:s4] =	dma.local [hbm:s3], $0xF7A  }
0x26: {  	[smem:$0x3F98] =	sst s1;
	(tag) =	ssettag s2;
	_ =	strace s9  }
0x27: {  	s1 =	sld [smem:$0x3FA8]  }
0x28: {  	s2 =	sld [smem:$0x3FA9]  }
0x29: {  	s4 =	sld [smem:$0x3FAB]  }
0x2a: {  	p0 =	seq.s32 s5, $0x0;
	s5 =	sld [smem:$0x3FAC]  }
0x2b: {  	s6 =	sld [smem:$0x3FAD]  }
0x2c: {  	s7 =	sld [smem:$0x3FAE]  }
0x2d: {  	s3 =	simm.s32 $0x108;
	s8 =	sld [smem:$0x3FAF]  }
0x2e: {  	s3 =	simm.s32 @!p0 $0x1082;
	s9 =	sld [smem:$0x3FB0]  }
0x2f: {  	lr =	sadd.s32 s0, s3;
	s0 =	sld [smem:$0x3FA7]  }
0x30: {  	s3 =	sld [smem:$0x3FAA]  }
0x31: {  	[smem:$0x3FB3] =	sst s10  }
0x32: {  	s10 =	sld [smem:$0x3FB1];
	_ =	sdelay $0x3  }
0x33: {  	p0 =	seq.s32 s10, $0x1;
	s10 =	sld [smem:$0x3FB3];
	_ =	sdelay $0x3  }
0x34: {  	[smem:$0x3FB3] =	sst s10  }
0x35: {  	s10 =	sld [smem:$0x3FB2];
	_ =	sdelay $0x3  }
0x36: {  	p1 =	seq.s32 s10, $0x1;
	s10 =	sld [smem:$0x3FB3];
	_ =	sdelay $0x3  }
0x37: {  	[smem:$0x3FB3] =	sst s10  }
0x38: {  	s10 =	sld [smem:$0x3FB4]  }
0x39: {  	_ = 	snop;
	(pc) =	sbr.ind lr, $3  }
0x3a: {  	_ = 	snop  }
0x3b: {  	_ = 	snop  }
0x3c: {  	p2 =	seq.s32 s10, $0x1;
	s10 =	sld [smem:$0x3FB3]  }
0x3d: {  	_ =	shalt  }
0x3e: {  	_ =	shalt  }
0x3f: {  	_ =	shalt  }
0x40: {  	_ =	shalt  }
0x41: {  	_ =	shalt  }
0x42: {  	_ =	shalt  }
0x43: {  	_ =	shalt  }
0x44: {  	_ =	shalt  }
0x45: {  	_ =	shalt  }
0x46: {  	_ =	shalt  }
0x47: {  	_ =	shalt  }
0x48: {  	_ =	shalt  }
0x49: {  	_ =	shalt  }
0x4a: {  	_ =	shalt  }
0x4b: {  	_ =	shalt  }
0x4c: {  	_ =	shalt  }
0x4d: {  	_ =	shalt  }
0x4e: {  	_ =	shalt  }
0x4f: {  	_ =	shalt  }
0x50: {  	_ =	shalt  }
0x51: {  	_ =	shalt  }
0x52: {  	_ =	shalt  }
0x53: {  	_ =	shalt  }
0x54: {  	_ =	shalt  }
0x55: {  	_ =	shalt  }
0x56: {  	_ =	shalt  }
0x57: {  	_ =	shalt  }
0x58: {  	_ =	shalt  }
0x59: {  	_ =	shalt  }
0x5a: {  	_ =	shalt  }
0x5b: {  	_ =	shalt  }
0x5c: {  	_ =	shalt  }
0x5d: {  	_ =	shalt  }
0x5e: {  	_ =	shalt  }
0x5f: {  	_ =	shalt  }
0x60: {  	_ =	shalt  }
0x61: {  	_ =	shalt  }
0x62: {  	_ =	shalt  }
0x63: {  	_ =	shalt  }
0x64: {  	_ =	shalt  }
0x65: {  	_ =	shalt  }
0x66: {  	_ =	shalt  }
0x67: {  	_ =	shalt  }
0x68: {  	_ =	shalt  }
0x69: {  	_ =	shalt  }
0x6a: {  	_ =	shalt  }
0x6b: {  	_ =	shalt  }
0x6c: {  	_ =	shalt  }
0x6d: {  	_ =	shalt  }
0x6e: {  	_ =	shalt  }
0x6f: {  	_ =	shalt  }
0x70: {  	_ =	shalt  }
0x71: {  	_ =	shalt  }
0x72: {  	_ =	shalt  }
0x73: {  	_ =	shalt  }
0x74: {  	_ =	shalt  }
0x75: {  	_ =	shalt  }
0x76: {  	_ =	shalt  }
0x77: {  	_ =	shalt  }
0x78: {  	_ =	shalt  }
0x79: {  	_ =	shalt  }
0x7a: {  	_ =	shalt  }
0x7b: {  	_ =	shalt  }
0x7c: {  	_ =	shalt  }
0x7d: {  	_ =	shalt  }
0x7e: {  	_ =	shalt  }
0x7f: {  	_ =	shalt  }
0x80: {  	_ =	shalt  }
0x81: {  	_ =	shalt  }
0x82: {  	_ =	shalt  }
0x83: {  	_ =	shalt  }
0x84: {  	_ =	shalt  }
0x85: {  	_ =	shalt  }
0x86: {  	_ =	shalt  }
0x87: {  	_ =	shalt  }
.Lfunc_end0:
.L_simem_size_0:
called_computation_lowered:
.L_overlay_start_0:
0x88: {  	s2 =	sld [smem:$0x3FD9]  }
0x89: {  	s3 =	sld [smem:$0x3FFE];
	_ =	sdelay $0x1  }
0x8a: {  	s1 =	srdreg.scid  }
0x8b: {  	s0 =	sand.u32 $0x1, s1  }
0x8c: {  	s17 =	sshll.u32 s0, $0xA;
	s2 =	sadd.s32 s3, s2  }
0x8d: {  	s2 =	sadd.s32 s2, s17  }
0x8e: {  	[smem:$0x3FBF] =	sst s2  }
0x8f: {  	_ = 	snop  }
0x90: {  	s2 =	sld [smem:$0x3FC7]  }
0x91: {  	s18 =	sld [smem:$0x3FD0];
	(tm) =	ssettm $0x1  }
0x92: {  	s4 =	sld [smem:$0x3FFB];
	_ =	sdelay $0x3  }
0x93: {  	_ =	strace s4  }
0x94: {  	s4 =	sld [smem:$0x3FFC];
	_ =	sdelay $0x3  }
0x95: {  	_ =	strace s4  }
0x96: {  	s4 =	sld [smem:$0x3FFD];
	_ =	sdelay $0x3  }
0x97: {  	_ =	strace s4  }
0x98: {  	_ =	strace $0x8FFFFFFF  }
0x99: {  	s19 =	sld [smem:$0x3FDB];
	_ =	sdelay $0x1  }
0x9a: {  	s5 =	simm.s32 $_scs_section_size  }
0x9b: {  	s6 =	simm.s32 $_size__tile_overlayer_lowered;
	s7 =	simm.s32 $_tile_overlayer_lowered  }
0x9c: {  	s22 =	simm.s32 $0x1BFF;
	s21 =	sshll.u32 s7, $0x1;
	s4 =	sadd.s32 s5, s19  }
0x9d: {  	s8 =	simm.s32 $0x0;
	s20 =	sshll.u32 s6, $0x1;
	s6 =	sadd.s32 s21, s4  }
0x9e: {  	[timem:s8], [sflag:s22] =	dma.local [hbm:s6], s20  }
0x9f: {  	_ =	swait.ge [sflag:s22], s20  }
0xa0: {  	s5 =	ssub.s32 $0x0, s20;
	[sflag:s22] =	ssyncset.done $0x0  }
0xa1: {  	[sflag:s22] =	ssyncadd.s32 s5;
	_ =	sdelay $0x1  }
0xa2: {  	s23 =	simm.s32 $0x1B8B  }
0xa3: {  	_ =	swait.ge [sflag:s23], $0x1  }
0xa4: {  	[sflag:s23] =	ssyncset.done $0x0  }
0xa5: {  	s25 =	simm.s32 $0x1B8E;
	s24 =	sld [smem:$0x3FFE];
	[sflag:s23] =	ssyncadd.s32 $0xFFFFFFFF  }
0xa6: {  	s26 =	simm.s32 $execute0_lowered;
	[smem:$0x3FD2] =	sst s25  }
0xa7: {  	s6 =	sshll.u32 s26, $0x1;
	_ =	strace $0x80000046;
	[dreg:$0x1] =	wrdreg $0xFFFFFFFF  }
0xa8: {  	s28 =	simm.s32 $_size_execute0_lowered;
	s4 =	sadd.s32 s4, s6;
	[dreg:$0x0] =	wrdreg $0x0  }
0xa9: {  	s6 =	sshll.u32 s28, $0x1;
	[dreg:$0x2] =	wrdreg s4  }
0xaa: {  	[dreg:$0x3] =	wrdreg s6  }
0xab: {  	[dreg:$0x4] =	wrdreg $0xC0  }
0xac: {  	_ =	task [dreg:s8], $0x5FFFF  }
0xad: {  	[dreg:$0x1] =	wrdreg $0xFFFFFFFF  }
0xae: {  	[dreg:$0x0] =	wrdreg $0x60  }
0xaf: {  	[dreg:$0x2] =	wrdreg s2  }
0xb0: {  	[dreg:$0x3] =	wrdreg s24  }
0xb1: {  	[dreg:$0x4] =	wrdreg s18  }
0xb2: {  	[dreg:$0x5] =	wrdreg $0x0  }
0xb3: {  	[dreg:$0x6] =	wrdreg $0x9  }
0xb4: {  	_ =	task.clear_ibuf [dreg:s8], $0x7FFFF;
	_ =	strace $0x90000046  }
0xb5: {  	s29 =	simm.s32 $0x9;
	_ =	strace $0x80000048  }
0xb6: {  	_ =	swait.ge [sflag:s29], $0x1  }
0xb7: {  	[sflag:s29] =	ssyncadd.s32 $0xFFFFFFFF  }
0xb8: {  	_ =	strace $0x90000048  }
0xb9: {  	_ =	sfence  }
0xba: {  	s30 =	sld [smem:$0x0];
	_ =	sdelay $0x2  }
0xbb: {  	s31 =	sshll.u32 s1, $0xD;
	s1 =	sshrl.u32 s1, $0x2  }
0xbc: {  	s3 =	sand.u32 $0x4000, s31;
	s1 =	sadd.s32 s1, s30  }
0xbd: {  	s0 =	sor.u32 s3, s0;
	s1 =	sshll.u32 s1, $0x11  }
0xbe: {  	s0 =	sor.u32 s1, s0  }
0xbf: {  	s0 =	sadd.s32 $0x8F2B, s0  }
0xc0: {  	[sflag:s0] =	ssyncadd.remote.s32 $0x1  }
0xc1: {  	_ =	sfence.sel $0xFFFF  }
0xc2: {  	[dreg:$0x0] =	wrdreg $0xFFFFFFFF;
	(pc) =	sbr.abs _section_cstart, $3  }
0xc3: {  	[dreg:$0x1] =	wrdreg $0xFFFFFFFF  }
0xc4: {  	_ =	task.clear_ibuf [dreg:s8], $0x2FFFF;
	_ =	strace $0x9FFFFFFF  }
0xc5: {  	(tm) =	ssettm $0x7FFFFFFF  }
tec
execute0_lowered:
.L_overlay_start_1:
0x0: {  	(tag) =	ssettag $0x1  }
0x1: {  	s1 =	rddreg [dreg:$0x0]  }
0x2: {  	s8 =	rddreg [dreg:$0x1]  }
0x3: {  	s2 =	rddreg [dreg:$0x2]  }
0x4: {  	s3 =	rddreg [dreg:$0x3]  }
0x5: {  	s0 =	rddreg [dreg:$0x4];
	s4 =	simm.s32 $0x0  }
0x6: {  	s7 =	srdreg.scid;
	s5 =	stileid.u32;
	s14 =	simm.s32 $0x1  }
0x7: {  	s15 =	simm.s32 $0x14C08;
	s16 =	simm.s32 $0x153D8;
	s17 =	simm.s32 $0x50  }
0x8: {  	s18 =	simm.s32 $0x17AE8;
	s19 =	simm.s32 $0x1388;
	s20 =	simm.s32 $0x15BA8  }
0x9: {  	s21 =	simm.s32 $0x17318;
	s22 =	simm.s32 $0x16B48;
	s23 =	simm.s32 $0x0  }
0xa: {  	[smem:$0x7FF] =	sst s4;
	s6 =	sadd.s32 $0x2200, s8;
	s9 =	sand.u32 $0x1, s7  }
0xb: {  	s7 =	sadd.s32 $0xC000, s8;
	s11 =	smul.u32 $0x4E20, s5;
	s8 =	sadd.s32 $0x15E00, s8  }
0xc: {  	s13 =	sshll.u32 s5, $0x1;
	_ =	strace $0x80000047;
	s10 =	ssub.s32 $0x2, s9  }
0xd: {  	s13 =	sor.u32 s9, s13;
	s12 =	sshrl.u32 s10, $0x1;
	s11 =	sshrl.u32 s11, $0x2  }
0xe: {  	s9 =	smul.u32 $0xFA, s5;
	s12 =	ssub.s32 s10, s12;
	s10 =	sadd.s32 s11, s3  }
0xf: {  	v0 =	vimm.f32 $1.000000000e+00;
	v1 =	vimm.f32 $0.0e+00;
	s11 =	smul.u32 $0x7D, s13;
	s13 =	simm.s32 $0x17B38;
	s12 =	smax.u32 s12, $0x1  }
.LBB2_1:
0x10: {  	[tilespmem:$0x17AE8] =	vst v0  }
0x11: {  	[tilespmem:$0x17AF8] =	vst v0  }
0x12: {  	[tilespmem:$0x17B08] =	vst v0  }
0x13: {  	[tilespmem:$0x17B18] =	vst v0  }
0x14: {  	[tilespmem:$0x17B28] =	vst v0;
	s24 =	simm.s32 $0x40;
	s25 =	simm.s32 $0x0  }
.LBB2_2:
0x15: {  	p0 =	sne.s32 s24, $0x4E00;
	[tilespmem:s25+$0x17B38] =	vst v1;
	s25 =	smov.u32 s24;
	s24 =	sadd.s32 $0x40, s24  }
.Ltmp0:
0x16: {  	(pc) =	sbr.rel @p0 .LBB2_2-.Ltmp0, $2  }
0x17: {  	_ =	sdelay $0x2  }
0x18: {  	s25 =	sshra.s32 s25, $0x2  }
0x19: {  	[tilespmem:s25+$0x17B38] =	vst v1  }
0x1a: {  	[spmem:s10] =	stream.linear.scatter [tilespmem:s13], [sflag:$0x1], $0x1388, $0x38;
	[tilespmem:$0x18EC8] =	vst v63  }
0x1b: {  	_ =	swait.ge [sflag:s14], $0x1388  }
0x1c: {  	[sflag:s14] =	ssyncset.done $0x0  }
0x1d: {  	[sflag:s14] =	ssyncadd.s32 $0xFFFFEC78  }
0x1e: {  	s24 =	simm.s32 $0x0;
	s25 =	simm.s32 $0x0;
	[bflag:$0x0] =	sbarrier.arrive $0xFFFF  }
.LBB2_4:
0x1f: {  	s26 =	smul.u32 $0x19, s25;
	_ =	sdelay $0x1  }
0x20: {  	s26 =	sadd.s32 s9, s26  }
0x21: {  	s26 =	smul.u32 $0xA, s26;
	_ =	sdelay $0x1  }
0x22: {  	s28 =	sadd.s32 s1, s26  }
0x23: {  	[tilespmem:s15], [sflag:$0x1] =	stream.linear.gather [hbm4b:s28+s24], $0x7D0, $0x38;
	[tilespmem:$0x18EC8] =	vst v63  }
0x24: {  	_ =	swait.ge [sflag:s14], $0x7D0  }
0x25: {  	[sflag:s14] =	ssyncset.done $0x0  }
0x26: {  	s26 =	sadd.s32 s6, s26;
	[sflag:s14] =	ssyncadd.s32 $0xFFFFF830  }
0x27: {  	[tilespmem:s16], [sflag:$0x1] =	stream.linear.gather [hbm4b:s26+s24], $0x7D0, $0x38;
	[tilespmem:$0x18EC8] =	vst v63  }
0x28: {  	_ =	swait.ge [sflag:s14], $0x7D0  }
0x29: {  	[sflag:s14] =	ssyncset.done $0x0  }
0x2a: {  	s26 =	simm.s32 $0x0;
	[sflag:s14] =	ssyncadd.s32 $0xFFFFF830  }
0x2b: {  	v3 =	vld [tilespmem:s26+$0x14C48]  }
0x2c: {  	v6 =	vld [tilespmem:s26+$0x14C08]  }
0x2d: {  	v7 =	vld [tilespmem:s26+$0x15418]  }
0x2e: {  	v8 =	vld [tilespmem:s26+$0x14C18]  }
0x2f: {  	v9 =	vld [tilespmem:s26+$0x14C28]  }
0x30: {  	v2 =	vld [tilespmem:s26+$0x14C38]  }
0x31: {  	v5 =	vld [tilespmem:s26+$0x153D8];
	v3 =	vmul.u32 $0x2710, v3  }
0x32: {  	v4 =	vld [tilespmem:s26+$0x153E8]  }
0x33: {  	v7 =	vadd.s32 v7, v3;
	v3 =	vld [tilespmem:s26+$0x153F8]  }
0x34: {  	s29 =	simm.s32 $0x280;
	s28 =	simm.s32 $0x50;
	v8 =	vmul.u32 $0x2710, v8;
	v9 =	vmul.u32 $0x2710, v9;
	[tilespmem:s26+$0x163B8] =	vst v7;
	v7 =	vmul.u32 $0x2710, v6;
	v6 =	vld [tilespmem:s26+$0x15408]  }
.LBB2_5:
0x35: {  	p0 =	sne.s32 s29, $0x1E00;
	v10 =	vld [tilespmem:s28+$0x14C48];
	v2 =	vmul.u32 $0x2710, v2  }
0x36: {  	v11 =	vld [tilespmem:s28+$0x14C08];
	v5 =	vadd.s32 v5, v7  }
0x37: {  	v12 =	vld [tilespmem:s28+$0x15418];
	[tilespmem:s26+$0x16378] =	vst v5;
	v4 =	vadd.s32 v4, v8  }
0x38: {  	v8 =	vld [tilespmem:s28+$0x14C18];
	[tilespmem:s26+$0x16388] =	vst v4;
	v3 =	vadd.s32 v3, v9  }
0x39: {  	v9 =	vld [tilespmem:s28+$0x14C28];
	[tilespmem:s26+$0x16398] =	vst v3;
	v3 =	vadd.s32 v6, v2  }
.Ltmp1:
0x3a: {  	v2 =	vld [tilespmem:s28+$0x14C38];
	v6 =	vmul.u32 $0x2710, v10;
	[tilespmem:s26+$0x163A8] =	vst v3;
	s26 =	smov.u32 s28;
	(pc) =	sbr.rel @p0 .LBB2_5-.Ltmp1, $4  }
0x3b: {  	v7 =	vmul.u32 $0x2710, v11;
	v5 =	vld [tilespmem:s26+$0x153D8]  }
0x3c: {  	v4 =	vld [tilespmem:s26+$0x153E8];
	v6 =	vadd.s32 v12, v6  }
0x3d: {  	v8 =	vmul.u32 $0x2710, v8;
	v3 =	vld [tilespmem:s26+$0x153F8];
	[tilespmem:s26+$0x163B8] =	vst v6  }
0x3e: {  	s28 =	sshra.s32 s29, $0x2;
	s29 =	sadd.s32 $0x140, s29;
	v9 =	vmul.u32 $0x2710, v9;
	v6 =	vld [tilespmem:s26+$0x15408]  }
0x3f: {  	v10 =	vld [tilespmem:s28+$0x14C48]  }
0x40: {  	v11 =	vld [tilespmem:s28+$0x14C08];
	v5 =	vadd.s32 v5, v7  }
0x41: {  	v59 =	vld [tilespmem:s28+$0x15418];
	v2 =	vmul.u32 $0x2710, v2;
	[tilespmem:s26+$0x16378] =	vst v5;
	v4 =	vadd.s32 v4, v8  }
0x42: {  	v5 =	vld [tilespmem:s28+$0x14C18];
	[tilespmem:s26+$0x16388] =	vst v4;
	v3 =	vadd.s32 v3, v9  }
0x43: {  	v4 =	vld [tilespmem:s28+$0x14C28];
	[tilespmem:s26+$0x16398] =	vst v3;
	v2 =	vadd.s32 v6, v2  }
0x44: {  	v3 =	vld [tilespmem:s28+$0x14C38];
	[tilespmem:s26+$0x163A8] =	vst v2  }
0x45: {  	v2 =	vmul.u32 $0x2710, v10;
	v60 =	vld [tilespmem:s28+$0x153D8]  }
0x46: {  	v61 =	vld [tilespmem:s28+$0x153E8]  }
0x47: {  	v62 =	vld [tilespmem:s28+$0x153F8];
	v2 =	vadd.s32 v59, v2  }
0x48: {  	v63 =	vld [tilespmem:s28+$0x15408];
	[tilespmem:s28+$0x163B8] =	vst v2;
	v2 =	vmul.u32 $0x2710, v11  }
0x49: {  	v5 =	vmul.u32 $0x2710, v5  }
0x4a: {  	v4 =	vmul.u32 $0x2710, v4;
	v2 =	vadd.s32 v60, v2  }
0x4b: {  	v3 =	vmul.u32 $0x2710, v3;
	[tilespmem:s28+$0x16378] =	vst v2;
	v2 =	vadd.s32 v61, v5  }
0x4c: {  	[tilespmem:s28+$0x16388] =	vst v2;
	v2 =	vadd.s32 v62, v4  }
0x4d: {  	[tilespmem:s28+$0x16398] =	vst v2;
	v2 =	vadd.s32 v63, v3  }
0x4e: {  	s31 =	simm.s32 $0x16378;
	[tilespmem:s28+$0x163A8] =	vst v2  }
0x4f: {  	[spmem:s3] =	stream.indirect.scatter.add.f32 [tilespmem:s18], [sflag:$0x1], $0x1, s31, s17, $0xb8;
	[tilespmem:$0x18EC8] =	vst v63  }
0x50: {  	s26 =	simm.s32 $0x140;
	_ =	swait.ge [sflag:s14], $0x50  }
.LBB2_7:
0x51: {  	s28 =	sshra.s32 s26, $0x2;
	[sflag:s14] =	ssyncset.done $0x0;
	p0 =	sne.s32 s26, $0x1E00  }
.Ltmp2:
0x52: {  	s28 =	sadd.s32 $0x16378, s28;
	[sflag:s14] =	ssyncadd.s32 $0xFFFFFFB0;
	(pc) =	sbr.rel @p0 .LBB2_7-.Ltmp2, $3  }
0x53: {  	[spmem:s3] =	stream.indirect.scatter.add.f32 [tilespmem:s18], [sflag:$0x1], $0x1, s28, s17, $0xb8;
	[tilespmem:$0x18EC8] =	vst v63  }
0x54: {  	s26 =	sadd.s32 $0x140, s26;
	_ =	sdelay $0x1  }
0x55: {  	_ =	swait.ge [sflag:s14], $0x50  }
0x56: {  	s25 =	sadd.s32 $0x1, s25  }
0x57: {  	p0 =	sne.s32 s25, $0xA  }
.Ltmp3:
0x58: {  	_ = 	snop;
	(pc) =	sbr.rel @p0 .LBB2_4-.Ltmp3, $3  }
0x59: {  	_ =	sdelay $0x1  }
0x5a: {  	[sflag:s14] =	ssyncset.done $0x0  }
0x5b: {  	[sflag:s14] =	ssyncadd.s32 $0xFFFFFFB0  }
0x5c: {  	[bflag:$0x0] =	sbarrier.arrive $0xFFFF  }
0x5d: {  	[tilespmem:s19], [sflag:$0x1] =	stream.linear.gather [spmem:s3], $0x13880, $0x38;
	[tilespmem:$0x18EC8] =	vst v63  }
0x5e: {  	_ =	swait.ge [sflag:s14], $0x13880  }
0x5f: {  	[sflag:s14] =	ssyncset.done $0x0  }
0x60: {  	s24 =	simm.s32 $0x0;
	s25 =	simm.s32 $0x0;
	[sflag:s14] =	ssyncadd.s32 $0xFFFEC780  }
.LBB2_10:
0x61: {  	s26 =	smul.u32 $0x19, s25;
	_ =	sdelay $0x1  }
0x62: {  	s26 =	sadd.s32 s11, s26  }
0x63: {  	s26 =	smul.u32 $0xA, s26;
	_ =	sdelay $0x1  }
0x64: {  	s28 =	sadd.s32 s1, s26  }
0x65: {  	[tilespmem:s15], [sflag:$0x1] =	stream.linear.gather [hbm4b:s28+s24], $0x7D0, $0x38;
	[tilespmem:$0x18EC8] =	vst v63  }
0x66: {  	_ =	swait.ge [sflag:s14], $0x7D0  }
0x67: {  	[sflag:s14] =	ssyncset.done $0x0  }
0x68: {  	s28 =	sadd.s32 s6, s26;
	[sflag:s14] =	ssyncadd.s32 $0xFFFFF830  }
0x69: {  	[tilespmem:s16], [sflag:$0x1] =	stream.linear.gather [hbm4b:s28+s24], $0x7D0, $0x38;
	[tilespmem:$0x18EC8] =	vst v63  }
0x6a: {  	_ =	swait.ge [sflag:s14], $0x7D0  }
0x6b: {  	[sflag:s14] =	ssyncset.done $0x0  }
0x6c: {  	s28 =	sadd.s32 s2, s26;
	[sflag:s14] =	ssyncadd.s32 $0xFFFFF830  }
0x6d: {  	[tilespmem:s20], [sflag:$0x1] =	stream.linear.gather [hbm4b:s28+s24], $0x7D0, $0x38;
	[tilespmem:$0x18EC8] =	vst v63  }
0x6e: {  	_ =	swait.ge [sflag:s14], $0x7D0  }
0x6f: {  	[sflag:s14] =	ssyncset.done $0x0  }
0x70: {  	s28 =	simm.s32 $0x0;
	[sflag:s14] =	ssyncadd.s32 $0xFFFFF830  }
0x71: {  	v2 =	vld [tilespmem:s28+$0x14C08];
	_ =	sdelay $0x1  }
0x72: {  	v3 =	vld [tilespmem:s28+$0x153D8];
	_ =	sdelay $0x2  }
0x73: {  	v2 =	vmul.u32 $0x2710, v2;
	_ =	sdelay $0x1  }
0x74: {  	v3 =	vadd.s32 v3, v2;
	_ =	sdelay $0x3  }
0x75: {  	v4 =	vld [tilespmem:s28+$0x15BA8]  }
0x76: {  	v3 =	vld.idx.msk [tilespmem:v3+s19+$0x0], $0xffff;
	_ =	sdelay $0x3  }
0x77: {  	v2 =	vadd.s32 v2, v4  }
0x78: {  	[tilespmem:s28+$0x16B48] =	vst v2;
	v2 =	vmax.f32 v3, $1.000000000e+00;
	v3 =	vld [tilespmem:s28+$0x14C18]  }
0x79: {  	(erf) = vrcp.f32 v2  }
0x7a: {  	v2 =	vld [tilespmem:s28+$0x153E8];
	_ =	sdelay $0x2  }
0x7b: {  	v3 =	vmul.u32 $0x2710, v3;
	_ =	sdelay $0x1  }
0x7c: {  	v2 =	vadd.s32 v2, v3;
	_ =	sdelay $0x2  }
0x7d: {  	v5 =	vpop (erf)  }
0x7e: {  	v58 =	vld [tilespmem:s28+$0x15BB8];
	[tilespmem:s28+$0x17318] =	vst v5  }
0x7f: {  	v2 =	vld.idx.msk [tilespmem:v2+s19+$0x0], $0xffff;
	_ =	sdelay $0x3  }
0x80: {  	v3 =	vadd.s32 v3, v58  }
0x81: {  	[tilespmem:s28+$0x16B58] =	vst v3;
	v3 =	vld [tilespmem:s28+$0x14C28];
	v2 =	vmax.f32 v2, $1.000000000e+00  }
0x82: {  	(erf) = vrcp.f32 v2  }
0x83: {  	v2 =	vld [tilespmem:s28+$0x153F8];
	_ =	sdelay $0x2  }
0x84: {  	v3 =	vmul.u32 $0x2710, v3;
	_ =	sdelay $0x1  }
0x85: {  	v2 =	vadd.s32 v2, v3;
	_ =	sdelay $0x2  }
0x86: {  	v59 =	vpop (erf)  }
0x87: {  	[tilespmem:s28+$0x17328] =	vst v59  }
0x88: {  	v2 =	vld.idx.msk [tilespmem:v2+s19+$0x0], $0xffff;
	_ =	sdelay $0x4  }
0x89: {  	v60 =	vld [tilespmem:s28+$0x14C38];
	v2 =	vmax.f32 v2, $1.000000000e+00  }
0x8a: {  	v61 =	vld [tilespmem:s28+$0x15BC8];
	(erf) = vrcp.f32 v2  }
0x8b: {  	v2 =	vld [tilespmem:s28+$0x15408];
	_ =	sdelay $0x2  }
0x8c: {  	v4 =	vmul.u32 $0x2710, v60;
	_ =	sdelay $0x1  }
0x8d: {  	v3 =	vadd.s32 v3, v61;
	v2 =	vadd.s32 v2, v4;
	_ =	sdelay $0x2  }
0x8e: {  	[tilespmem:s28+$0x16B68] =	vst v3;
	v3 =	vpop (erf)  }
0x8f: {  	[tilespmem:s28+$0x17338] =	vst v3  }
0x90: {  	v2 =	vld.idx.msk [tilespmem:v2+s19+$0x0], $0xffff;
	_ =	sdelay $0x4  }
0x91: {  	v3 =	vld [tilespmem:s28+$0x14C48];
	v2 =	vmax.f32 v2, $1.000000000e+00  }
0x92: {  	(erf) = vrcp.f32 v2  }
0x93: {  	v2 =	vld [tilespmem:s28+$0x15418];
	_ =	sdelay $0x1  }
0x94: {  	v62 =	vld [tilespmem:s28+$0x15BD8]  }
0x95: {  	v3 =	vmul.u32 $0x2710, v3;
	_ =	sdelay $0x1  }
0x96: {  	v2 =	vadd.s32 v2, v3;
	_ =	sdelay $0x1  }
0x97: {  	v4 =	vadd.s32 v4, v62  }
0x98: {  	v6 =	vld [tilespmem:s28+$0x15BE8];
	[tilespmem:s28+$0x16B78] =	vst v4;
	v63 =	vpop (erf)  }
0x99: {  	[tilespmem:s28+$0x17348] =	vst v63  }
0x9a: {  	v2 =	vld.idx.msk [tilespmem:v2+s19+$0x0], $0xffff;
	_ =	sdelay $0x2  }
0x9b: {  	v3 =	vadd.s32 v3, v6  }
0x9c: {  	s30 =	simm.s32 $0x50;
	s29 =	simm.s32 $0x280;
	[tilespmem:s28+$0x16B88] =	vst v3  }
.LBB2_11:
0x9d: {  	p0 =	sne.s32 s29, $0x1E00;
	v3 =	vld [tilespmem:s30+$0x14C08];
	v2 =	vmax.f32 v2, $1.000000000e+00  }
0x9e: {  	(erf) = vrcp.f32 v2  }
0x9f: {  	v2 =	vld [tilespmem:s30+$0x153D8];
	_ =	sdelay $0x2  }
0xa0: {  	v3 =	vmul.u32 $0x2710, v3  }
0xa1: {  	v4 =	vld [tilespmem:s30+$0x15BA8]  }
0xa2: {  	v2 =	vadd.s32 v2, v3;
	_ =	sdelay $0x2  }
0xa3: {  	v5 =	vpop (erf)  }
0xa4: {  	v3 =	vadd.s32 v3, v4;
	[tilespmem:s28+$0x17358] =	vst v5;
	s28 =	smov.u32 s30  }
0xa5: {  	v2 =	vld.idx.msk [tilespmem:v2+s19+$0x0], $0xffff;
	[tilespmem:s28+$0x16B48] =	vst v3;
	_ =	sdelay $0x5  }
0xa6: {  	v2 =	vmax.f32 v2, $1.000000000e+00;
	v3 =	vld [tilespmem:s28+$0x14C18]  }
0xa7: {  	(erf) = vrcp.f32 v2  }
0xa8: {  	v2 =	vld [tilespmem:s28+$0x153E8];
	_ =	sdelay $0x2  }
0xa9: {  	v3 =	vmul.u32 $0x2710, v3  }
0xaa: {  	v4 =	vld [tilespmem:s28+$0x15BB8]  }
0xab: {  	v2 =	vadd.s32 v2, v3;
	_ =	sdelay $0x2  }
0xac: {  	v5 =	vpop (erf)  }
0xad: {  	[tilespmem:s28+$0x17318] =	vst v5;
	v3 =	vadd.s32 v3, v4  }
0xae: {  	v2 =	vld.idx.msk [tilespmem:v2+s19+$0x0], $0xffff;
	[tilespmem:s28+$0x16B58] =	vst v3;
	_ =	sdelay $0x5  }
0xaf: {  	v2 =	vmax.f32 v2, $1.000000000e+00;
	v3 =	vld [tilespmem:s28+$0x14C28]  }
0xb0: {  	(erf) = vrcp.f32 v2  }
0xb1: {  	v2 =	vld [tilespmem:s28+$0x153F8];
	_ =	sdelay $0x2  }
0xb2: {  	v3 =	vmul.u32 $0x2710, v3;
	_ =	sdelay $0x1  }
0xb3: {  	v2 =	vadd.s32 v2, v3;
	_ =	sdelay $0x2  }
0xb4: {  	v4 =	vpop (erf)  }
0xb5: {  	[tilespmem:s28+$0x17328] =	vst v4  }
0xb6: {  	v2 =	vld.idx.msk [tilespmem:v2+s19+$0x0], $0xffff;
	_ =	sdelay $0x5  }
0xb7: {  	v2 =	vmax.f32 v2, $1.000000000e+00;
	v4 =	vld [tilespmem:s28+$0x14C38]  }
0xb8: {  	(erf) = vrcp.f32 v2  }
0xb9: {  	v2 =	vld [tilespmem:s28+$0x15408];
	_ =	sdelay $0x1  }
0xba: {  	v5 =	vld [tilespmem:s28+$0x15BC8]  }
0xbb: {  	v4 =	vmul.u32 $0x2710, v4;
	_ =	sdelay $0x1  }
0xbc: {  	v2 =	vadd.s32 v2, v4;
	_ =	sdelay $0x1  }
0xbd: {  	v5 =	vadd.s32 v3, v5  }
0xbe: {  	[tilespmem:s28+$0x16B68] =	vst v5;
	v3 =	vpop (erf)  }
0xbf: {  	[tilespmem:s28+$0x17338] =	vst v3  }
0xc0: {  	v2 =	vld.idx.msk [tilespmem:v2+s19+$0x0], $0xffff;
	_ =	sdelay $0x5  }
0xc1: {  	v2 =	vmax.f32 v2, $1.000000000e+00;
	v3 =	vld [tilespmem:s28+$0x14C48]  }
0xc2: {  	(erf) = vrcp.f32 v2  }
0xc3: {  	v2 =	vld [tilespmem:s28+$0x15418];
	_ =	sdelay $0x1  }
0xc4: {  	v5 =	vld [tilespmem:s28+$0x15BD8]  }
0xc5: {  	v3 =	vmul.u32 $0x2710, v3  }
0xc6: {  	v6 =	vld [tilespmem:s28+$0x15BE8]  }
0xc7: {  	v2 =	vadd.s32 v2, v3;
	_ =	sdelay $0x1  }
0xc8: {  	v5 =	vadd.s32 v4, v5  }
0xc9: {  	[tilespmem:s28+$0x16B78] =	vst v5;
	v4 =	vpop (erf)  }
0xca: {  	[tilespmem:s28+$0x17348] =	vst v4;
	v3 =	vadd.s32 v3, v6  }
0xcb: {  	v2 =	vld.idx.msk [tilespmem:v2+s19+$0x0], $0xffff;
	[tilespmem:s28+$0x16B88] =	vst v3  }
.Ltmp4:
0xcc: {  	(pc) =	sbr.rel @p0 .LBB2_11-.Ltmp4, $2  }
0xcd: {  	_ =	sdelay $0x2  }
0xce: {  	s30 =	sshra.s32 s29, $0x2;
	s29 =	sadd.s32 $0x140, s29  }
0xcf: {  	v3 =	vld [tilespmem:s30+$0x14C08];
	v2 =	vmax.f32 v2, $1.000000000e+00  }
0xd0: {  	(erf) = vrcp.f32 v2  }
0xd1: {  	v2 =	vld [tilespmem:s30+$0x153D8];
	_ =	sdelay $0x2  }
0xd2: {  	v3 =	vmul.u32 $0x2710, v3;
	_ =	sdelay $0x1  }
0xd3: {  	v2 =	vadd.s32 v2, v3;
	_ =	sdelay $0x2  }
0xd4: {  	v5 =	vpop (erf)  }
0xd5: {  	v4 =	vld [tilespmem:s30+$0x15BA8];
	[tilespmem:s28+$0x17358] =	vst v5  }
0xd6: {  	v2 =	vld.idx.msk [tilespmem:v2+s19+$0x0], $0xffff;
	_ =	sdelay $0x3  }
0xd7: {  	v3 =	vadd.s32 v3, v4  }
0xd8: {  	[tilespmem:s30+$0x16B48] =	vst v3;
	v3 =	vld [tilespmem:s30+$0x14C18];
	v2 =	vmax.f32 v2, $1.000000000e+00  }
0xd9: {  	(erf) = vrcp.f32 v2  }
0xda: {  	v2 =	vld [tilespmem:s30+$0x153E8];
	_ =	sdelay $0x2  }
0xdb: {  	v3 =	vmul.u32 $0x2710, v3;
	_ =	sdelay $0x1  }
0xdc: {  	v2 =	vadd.s32 v2, v3;
	_ =	sdelay $0x2  }
0xdd: {  	v58 =	vpop (erf)  }
0xde: {  	v57 =	vld [tilespmem:s30+$0x15BB8];
	[tilespmem:s30+$0x17318] =	vst v58  }
0xdf: {  	v2 =	vld.idx.msk [tilespmem:v2+s19+$0x0], $0xffff;
	_ =	sdelay $0x3  }
0xe0: {  	v3 =	vadd.s32 v3, v57  }
0xe1: {  	[tilespmem:s30+$0x16B58] =	vst v3;
	v3 =	vld [tilespmem:s30+$0x14C28];
	v2 =	vmax.f32 v2, $1.000000000e+00  }
0xe2: {  	(erf) = vrcp.f32 v2  }
0xe3: {  	v2 =	vld [tilespmem:s30+$0x153F8];
	_ =	sdelay $0x2  }
0xe4: {  	v3 =	vmul.u32 $0x2710, v3;
	_ =	sdelay $0x1  }
0xe5: {  	v2 =	vadd.s32 v2, v3;
	_ =	sdelay $0x2  }
0xe6: {  	v59 =	vpop (erf)  }
0xe7: {  	[tilespmem:s30+$0x17328] =	vst v59  }
0xe8: {  	v2 =	vld.idx.msk [tilespmem:v2+s19+$0x0], $0xffff;
	_ =	sdelay $0x4  }
0xe9: {  	v60 =	vld [tilespmem:s30+$0x14C38];
	v2 =	vmax.f32 v2, $1.000000000e+00  }
0xea: {  	v61 =	vld [tilespmem:s30+$0x15BC8];
	(erf) = vrcp.f32 v2  }
0xeb: {  	v2 =	vld [tilespmem:s30+$0x15408];
	_ =	sdelay $0x2  }
0xec: {  	v4 =	vmul.u32 $0x2710, v60;
	_ =	sdelay $0x1  }
0xed: {  	v3 =	vadd.s32 v3, v61;
	v2 =	vadd.s32 v2, v4;
	_ =	sdelay $0x2  }
0xee: {  	[tilespmem:s30+$0x16B68] =	vst v3;
	v3 =	vpop (erf)  }
0xef: {  	[tilespmem:s30+$0x17338] =	vst v3  }
0xf0: {  	v2 =	vld.idx.msk [tilespmem:v2+s19+$0x0], $0xffff;
	_ =	sdelay $0x4  }
0xf1: {  	v3 =	vld [tilespmem:s30+$0x14C48];
	v2 =	vmax.f32 v2, $1.000000000e+00  }
0xf2: {  	(erf) = vrcp.f32 v2  }
0xf3: {  	v2 =	vld [tilespmem:s30+$0x15418];
	_ =	sdelay $0x1  }
0xf4: {  	v62 =	vld [tilespmem:s30+$0x15BD8]  }
0xf5: {  	v3 =	vmul.u32 $0x2710, v3;
	_ =	sdelay $0x1  }
0xf6: {  	v2 =	vadd.s32 v2, v3;
	_ =	sdelay $0x1  }
0xf7: {  	v4 =	vadd.s32 v4, v62  }
0xf8: {  	[tilespmem:s30+$0x16B78] =	vst v4;
	v63 =	vpop (erf)  }
0xf9: {  	[tilespmem:s30+$0x17348] =	vst v63  }
0xfa: {  	v2 =	vld.idx.msk [tilespmem:v2+s19+$0x0], $0xffff;
	_ =	sdelay $0x4  }
0xfb: {  	v2 =	vmax.f32 v2, $1.000000000e+00  }
0xfc: {  	(erf) = vrcp.f32 v2  }
0xfd: {  	v6 =	vld [tilespmem:s30+$0x15BE8];
	_ =	sdelay $0x4  }
0xfe: {  	v2 =	vadd.s32 v3, v6;
	_ =	sdelay $0x2  }
0xff: {  	[tilespmem:s30+$0x16B88] =	vst v2;
	v2 =	vpop (erf)  }
0x100: {  	[tilespmem:s30+$0x17358] =	vst v2;
	s30 =	sadd.s32 s7, s26  }
0x101: {  	[hbm4b:s30+s4] =	stream.linear.scatter [tilespmem:s21], [sflag:$0x1], $0x7D0, $0x38;
	[tilespmem:$0x18EC8] =	vst v63  }
0x102: {  	s25 =	sadd.s32 $0x1, s25;
	_ =	swait.ge [sflag:s14], $0x7D0  }
0x103: {  	p0 =	sne.s32 s25, $0x5;
	[sflag:s14] =	ssyncset.done $0x0  }
.Ltmp5:
0x104: {  	s31 =	sadd.s32 s8, s26;
	[sflag:s14] =	ssyncadd.s32 $0xFFFFF830;
	(pc) =	sbr.rel @p0 .LBB2_10-.Ltmp5, $4  }
0x105: {  	[hbm4b:s31+s4] =	stream.linear.scatter [tilespmem:s22], [sflag:$0x1], $0x7D0, $0x38;
	[tilespmem:$0x18EC8] =	vst v63  }
0x106: {  	_ =	swait.ge [sflag:s14], $0x7D0  }
0x107: {  	[sflag:s14] =	ssyncset.done $0x0  }
0x108: {  	[sflag:s14] =	ssyncadd.s32 $0xFFFFF830  }
0x109: {  	s23 =	sadd.s32 $0x1, s23  }
0x10a: {  	p0 =	sne.s32 s23, s12  }
.Ltmp6:
0x10b: {  	_ = 	snop;
	(pc) =	sbr.rel @p0 .LBB2_1-.Ltmp6, $1  }
0x10c: {  	_ =	sdelay $0x3  }
0x10d: {  	_ =	sfence.sel $0x180000  }
0x10e: {  	[bflag:$0x0] =	sbarrier.arrive $0xFFFF  }
0x10f: {  	p0 =	sne.s32 s5, $0x0;
	_ =	strace $0x90000047  }
0x110: {  	s0 =	sadd.s32 @!p0 $0x100000, s0;
	[bflag:$0x2] =	sbarrier.arrive $0xFFFF  }
0x111: {  	[sflag:s0] =	ssyncadd.tile.s32 @!p0 $0x1;
	_ =	shalt  }
.Lfunc_end2:
_tile_overlayer_lowered:
.L_overlay_start_2:
0x112: {  	(tag) =	ssettag $0x2  }
0x113: {  	s0 =	rddreg [dreg:$0x0];
	s2 =	stileid.u32  }
0x114: {  	s1 =	rddreg [dreg:$0x1];
	p0 =	sne.s32 s2, $0x0  }
0x115: {  	s3 =	rddreg [dreg:$0x2];
	[bflag:$0x3] =	sbarrier.arrive $0xFFFF;
	s2 =	simm.s32 @!p0 $0x1C01  }
0x116: {  	[timem:s3], [sflag:s2] =	dma.local @!p0 [hbm:s0], s1  }
0x117: {  	s0 =	simm.s32 @!p0 $0x1  }
0x118: {  	_ =	swait.ge @!p0 [sflag:s0], s1  }
0x119: {  	s1 =	ssub.s32 @!p0 $0x0, s1;
	[sflag:s0] =	ssyncset.done @!p0 $0x0  }
0x11a: {  	[sflag:s0] =	ssyncadd.s32 @!p0 s1  }
0x11b: {  	[bflag:$0x3] =	sbarrier.arrive $0xFFFF  }
0x11c: {  	_ =	shalt  }

</sc_bundles>
